<compile_context>
chip_gen: v7x
topology: tpu7x:2x2x1
jax: 0.10.2.dev20260603
libtpu: 0.0.44.dev20260713+nightly
codegen_flags: <defaults>
</compile_context>

<pallas_src>
import functools

import jax
import jax.numpy as jnp
from jax import lax
from jax.experimental import pallas as pl
from jax.experimental.pallas import tpu as pltpu
from jax.experimental.pallas import tpu_sc as plsc

NSEG = 1024
R = 10000
NW = 32
SPW = NSEG // NW
CH = 112


def _ex_body(x_ref, w1_ref, b1_ref, w2_ref, ex_ref):
    xb = x_ref[...]
    h = jnp.dot(xb, w1_ref[...], preferred_element_type=jnp.float32)
    h = h + b1_ref[...]
    h = 0.5 * h * (1.0 + lax.erf(h * 0.7071067811865476))
    logits = jnp.sum(h * w2_ref[...], axis=1)
    ex_ref[0, 0, :] = jnp.exp(logits)


def _sc_body(n_rows, x_hbm, ex_hbm, b_hbm, bnd_hbm, out_hbm,
             xbuf0, xbuf1, exb0, exb1, idxb0, idxb1, bndb, acc, den,
             sem0, sem1):
    cid = lax.axis_index("c")
    sid = lax.axis_index("s")
    w = sid * 2 + cid
    sbase = w * SPW

    iota16 = lax.iota(jnp.int32, 16)
    e0 = (iota16 == 0).astype(jnp.float32)
    zero16 = jnp.zeros((16,), jnp.float32)

    @plsc.parallel_loop(0, SPW * 128, step=16)
    def _zacc(i):
        acc[pl.ds(i, 16)] = zero16

    @plsc.parallel_loop(0, SPW * 16, step=16)
    def _zden(i):
        den[pl.ds(i, 16)] = zero16

    pltpu.sync_copy(bnd_hbm, bndb)
    lo = jnp.max(plsc.load_gather(bndb, [jnp.full((16,), w, jnp.int32)]))
    hi = jnp.max(plsc.load_gather(bndb, [jnp.full((16,), w + 1, jnp.int32)]))
    c0 = lo // CH
    c1 = (hi + CH - 1) // CH

    def start_dma(c, xb, eb, ib, sem):
        row0 = jnp.minimum(c * CH, n_rows - CH)
        pltpu.async_copy(x_hbm.at[pl.ds(row0, CH)], xb, sem)
        pltpu.async_copy(ex_hbm.at[pl.ds(row0, CH)], eb, sem)
        pltpu.async_copy(b_hbm.at[pl.ds(row0, CH)], ib, sem)

    def wait_dma(c, xb, eb, ib, sem):
        row0 = jnp.minimum(c * CH, n_rows - CH)
        pltpu.make_async_copy(x_hbm.at[pl.ds(row0, CH)], xb, sem).wait()
        pltpu.make_async_copy(ex_hbm.at[pl.ds(row0, CH)], eb, sem).wait()
        pltpu.make_async_copy(b_hbm.at[pl.ds(row0, CH)], ib, sem).wait()

    def compute(c, xb, eb, ib):
        row0 = jnp.minimum(c * CH, n_rows - CH)
        win_lo = jnp.maximum(lo, c * CH)
        win_hi = jnp.minimum(hi, c * CH + CH)
        lov = jnp.full((16,), win_lo, jnp.int32)
        hiv = jnp.full((16,), win_hi, jnp.int32)
        sbv = jnp.full((16,), sbase, jnp.int32)
        r0v = jnp.full((16,), row0, jnp.int32) + iota16

        @plsc.parallel_loop(0, CH, step=16)
        def _prep(i):
            iv = jnp.full((16,), i, jnp.int32)
            rowv = r0v + iv
            validf = ((rowv >= lov) & (rowv < hiv)).astype(jnp.float32)
            segv = ib[pl.ds(i, 16)] - sbv
            segv = jnp.minimum(jnp.maximum(segv, 0), SPW - 1) * 128
            eb[pl.ds(i, 16)] = eb[pl.ds(i, 16)] * validf
            ib[pl.ds(i, 16)] = segv

        @plsc.parallel_loop(0, CH, step=1, unroll=8)
        def _rows(r):
            rr = jnp.full((16,), r, jnp.int32)
            soff = plsc.load_gather(ib, [rr])
            exvb = plsc.load_gather(eb, [rr])
            for j in range(8):
                plsc.addupdate_scatter(
                    acc, [soff + (iota16 + j * 16)],
                    xb[r, pl.ds(j * 16, 16)] * exvb)
            plsc.addupdate_scatter(
                den, [jnp.right_shift(soff, 3) + iota16], exvb * e0)

    slots = ((xbuf0, exb0, idxb0, sem0),
             (xbuf1, exb1, idxb1, sem1))

    @pl.when(c0 < c1)
    def _prime():
        start_dma(c0, *slots[0])

    def pair(p, _):
        cA = c0 + 2 * p
        wait_dma(cA, *slots[0])

        @pl.when(cA + 1 < c1)
        def _nextB():
            start_dma(cA + 1, *slots[1])

        compute(cA, *slots[0][:3])

        @pl.when(cA + 1 < c1)
        def _doB():
            wait_dma(cA + 1, *slots[1])

            @pl.when(cA + 2 < c1)
            def _nextA():
                start_dma(cA + 2, *slots[0])

            compute(cA + 1, *slots[1][:3])
        return 0

    lax.fori_loop(0, (c1 - c0 + 1) // 2, pair, 0)

    one16 = jnp.ones((16,), jnp.float32)

    def norm(s, _):
        dv = plsc.load_gather(den, [jnp.full((16,), s * 16, jnp.int32)])
        q = one16 / jnp.where(dv > 0, dv, one16)
        for j in range(8):
            sl = pl.ds(s * 128 + j * 16, 16)
            acc[sl] = acc[sl] * q
        return 0

    lax.fori_loop(0, SPW, norm, 0)
    pltpu.sync_copy(acc, out_hbm.at[pl.ds(sbase * 128, SPW * 128)])


def kernel(x, batch, W1, b1, W2, b2):
    n, d = x.shape
    nb = n // R
    bnd = jnp.searchsorted(batch.astype(jnp.int32),
                           jnp.arange(0, NSEG + SPW, SPW,
                                      dtype=jnp.int32)).astype(jnp.int32)
    bnd = jnp.pad(bnd, (0, 40 - bnd.shape[0]))

    ex3 = pl.pallas_call(
        _ex_body,
        grid=(nb,),
        in_specs=[
            pl.BlockSpec((R, d), lambda i: (i, 0)),
            pl.BlockSpec(W1.shape, lambda i: (0, 0)),
            pl.BlockSpec((1, b1.shape[0]), lambda i: (0, 0)),
            pl.BlockSpec((1, W2.shape[0]), lambda i: (0, 0)),
        ],
        out_specs=pl.BlockSpec((1, 1, R), lambda i: (i, 0, 0)),
        out_shape=jax.ShapeDtypeStruct((nb, 1, R), jnp.float32),
    )(x, W1, b1[None, :], W2.T)
    exf = ex3.reshape(n)

    mesh = plsc.VectorSubcoreMesh(core_axis_name="c", subcore_axis_name="s")
    pooled = pl.kernel(
        functools.partial(_sc_body, n),
        out_type=jax.ShapeDtypeStruct((NSEG * d,), jnp.float32),
        mesh=mesh,
        scratch_types=[
            pltpu.VMEM((CH, 128), jnp.float32),
            pltpu.VMEM((CH, 128), jnp.float32),
            pltpu.VMEM((CH,), jnp.float32),
            pltpu.VMEM((CH,), jnp.float32),
            pltpu.VMEM((CH,), jnp.int32),
            pltpu.VMEM((CH,), jnp.int32),
            pltpu.VMEM((40,), jnp.int32),
            pltpu.VMEM((SPW * 128,), jnp.float32),
            pltpu.VMEM((SPW * 16,), jnp.float32),
            pltpu.SemaphoreType.DMA,
            pltpu.SemaphoreType.DMA,
        ],
        compiler_params=pltpu.CompilerParams(needs_layout_passes=False),
    )(x, exf, batch.astype(jnp.int32), bnd)
    return pooled.reshape(NSEG, d)

# --- scband reference (transcript-rebuilt; emitter-appended) ---
"""Pipeline reference for scband-attention-pooling-46651934769555 (READ-ONLY COPY).

The authoritative reference and input builder live on the scoring server;
editing this copy changes nothing except your own understanding.
"""

import jax, jax.numpy as jnp
import numpy as np

NUM_SEGMENTS = 1024


def setup_inputs(seed: int = 0) -> dict:
    key = jax.random.key(seed)
    k_x, k_b, k_w1, k_b1, k_w2, k_b2 = jax.random.split(key, 6)
    N, D = 100000, 128
    H = D // 2
    x = jax.random.normal(k_x, (N, D), dtype=jnp.float32)
    batch = jnp.sort(jax.random.randint(k_b, (N,), 0, NUM_SEGMENTS, dtype=jnp.int64))
    # attention MLP params: Linear(D -> D//2), gelu, Linear(D//2 -> 1)
    lim1 = 1.0 / np.sqrt(D)
    lim2 = 1.0 / np.sqrt(H)
    W1 = jax.random.uniform(k_w1, (D, H), dtype=jnp.float32, minval=-lim1, maxval=lim1)
    b1 = jax.random.uniform(k_b1, (H,), dtype=jnp.float32, minval=-lim1, maxval=lim1)
    W2 = jax.random.uniform(k_w2, (H, 1), dtype=jnp.float32, minval=-lim2, maxval=lim2)
    b2 = jax.random.uniform(k_b2, (1,), dtype=jnp.float32, minval=-lim2, maxval=lim2)
    return {"x": x, "batch": batch, "W1": W1, "b1": b1, "W2": W2, "b2": b2}


def reference(x, batch, W1, b1, W2, b2):
    # attention MLP (dropout layers are identity in eval mode)
    h = jax.nn.gelu(x @ W1 + b1, approximate=False)
    attn_logits = (h @ W2 + b2)[:, 0]
    # scatter_softmax over segments
    seg_max = jax.ops.segment_max(attn_logits, batch, num_segments=NUM_SEGMENTS)
    seg_max = jax.lax.stop_gradient(seg_max)
    shifted = attn_logits - seg_max[batch]
    ex = jnp.exp(shifted)
    denom = jax.ops.segment_sum(ex, batch, num_segments=NUM_SEGMENTS)
    attn_weights = ex / denom[batch]
    # weighted scatter-sum pooling
    weighted_x = x * attn_weights[:, None]
    pooled = jax.ops.segment_sum(weighted_x, batch, num_segments=NUM_SEGMENTS)
    return pooled

if __name__ == "__main__":
    import jax
    _d = setup_inputs()
    print(jax.jit(kernel)(*tuple(_d.values())))

</pallas_src>

<mosaic_0001>
#map = affine_map<(d0, d1) -> (0, 0)>
#map1 = affine_map<(d0, d1) -> (0)>
module attributes {stable_mosaic.version = 14 : i64} {
  func.func @_sc_body(%arg0: i32, %arg1: i32, %arg2: memref<100000x128xf32, #tpu.memory_space<hbm>>, %arg3: memref<100000xf32, #tpu.memory_space<hbm>>, %arg4: memref<100000xi32, #tpu.memory_space<hbm>>, %arg5: memref<40xi32, #tpu.memory_space<hbm>>, %arg6: memref<131072xf32, #tpu.memory_space<hbm>>, %arg7: memref<112x128xf32, #tpu.memory_space<vmem>>, %arg8: memref<112x128xf32, #tpu.memory_space<vmem>>, %arg9: memref<112xf32, #tpu.memory_space<vmem>>, %arg10: memref<112xf32, #tpu.memory_space<vmem>>, %arg11: memref<112xi32, #tpu.memory_space<vmem>>, %arg12: memref<112xi32, #tpu.memory_space<vmem>>, %arg13: memref<40xi32, #tpu.memory_space<vmem>>, %arg14: memref<4096xf32, #tpu.memory_space<vmem>>, %arg15: memref<512xf32, #tpu.memory_space<vmem>>, %arg16: memref<!tpu.dma_semaphore, #tpu.memory_space<semaphore_mem>>, %arg17: memref<!tpu.dma_semaphore, #tpu.memory_space<semaphore_mem>>) attributes {dimension_semantics = [#tpu.dimension_semantics<core_parallel>, #tpu.dimension_semantics<subcore_parallel>], iteration_bounds = array<i64: 2, 16>, scalar_prefetch = 0 : i64, scratch_operands = 11 : i64, tpu.core_type = #tpu.core_type<sc_vector_subcore>, window_params = [{transform_indices = #map}, {transform_indices = #map1}, {transform_indices = #map1}, {transform_indices = #map1}, {transform_indices = #map1}]} {
    %mul3A = arith.constant 2 : i32
    %mul3A_0 = arith.muli %arg1, %mul3A : i32
    %add3A = arith.addi %mul3A_0, %arg0 : i32
    %mul3A_1 = arith.constant 32 : i32
    %mul3A_2 = arith.muli %add3A, %mul3A_1 : i32
    %iota3A = tpu.iota {dimensions = array<i32: 0>} : vector<16xi32>
    %eq3A = arith.constant 0 : i32
    %eq3A_3 = vector.broadcast %eq3A : i32 to vector<16xi32>
    %eq3A_4 = arith.cmpi eq, %iota3A, %eq3A_3 : vector<16xi32>
    %convert_element_type3A = arith.extui %eq3A_4 : vector<16xi1> to vector<16xi32>
    %convert_element_type3A_5 = arith.sitofp %convert_element_type3A : vector<16xi32> to vector<16xf32>
    %broadcast_in_dim3A = arith.constant 0.000000e+00 : f32
    %broadcast_in_dim3A_6 = vector.broadcast %broadcast_in_dim3A : f32 to vector<16xf32>
    %parallel_loop3A = arith.constant 0 : i32
    %parallel_loop3A_7 = arith.constant 4096 : i32
    %parallel_loop3A_8 = arith.constant 16 : i32
    scf.for %parallel_loop3A_126 = %parallel_loop3A to %parallel_loop3A_7 step %parallel_loop3A_8  : i32 {
      %parallel_loop3A_127 = arith.index_cast %parallel_loop3A_126 : i32 to index
      %parallel_loop3A_128 = tpu.vector_load %arg14[%parallel_loop3A_127] {strides = array<i32>} : memref<4096xf32, #tpu.memory_space<vmem>>, vector<16xf32>,
      tpu.vector_store %arg14[%parallel_loop3A_127], %broadcast_in_dim3A_6 {strides = array<i32>} : memref<4096xf32, #tpu.memory_space<vmem>>, vector<16xf32>,
    } {sc.loop_unroll_factor = 1 : i64, sc.parallel_access}
    %parallel_loop3A_9 = arith.constant 0 : i32
    %parallel_loop3A_10 = arith.constant 512 : i32
    %parallel_loop3A_11 = arith.constant 16 : i32
    scf.for %parallel_loop3A_126 = %parallel_loop3A_9 to %parallel_loop3A_10 step %parallel_loop3A_11  : i32 {
      %parallel_loop3A_127 = arith.index_cast %parallel_loop3A_126 : i32 to index
      %parallel_loop3A_128 = tpu.vector_load %arg15[%parallel_loop3A_127] {strides = array<i32>} : memref<512xf32, #tpu.memory_space<vmem>>, vector<16xf32>,
      tpu.vector_store %arg15[%parallel_loop3A_127], %broadcast_in_dim3A_6 {strides = array<i32>} : memref<512xf32, #tpu.memory_space<vmem>>, vector<16xf32>,
    } {sc.loop_unroll_factor = 1 : i64, sc.parallel_access}
    "tpu.region"() ({
      %run_scoped3A = tpu.sem_alloc : memref<!tpu.dma_semaphore, #tpu.memory_space<semaphore_mem>>
      tpu.enqueue_dma source(%arg5 : memref<40xi32, #tpu.memory_space<hbm>>) target(%arg13 : memref<40xi32, #tpu.memory_space<vmem>>) target_semaphore(%run_scoped3A : memref<!tpu.dma_semaphore, #tpu.memory_space<semaphore_mem>>)
      tpu.wait_dma2 semaphore(%run_scoped3A : memref<!tpu.dma_semaphore, #tpu.memory_space<semaphore_mem>>) src(%arg5 : memref<40xi32, #tpu.memory_space<hbm>>) dst(%arg13 : memref<40xi32, #tpu.memory_space<vmem>>)
      tpu.yield
    }) : () -> ()
    %broadcast_in_dim3A_12 = vector.broadcast %add3A : i32 to vector<16xi32>
    %gather3A = tpu.vector_load_idx %arg13[%broadcast_in_dim3A_12] : memref<40xi32, #tpu.memory_space<vmem>>[vector<16xi32>], vector<16xi32>,
    %reduce_max3A = arith.constant true
    %reduce_max3A_13 = vector.broadcast %reduce_max3A : i1 to vector<16xi1>
    %reduce_max3A_14 = arith.constant -2147483648 : i32
    %reduce_max3A_15 = vector.broadcast %reduce_max3A_14 : i32 to vector<16xi32>
    %reduce_max3A_16 = arith.xori %gather3A, %reduce_max3A_15 : vector<16xi32>
    %reduce_max3A_17 = tpu.scan <max>, %reduce_max3A_16 masked %reduce_max3A_13 : vector<16xi32>, vector<16xi1> -> vector<16xi32>
    %reduce_max3A_18 = arith.xori %reduce_max3A_17, %reduce_max3A_15 : vector<16xi32>
    %reduce_max3A_19 = vector.extract %reduce_max3A_18[15] : i32 from vector<16xi32>
    %add3A_20 = arith.constant 1 : i32
    %add3A_21 = arith.addi %add3A, %add3A_20 : i32
    %broadcast_in_dim3A_22 = vector.broadcast %add3A_21 : i32 to vector<16xi32>
    %gather3A_23 = tpu.vector_load_idx %arg13[%broadcast_in_dim3A_22] : memref<40xi32, #tpu.memory_space<vmem>>[vector<16xi32>], vector<16xi32>,
    %reduce_max3A_24 = arith.constant true
    %reduce_max3A_25 = vector.broadcast %reduce_max3A_24 : i1 to vector<16xi1>
    %reduce_max3A_26 = arith.constant -2147483648 : i32
    %reduce_max3A_27 = vector.broadcast %reduce_max3A_26 : i32 to vector<16xi32>
    %reduce_max3A_28 = arith.xori %gather3A_23, %reduce_max3A_27 : vector<16xi32>
    %reduce_max3A_29 = tpu.scan <max>, %reduce_max3A_28 masked %reduce_max3A_25 : vector<16xi32>, vector<16xi1> -> vector<16xi32>
    %reduce_max3A_30 = arith.xori %reduce_max3A_29, %reduce_max3A_27 : vector<16xi32>
    %reduce_max3A_31 = vector.extract %reduce_max3A_30[15] : i32 from vector<16xi32>
    %jit3A = arith.constant 112 : i32
    %div3A = arith.divsi %reduce_max3A_19, %jit3A : i32
    %sign3A = arith.constant 0 : i32
    %sign3A_32 = arith.cmpi sgt, %reduce_max3A_19, %sign3A : i32
    %sign3A_33 = arith.extui %sign3A_32 : i1 to i32
    %sign3A_34 = arith.constant 0 : i32
    %sign3A_35 = arith.cmpi slt, %reduce_max3A_19, %sign3A_34 : i32
    %sign3A_36 = arith.extui %sign3A_35 : i1 to i32
    %sign3A_37 = arith.subi %sign3A_33, %sign3A_36 : i32
    %sign3A_38 = arith.constant 0 : i32
    %sign3A_39 = arith.cmpi sgt, %jit3A, %sign3A_38 : i32
    %sign3A_40 = arith.extui %sign3A_39 : i1 to i32
    %sign3A_41 = arith.constant 0 : i32
    %sign3A_42 = arith.cmpi slt, %jit3A, %sign3A_41 : i32
    %sign3A_43 = arith.extui %sign3A_42 : i1 to i32
    %sign3A_44 = arith.subi %sign3A_40, %sign3A_43 : i32
    %ne3A = arith.cmpi ne, %sign3A_37, %sign3A_44 : i32
    %rem3A = arith.remsi %reduce_max3A_19, %jit3A : i32
    %ne3A_45 = arith.constant 0 : i32
    %ne3A_46 = arith.cmpi ne, %rem3A, %ne3A_45 : i32
    %and3A = arith.andi %ne3A, %ne3A_46 : i1
    %sub3A = arith.constant 1 : i32
    %sub3A_47 = arith.subi %div3A, %sub3A : i32
    %select_n3A = arith.select %and3A, %sub3A_47, %div3A : i32
    %add3A_48 = arith.constant 112 : i32
    %add3A_49 = arith.addi %reduce_max3A_31, %add3A_48 : i32
    %sub3A_50 = arith.constant 1 : i32
    %sub3A_51 = arith.subi %add3A_49, %sub3A_50 : i32
    %jit3A_52 = arith.constant 112 : i32
    %div3A_53 = arith.divsi %sub3A_51, %jit3A_52 : i32
    %sign3A_54 = arith.constant 0 : i32
    %sign3A_55 = arith.cmpi sgt, %sub3A_51, %sign3A_54 : i32
    %sign3A_56 = arith.extui %sign3A_55 : i1 to i32
    %sign3A_57 = arith.constant 0 : i32
    %sign3A_58 = arith.cmpi slt, %sub3A_51, %sign3A_57 : i32
    %sign3A_59 = arith.extui %sign3A_58 : i1 to i32
    %sign3A_60 = arith.subi %sign3A_56, %sign3A_59 : i32
    %sign3A_61 = arith.constant 0 : i32
    %sign3A_62 = arith.cmpi sgt, %jit3A_52, %sign3A_61 : i32
    %sign3A_63 = arith.extui %sign3A_62 : i1 to i32
    %sign3A_64 = arith.constant 0 : i32
    %sign3A_65 = arith.cmpi slt, %jit3A_52, %sign3A_64 : i32
    %sign3A_66 = arith.extui %sign3A_65 : i1 to i32
    %sign3A_67 = arith.subi %sign3A_63, %sign3A_66 : i32
    %ne3A_68 = arith.cmpi ne, %sign3A_60, %sign3A_67 : i32
    %rem3A_69 = arith.remsi %sub3A_51, %jit3A_52 : i32
    %ne3A_70 = arith.constant 0 : i32
    %ne3A_71 = arith.cmpi ne, %rem3A_69, %ne3A_70 : i32
    %and3A_72 = arith.andi %ne3A_68, %ne3A_71 : i1
    %sub3A_73 = arith.constant 1 : i32
    %sub3A_74 = arith.subi %div3A_53, %sub3A_73 : i32
    %select_n3A_75 = arith.select %and3A_72, %sub3A_74, %div3A_53 : i32
    %lt3A = arith.cmpi slt, %select_n3A, %select_n3A_75 : i32
    %convert_element_type3A_76 = arith.extui %lt3A : i1 to i32
    %cond3A = arith.constant 0 : i32
    %cond3A_77 = arith.cmpi ne, %convert_element_type3A_76, %cond3A : i32
    scf.if %cond3A_77 {
      %mul3A_126 = arith.constant 112 : i32
      %mul3A_127 = arith.muli %select_n3A, %mul3A_126 : i32
      %min3A = arith.constant 99888 : i32
      %min3A_128 = arith.minsi %mul3A_127, %min3A : i32
      %dma_start3A = arith.constant 0 : i32
      %dma_start3A_129 = tpu.memref_slice %arg2[%min3A_128, %dma_start3A] : memref<100000x128xf32, #tpu.memory_space<hbm>> -> memref<112x128xf32, #tpu.memory_space<hbm>>
      %dma_start3A_130 = arith.constant 0 : i32
      %dma_start3A_131 = tpu.memref_slice %arg2[%min3A_128, %dma_start3A_130] : memref<100000x128xf32, #tpu.memory_space<hbm>> -> memref<112x128xf32, #tpu.memory_space<hbm>>
      tpu.enqueue_dma source(%dma_start3A_131 : memref<112x128xf32, #tpu.memory_space<hbm>>) target(%arg7 : memref<112x128xf32, #tpu.memory_space<vmem>>) target_semaphore(%arg16 : memref<!tpu.dma_semaphore, #tpu.memory_space<semaphore_mem>>)
      %dma_start3A_132 = tpu.memref_slice %arg3[%min3A_128] : memref<100000xf32, #tpu.memory_space<hbm>> -> memref<112xf32, #tpu.memory_space<hbm>>
      %dma_start3A_133 = tpu.memref_slice %arg3[%min3A_128] : memref<100000xf32, #tpu.memory_space<hbm>> -> memref<112xf32, #tpu.memory_space<hbm>>
      tpu.enqueue_dma source(%dma_start3A_133 : memref<112xf32, #tpu.memory_space<hbm>>) target(%arg9 : memref<112xf32, #tpu.memory_space<vmem>>) target_semaphore(%arg16 : memref<!tpu.dma_semaphore, #tpu.memory_space<semaphore_mem>>)
      %dma_start3A_134 = tpu.memref_slice %arg4[%min3A_128] : memref<100000xi32, #tpu.memory_space<hbm>> -> memref<112xi32, #tpu.memory_space<hbm>>
      %dma_start3A_135 = tpu.memref_slice %arg4[%min3A_128] : memref<100000xi32, #tpu.memory_space<hbm>> -> memref<112xi32, #tpu.memory_space<hbm>>
      tpu.enqueue_dma source(%dma_start3A_135 : memref<112xi32, #tpu.memory_space<hbm>>) target(%arg11 : memref<112xi32, #tpu.memory_space<vmem>>) target_semaphore(%arg16 : memref<!tpu.dma_semaphore, #tpu.memory_space<semaphore_mem>>)
    } else {
    }
    %sub3A_78 = arith.subi %select_n3A_75, %select_n3A : i32
    %add3A_79 = arith.constant 1 : i32
    %add3A_80 = arith.addi %sub3A_78, %add3A_79 : i32
    %jit3A_81 = arith.constant 2 : i32
    %div3A_82 = arith.divsi %add3A_80, %jit3A_81 : i32
    %sign3A_83 = arith.constant 0 : i32
    %sign3A_84 = arith.cmpi sgt, %add3A_80, %sign3A_83 : i32
    %sign3A_85 = arith.extui %sign3A_84 : i1 to i32
    %sign3A_86 = arith.constant 0 : i32
    %sign3A_87 = arith.cmpi slt, %add3A_80, %sign3A_86 : i32
    %sign3A_88 = arith.extui %sign3A_87 : i1 to i32
    %sign3A_89 = arith.subi %sign3A_85, %sign3A_88 : i32
    %sign3A_90 = arith.constant 0 : i32
    %sign3A_91 = arith.cmpi sgt, %jit3A_81, %sign3A_90 : i32
    %sign3A_92 = arith.extui %sign3A_91 : i1 to i32
    %sign3A_93 = arith.constant 0 : i32
    %sign3A_94 = arith.cmpi slt, %jit3A_81, %sign3A_93 : i32
    %sign3A_95 = arith.extui %sign3A_94 : i1 to i32
    %sign3A_96 = arith.subi %sign3A_92, %sign3A_95 : i32
    %ne3A_97 = arith.cmpi ne, %sign3A_89, %sign3A_96 : i32
    %rem3A_98 = arith.remsi %add3A_80, %jit3A_81 : i32
    %ne3A_99 = arith.constant 0 : i32
    %ne3A_100 = arith.cmpi ne, %rem3A_98, %ne3A_99 : i32
    %and3A_101 = arith.andi %ne3A_97, %ne3A_100 : i1
    %sub3A_102 = arith.constant 1 : i32
    %sub3A_103 = arith.subi %div3A_82, %sub3A_102 : i32
    %select_n3A_104 = arith.select %and3A_101, %sub3A_103, %div3A_82 : i32
    %while3A = arith.constant 0 : i32
    %while3A_105 = arith.constant 0 : i32
    %while3A_106 = arith.subi %select_n3A_104, %while3A : i32
    %while3A_107 = arith.addi %while3A, %while3A_106 : i32
    %while3A_108 = arith.constant 1 : i32
    %while3A_109 = arith.divsi %while3A_106, %while3A_108 : i32
    %while3A_110 = arith.muli %while3A_109, %while3A_108 : i32
    %while3A_111 = arith.addi %while3A, %while3A_110 : i32
    %while3A_112 = arith.constant 1 : i32
    %while3A_113 = scf.for %while3A_126 = %while3A to %while3A_111 step %while3A_112 iter_args(%while3A_127 = %while3A_105) -> (i32)  : i32 {
      %mul3A_128 = arith.constant 2 : i32
      %mul3A_129 = arith.muli %mul3A_128, %while3A_126 : i32
      %add3A_130 = arith.addi %select_n3A, %mul3A_129 : i32
      %mul3A_131 = arith.constant 112 : i32
      %mul3A_132 = arith.muli %add3A_130, %mul3A_131 : i32
      %min3A = arith.constant 99888 : i32
      %min3A_133 = arith.minsi %mul3A_132, %min3A : i32
      %dma_wait3A = arith.constant 0 : i32
      %dma_wait3A_134 = tpu.memref_slice %arg2[%min3A_133, %dma_wait3A] : memref<100000x128xf32, #tpu.memory_space<hbm>> -> memref<112x128xf32, #tpu.memory_space<hbm>>
      %dma_wait3A_135 = arith.constant 0 : i32
      %dma_wait3A_136 = tpu.memref_slice %arg2[%min3A_133, %dma_wait3A_135] : memref<100000x128xf32, #tpu.memory_space<hbm>> -> memref<112x128xf32, #tpu.memory_space<hbm>>
      tpu.wait_dma2 semaphore(%arg16 : memref<!tpu.dma_semaphore, #tpu.memory_space<semaphore_mem>>) src(%dma_wait3A_136 : memref<112x128xf32, #tpu.memory_space<hbm>>) dst(%arg7 : memref<112x128xf32, #tpu.memory_space<vmem>>)
      %dma_wait3A_137 = tpu.memref_slice %arg3[%min3A_133] : memref<100000xf32, #tpu.memory_space<hbm>> -> memref<112xf32, #tpu.memory_space<hbm>>
      %dma_wait3A_138 = tpu.memref_slice %arg3[%min3A_133] : memref<100000xf32, #tpu.memory_space<hbm>> -> memref<112xf32, #tpu.memory_space<hbm>>
      tpu.wait_dma2 semaphore(%arg16 : memref<!tpu.dma_semaphore, #tpu.memory_space<semaphore_mem>>) src(%dma_wait3A_138 : memref<112xf32, #tpu.memory_space<hbm>>) dst(%arg9 : memref<112xf32, #tpu.memory_space<vmem>>)
      %dma_wait3A_139 = tpu.memref_slice %arg4[%min3A_133] : memref<100000xi32, #tpu.memory_space<hbm>> -> memref<112xi32, #tpu.memory_space<hbm>>
      %dma_wait3A_140 = tpu.memref_slice %arg4[%min3A_133] : memref<100000xi32, #tpu.memory_space<hbm>> -> memref<112xi32, #tpu.memory_space<hbm>>
      tpu.wait_dma2 semaphore(%arg16 : memref<!tpu.dma_semaphore, #tpu.memory_space<semaphore_mem>>) src(%dma_wait3A_140 : memref<112xi32, #tpu.memory_space<hbm>>) dst(%arg11 : memref<112xi32, #tpu.memory_space<vmem>>)
      %add3A_141 = arith.constant 1 : i32
      %add3A_142 = arith.addi %add3A_130, %add3A_141 : i32
      %lt3A_143 = arith.cmpi slt, %add3A_142, %select_n3A_75 : i32
      %convert_element_type3A_144 = arith.extui %lt3A_143 : i1 to i32
      %cond3A_145 = arith.constant 0 : i32
      %cond3A_146 = arith.cmpi ne, %convert_element_type3A_144, %cond3A_145 : i32
      scf.if %cond3A_146 {
        %add3A_176 = arith.constant 1 : i32
        %add3A_177 = arith.addi %add3A_130, %add3A_176 : i32
        %mul3A_178 = arith.constant 112 : i32
        %mul3A_179 = arith.muli %add3A_177, %mul3A_178 : i32
        %min3A_180 = arith.constant 99888 : i32
        %min3A_181 = arith.minsi %mul3A_179, %min3A_180 : i32
        %dma_start3A = arith.constant 0 : i32
        %dma_start3A_182 = tpu.memref_slice %arg2[%min3A_181, %dma_start3A] : memref<100000x128xf32, #tpu.memory_space<hbm>> -> memref<112x128xf32, #tpu.memory_space<hbm>>
        %dma_start3A_183 = arith.constant 0 : i32
        %dma_start3A_184 = tpu.memref_slice %arg2[%min3A_181, %dma_start3A_183] : memref<100000x128xf32, #tpu.memory_space<hbm>> -> memref<112x128xf32, #tpu.memory_space<hbm>>
        tpu.enqueue_dma source(%dma_start3A_184 : memref<112x128xf32, #tpu.memory_space<hbm>>) target(%arg8 : memref<112x128xf32, #tpu.memory_space<vmem>>) target_semaphore(%arg17 : memref<!tpu.dma_semaphore, #tpu.memory_space<semaphore_mem>>)
        %dma_start3A_185 = tpu.memref_slice %arg3[%min3A_181] : memref<100000xf32, #tpu.memory_space<hbm>> -> memref<112xf32, #tpu.memory_space<hbm>>
        %dma_start3A_186 = tpu.memref_slice %arg3[%min3A_181] : memref<100000xf32, #tpu.memory_space<hbm>> -> memref<112xf32, #tpu.memory_space<hbm>>
        tpu.enqueue_dma source(%dma_start3A_186 : memref<112xf32, #tpu.memory_space<hbm>>) target(%arg10 : memref<112xf32, #tpu.memory_space<vmem>>) target_semaphore(%arg17 : memref<!tpu.dma_semaphore, #tpu.memory_space<semaphore_mem>>)
        %dma_start3A_187 = tpu.memref_slice %arg4[%min3A_181] : memref<100000xi32, #tpu.memory_space<hbm>> -> memref<112xi32, #tpu.memory_space<hbm>>
        %dma_start3A_188 = tpu.memref_slice %arg4[%min3A_181] : memref<100000xi32, #tpu.memory_space<hbm>> -> memref<112xi32, #tpu.memory_space<hbm>>
        tpu.enqueue_dma source(%dma_start3A_188 : memref<112xi32, #tpu.memory_space<hbm>>) target(%arg12 : memref<112xi32, #tpu.memory_space<vmem>>) target_semaphore(%arg17 : memref<!tpu.dma_semaphore, #tpu.memory_space<semaphore_mem>>)
      } else {
      }
      %mul3A_147 = arith.constant 112 : i32
      %mul3A_148 = arith.muli %add3A_130, %mul3A_147 : i32
      %min3A_149 = arith.constant 99888 : i32
      %min3A_150 = arith.minsi %mul3A_148, %min3A_149 : i32
      %mul3A_151 = arith.constant 112 : i32
      %mul3A_152 = arith.muli %add3A_130, %mul3A_151 : i32
      %max3A = arith.maxsi %reduce_max3A_19, %mul3A_152 : i32
      %mul3A_153 = arith.constant 112 : i32
      %mul3A_154 = arith.muli %add3A_130, %mul3A_153 : i32
      %add3A_155 = arith.constant 112 : i32
      %add3A_156 = arith.addi %mul3A_154, %add3A_155 : i32
      %min3A_157 = arith.minsi %reduce_max3A_31, %add3A_156 : i32
      %broadcast_in_dim3A_158 = vector.broadcast %max3A : i32 to vector<16xi32>
      %broadcast_in_dim3A_159 = vector.broadcast %min3A_157 : i32 to vector<16xi32>
      %broadcast_in_dim3A_160 = vector.broadcast %mul3A_2 : i32 to vector<16xi32>
      %broadcast_in_dim3A_161 = vector.broadcast %min3A_150 : i32 to vector<16xi32>
      %add3A_162 = arith.addi %broadcast_in_dim3A_161, %iota3A : vector<16xi32>
      %parallel_loop3A_163 = arith.constant 0 : i32
      %parallel_loop3A_164 = arith.constant 112 : i32
      %parallel_loop3A_165 = arith.constant 16 : i32
      scf.for %parallel_loop3A_176 = %parallel_loop3A_163 to %parallel_loop3A_164 step %parallel_loop3A_165  : i32 {
        %parallel_loop3A_177 = vector.broadcast %parallel_loop3A_176 : i32 to vector<16xi32>
        %parallel_loop3A_178 = arith.addi %add3A_162, %parallel_loop3A_177 : vector<16xi32>
        %parallel_loop3A_179 = arith.cmpi sge, %parallel_loop3A_178, %broadcast_in_dim3A_158 : vector<16xi32>
        %parallel_loop3A_180 = arith.cmpi slt, %parallel_loop3A_178, %broadcast_in_dim3A_159 : vector<16xi32>
        %parallel_loop3A_181 = arith.andi %parallel_loop3A_179, %parallel_loop3A_180 : vector<16xi1>
        %parallel_loop3A_182 = arith.extui %parallel_loop3A_181 : vector<16xi1> to vector<16xi32>
        %parallel_loop3A_183 = arith.sitofp %parallel_loop3A_182 : vector<16xi32> to vector<16xf32>
        %parallel_loop3A_184 = arith.index_cast %parallel_loop3A_176 : i32 to index
        %parallel_loop3A_185 = tpu.vector_load %arg11[%parallel_loop3A_184] {strides = array<i32>} : memref<112xi32, #tpu.memory_space<vmem>>, vector<16xi32>,
        %parallel_loop3A_186 = arith.subi %parallel_loop3A_185, %broadcast_in_dim3A_160 : vector<16xi32>
        %parallel_loop3A_187 = arith.constant 0 : i32
        %parallel_loop3A_188 = vector.broadcast %parallel_loop3A_187 : i32 to vector<16xi32>
        %parallel_loop3A_189 = arith.maxsi %parallel_loop3A_186, %parallel_loop3A_188 : vector<16xi32>
        %parallel_loop3A_190 = arith.constant 31 : i32
        %parallel_loop3A_191 = vector.broadcast %parallel_loop3A_190 : i32 to vector<16xi32>
        %parallel_loop3A_192 = arith.minsi %parallel_loop3A_189, %parallel_loop3A_191 : vector<16xi32>
        %parallel_loop3A_193 = arith.constant 128 : i32
        %parallel_loop3A_194 = vector.broadcast %parallel_loop3A_193 : i32 to vector<16xi32>
        %parallel_loop3A_195 = arith.muli %parallel_loop3A_192, %parallel_loop3A_194 : vector<16xi32>
        %parallel_loop3A_196 = arith.index_cast %parallel_loop3A_176 : i32 to index
        %parallel_loop3A_197 = tpu.vector_load %arg9[%parallel_loop3A_196] {strides = array<i32>} : memref<112xf32, #tpu.memory_space<vmem>>, vector<16xf32>,
        %parallel_loop3A_198 = arith.mulf %parallel_loop3A_197, %parallel_loop3A_183 : vector<16xf32>
        %parallel_loop3A_199 = arith.index_cast %parallel_loop3A_176 : i32 to index
        %parallel_loop3A_200 = tpu.vector_load %arg9[%parallel_loop3A_199] {strides = array<i32>} : memref<112xf32, #tpu.memory_space<vmem>>, vector<16xf32>,
        tpu.vector_store %arg9[%parallel_loop3A_199], %parallel_loop3A_198 {strides = array<i32>} : memref<112xf32, #tpu.memory_space<vmem>>, vector<16xf32>,
        %parallel_loop3A_201 = arith.index_cast %parallel_loop3A_176 : i32 to index
        %parallel_loop3A_202 = tpu.vector_load %arg11[%parallel_loop3A_201] {strides = array<i32>} : memref<112xi32, #tpu.memory_space<vmem>>, vector<16xi32>,
        tpu.vector_store %arg11[%parallel_loop3A_201], %parallel_loop3A_195 {strides = array<i32>} : memref<112xi32, #tpu.memory_space<vmem>>, vector<16xi32>,
      } {sc.loop_unroll_factor = 1 : i64, sc.parallel_access}
      %parallel_loop3A_166 = arith.constant 0 : i32
      %parallel_loop3A_167 = arith.constant 112 : i32
      %parallel_loop3A_168 = arith.constant 1 : i32
      scf.for %parallel_loop3A_176 = %parallel_loop3A_166 to %parallel_loop3A_167 step %parallel_loop3A_168  : i32 {
        %parallel_loop3A_177 = vector.broadcast %parallel_loop3A_176 : i32 to vector<16xi32>
        %parallel_loop3A_178 = tpu.vector_load_idx %arg11[%parallel_loop3A_177] : memref<112xi32, #tpu.memory_space<vmem>>[vector<16xi32>], vector<16xi32>,
        %parallel_loop3A_179 = tpu.vector_load_idx %arg9[%parallel_loop3A_177] : memref<112xf32, #tpu.memory_space<vmem>>[vector<16xi32>], vector<16xf32>,
        %parallel_loop3A_180 = arith.constant 0 : i32
        %parallel_loop3A_181 = vector.broadcast %parallel_loop3A_180 : i32 to vector<16xi32>
        %parallel_loop3A_182 = arith.addi %iota3A, %parallel_loop3A_181 : vector<16xi32>
        %parallel_loop3A_183 = arith.addi %parallel_loop3A_178, %parallel_loop3A_182 : vector<16xi32>
        %parallel_loop3A_184 = arith.index_cast %parallel_loop3A_176 : i32 to index
        %parallel_loop3A_185 = arith.constant 0 : index
        %parallel_loop3A_186 = tpu.vector_load %arg7[%parallel_loop3A_184, %parallel_loop3A_185] {strides = array<i32>} : memref<112x128xf32, #tpu.memory_space<vmem>>, vector<16xf32>,
        %parallel_loop3A_187 = arith.mulf %parallel_loop3A_186, %parallel_loop3A_179 : vector<16xf32>
        tpu.vector_store_idx %arg14[%parallel_loop3A_183], %parallel_loop3A_187 {add = true} : memref<4096xf32, #tpu.memory_space<vmem>>[vector<16xi32>], vector<16xf32>,
        %parallel_loop3A_188 = arith.constant 16 : i32
        %parallel_loop3A_189 = vector.broadcast %parallel_loop3A_188 : i32 to vector<16xi32>
        %parallel_loop3A_190 = arith.addi %iota3A, %parallel_loop3A_189 : vector<16xi32>
        %parallel_loop3A_191 = arith.addi %parallel_loop3A_178, %parallel_loop3A_190 : vector<16xi32>
        %parallel_loop3A_192 = arith.index_cast %parallel_loop3A_176 : i32 to index
        %parallel_loop3A_193 = arith.constant 16 : index
        %parallel_loop3A_194 = tpu.vector_load %arg7[%parallel_loop3A_192, %parallel_loop3A_193] {strides = array<i32>} : memref<112x128xf32, #tpu.memory_space<vmem>>, vector<16xf32>,
        %parallel_loop3A_195 = arith.mulf %parallel_loop3A_194, %parallel_loop3A_179 : vector<16xf32>
        tpu.vector_store_idx %arg14[%parallel_loop3A_191], %parallel_loop3A_195 {add = true} : memref<4096xf32, #tpu.memory_space<vmem>>[vector<16xi32>], vector<16xf32>,
        %parallel_loop3A_196 = arith.constant 32 : i32
        %parallel_loop3A_197 = vector.broadcast %parallel_loop3A_196 : i32 to vector<16xi32>
        %parallel_loop3A_198 = arith.addi %iota3A, %parallel_loop3A_197 : vector<16xi32>
        %parallel_loop3A_199 = arith.addi %parallel_loop3A_178, %parallel_loop3A_198 : vector<16xi32>
        %parallel_loop3A_200 = arith.index_cast %parallel_loop3A_176 : i32 to index
        %parallel_loop3A_201 = arith.constant 32 : index
        %parallel_loop3A_202 = tpu.vector_load %arg7[%parallel_loop3A_200, %parallel_loop3A_201] {strides = array<i32>} : memref<112x128xf32, #tpu.memory_space<vmem>>, vector<16xf32>,
        %parallel_loop3A_203 = arith.mulf %parallel_loop3A_202, %parallel_loop3A_179 : vector<16xf32>
        tpu.vector_store_idx %arg14[%parallel_loop3A_199], %parallel_loop3A_203 {add = true} : memref<4096xf32, #tpu.memory_space<vmem>>[vector<16xi32>], vector<16xf32>,
        %parallel_loop3A_204 = arith.constant 48 : i32
        %parallel_loop3A_205 = vector.broadcast %parallel_loop3A_204 : i32 to vector<16xi32>
        %parallel_loop3A_206 = arith.addi %iota3A, %parallel_loop3A_205 : vector<16xi32>
        %parallel_loop3A_207 = arith.addi %parallel_loop3A_178, %parallel_loop3A_206 : vector<16xi32>
        %parallel_loop3A_208 = arith.index_cast %parallel_loop3A_176 : i32 to index
        %parallel_loop3A_209 = arith.constant 48 : index
        %parallel_loop3A_210 = tpu.vector_load %arg7[%parallel_loop3A_208, %parallel_loop3A_209] {strides = array<i32>} : memref<112x128xf32, #tpu.memory_space<vmem>>, vector<16xf32>,
        %parallel_loop3A_211 = arith.mulf %parallel_loop3A_210, %parallel_loop3A_179 : vector<16xf32>
        tpu.vector_store_idx %arg14[%parallel_loop3A_207], %parallel_loop3A_211 {add = true} : memref<4096xf32, #tpu.memory_space<vmem>>[vector<16xi32>], vector<16xf32>,
        %parallel_loop3A_212 = arith.constant 64 : i32
        %parallel_loop3A_213 = vector.broadcast %parallel_loop3A_212 : i32 to vector<16xi32>
        %parallel_loop3A_214 = arith.addi %iota3A, %parallel_loop3A_213 : vector<16xi32>
        %parallel_loop3A_215 = arith.addi %parallel_loop3A_178, %parallel_loop3A_214 : vector<16xi32>
        %parallel_loop3A_216 = arith.index_cast %parallel_loop3A_176 : i32 to index
        %parallel_loop3A_217 = arith.constant 64 : index
        %parallel_loop3A_218 = tpu.vector_load %arg7[%parallel_loop3A_216, %parallel_loop3A_217] {strides = array<i32>} : memref<112x128xf32, #tpu.memory_space<vmem>>, vector<16xf32>,
        %parallel_loop3A_219 = arith.mulf %parallel_loop3A_218, %parallel_loop3A_179 : vector<16xf32>
        tpu.vector_store_idx %arg14[%parallel_loop3A_215], %parallel_loop3A_219 {add = true} : memref<4096xf32, #tpu.memory_space<vmem>>[vector<16xi32>], vector<16xf32>,
        %parallel_loop3A_220 = arith.constant 80 : i32
        %parallel_loop3A_221 = vector.broadcast %parallel_loop3A_220 : i32 to vector<16xi32>
        %parallel_loop3A_222 = arith.addi %iota3A, %parallel_loop3A_221 : vector<16xi32>
        %parallel_loop3A_223 = arith.addi %parallel_loop3A_178, %parallel_loop3A_222 : vector<16xi32>
        %parallel_loop3A_224 = arith.index_cast %parallel_loop3A_176 : i32 to index
        %parallel_loop3A_225 = arith.constant 80 : index
        %parallel_loop3A_226 = tpu.vector_load %arg7[%parallel_loop3A_224, %parallel_loop3A_225] {strides = array<i32>} : memref<112x128xf32, #tpu.memory_space<vmem>>, vector<16xf32>,
        %parallel_loop3A_227 = arith.mulf %parallel_loop3A_226, %parallel_loop3A_179 : vector<16xf32>
        tpu.vector_store_idx %arg14[%parallel_loop3A_223], %parallel_loop3A_227 {add = true} : memref<4096xf32, #tpu.memory_space<vmem>>[vector<16xi32>], vector<16xf32>,
        %parallel_loop3A_228 = arith.constant 96 : i32
        %parallel_loop3A_229 = vector.broadcast %parallel_loop3A_228 : i32 to vector<16xi32>
        %parallel_loop3A_230 = arith.addi %iota3A, %parallel_loop3A_229 : vector<16xi32>
        %parallel_loop3A_231 = arith.addi %parallel_loop3A_178, %parallel_loop3A_230 : vector<16xi32>
        %parallel_loop3A_232 = arith.index_cast %parallel_loop3A_176 : i32 to index
        %parallel_loop3A_233 = arith.constant 96 : index
        %parallel_loop3A_234 = tpu.vector_load %arg7[%parallel_loop3A_232, %parallel_loop3A_233] {strides = array<i32>} : memref<112x128xf32, #tpu.memory_space<vmem>>, vector<16xf32>,
        %parallel_loop3A_235 = arith.mulf %parallel_loop3A_234, %parallel_loop3A_179 : vector<16xf32>
        tpu.vector_store_idx %arg14[%parallel_loop3A_231], %parallel_loop3A_235 {add = true} : memref<4096xf32, #tpu.memory_space<vmem>>[vector<16xi32>], vector<16xf32>,
        %parallel_loop3A_236 = arith.constant 112 : i32
        %parallel_loop3A_237 = vector.broadcast %parallel_loop3A_236 : i32 to vector<16xi32>
        %parallel_loop3A_238 = arith.addi %iota3A, %parallel_loop3A_237 : vector<16xi32>
        %parallel_loop3A_239 = arith.addi %parallel_loop3A_178, %parallel_loop3A_238 : vector<16xi32>
        %parallel_loop3A_240 = arith.index_cast %parallel_loop3A_176 : i32 to index
        %parallel_loop3A_241 = arith.constant 112 : index
        %parallel_loop3A_242 = tpu.vector_load %arg7[%parallel_loop3A_240, %parallel_loop3A_241] {strides = array<i32>} : memref<112x128xf32, #tpu.memory_space<vmem>>, vector<16xf32>,
        %parallel_loop3A_243 = arith.mulf %parallel_loop3A_242, %parallel_loop3A_179 : vector<16xf32>
        tpu.vector_store_idx %arg14[%parallel_loop3A_239], %parallel_loop3A_243 {add = true} : memref<4096xf32, #tpu.memory_space<vmem>>[vector<16xi32>], vector<16xf32>,
        %parallel_loop3A_244 = arith.constant 3 : i32
        %parallel_loop3A_245 = vector.broadcast %parallel_loop3A_244 : i32 to vector<16xi32>
        %parallel_loop3A_246 = arith.shrsi %parallel_loop3A_178, %parallel_loop3A_245 : vector<16xi32>
        %parallel_loop3A_247 = arith.addi %parallel_loop3A_246, %iota3A : vector<16xi32>
        %parallel_loop3A_248 = arith.mulf %parallel_loop3A_179, %convert_element_type3A_5 : vector<16xf32>
        tpu.vector_store_idx %arg15[%parallel_loop3A_247], %parallel_loop3A_248 {add = true} : memref<512xf32, #tpu.memory_space<vmem>>[vector<16xi32>], vector<16xf32>,
      } {sc.loop_unroll_factor = 8 : i64, sc.parallel_access}
      %add3A_169 = arith.constant 1 : i32
      %add3A_170 = arith.addi %add3A_130, %add3A_169 : i32
      %lt3A_171 = arith.cmpi slt, %add3A_170, %select_n3A_75 : i32
      %convert_element_type3A_172 = arith.extui %lt3A_171 : i1 to i32
      %cond3A_173 = arith.constant 0 : i32
      %cond3A_174 = arith.cmpi ne, %convert_element_type3A_172, %cond3A_173 : i32
      scf.if %cond3A_174 {
        %add3A_176 = arith.constant 1 : i32
        %add3A_177 = arith.addi %add3A_130, %add3A_176 : i32
        %mul3A_178 = arith.constant 112 : i32
        %mul3A_179 = arith.muli %add3A_177, %mul3A_178 : i32
        %min3A_180 = arith.constant 99888 : i32
        %min3A_181 = arith.minsi %mul3A_179, %min3A_180 : i32
        %dma_wait3A_182 = arith.constant 0 : i32
        %dma_wait3A_183 = tpu.memref_slice %arg2[%min3A_181, %dma_wait3A_182] : memref<100000x128xf32, #tpu.memory_space<hbm>> -> memref<112x128xf32, #tpu.memory_space<hbm>>
        %dma_wait3A_184 = arith.constant 0 : i32
        %dma_wait3A_185 = tpu.memref_slice %arg2[%min3A_181, %dma_wait3A_184] : memref<100000x128xf32, #tpu.memory_space<hbm>> -> memref<112x128xf32, #tpu.memory_space<hbm>>
        tpu.wait_dma2 semaphore(%arg17 : memref<!tpu.dma_semaphore, #tpu.memory_space<semaphore_mem>>) src(%dma_wait3A_185 : memref<112x128xf32, #tpu.memory_space<hbm>>) dst(%arg8 : memref<112x128xf32, #tpu.memory_space<vmem>>)
        %dma_wait3A_186 = tpu.memref_slice %arg3[%min3A_181] : memref<100000xf32, #tpu.memory_space<hbm>> -> memref<112xf32, #tpu.memory_space<hbm>>
        %dma_wait3A_187 = tpu.memref_slice %arg3[%min3A_181] : memref<100000xf32, #tpu.memory_space<hbm>> -> memref<112xf32, #tpu.memory_space<hbm>>
        tpu.wait_dma2 semaphore(%arg17 : memref<!tpu.dma_semaphore, #tpu.memory_space<semaphore_mem>>) src(%dma_wait3A_187 : memref<112xf32, #tpu.memory_space<hbm>>) dst(%arg10 : memref<112xf32, #tpu.memory_space<vmem>>)
        %dma_wait3A_188 = tpu.memref_slice %arg4[%min3A_181] : memref<100000xi32, #tpu.memory_space<hbm>> -> memref<112xi32, #tpu.memory_space<hbm>>
        %dma_wait3A_189 = tpu.memref_slice %arg4[%min3A_181] : memref<100000xi32, #tpu.memory_space<hbm>> -> memref<112xi32, #tpu.memory_space<hbm>>
        tpu.wait_dma2 semaphore(%arg17 : memref<!tpu.dma_semaphore, #tpu.memory_space<semaphore_mem>>) src(%dma_wait3A_189 : memref<112xi32, #tpu.memory_space<hbm>>) dst(%arg12 : memref<112xi32, #tpu.memory_space<vmem>>)
        %add3A_190 = arith.constant 2 : i32
        %add3A_191 = arith.addi %add3A_130, %add3A_190 : i32
        %lt3A_192 = arith.cmpi slt, %add3A_191, %select_n3A_75 : i32
        %convert_element_type3A_193 = arith.extui %lt3A_192 : i1 to i32
        %cond3A_194 = arith.constant 0 : i32
        %cond3A_195 = arith.cmpi ne, %convert_element_type3A_193, %cond3A_194 : i32
        scf.if %cond3A_195 {
          %add3A_221 = arith.constant 2 : i32
          %add3A_222 = arith.addi %add3A_130, %add3A_221 : i32
          %mul3A_223 = arith.constant 112 : i32
          %mul3A_224 = arith.muli %add3A_222, %mul3A_223 : i32
          %min3A_225 = arith.constant 99888 : i32
          %min3A_226 = arith.minsi %mul3A_224, %min3A_225 : i32
          %dma_start3A = arith.constant 0 : i32
          %dma_start3A_227 = tpu.memref_slice %arg2[%min3A_226, %dma_start3A] : memref<100000x128xf32, #tpu.memory_space<hbm>> -> memref<112x128xf32, #tpu.memory_space<hbm>>
          %dma_start3A_228 = arith.constant 0 : i32
          %dma_start3A_229 = tpu.memref_slice %arg2[%min3A_226, %dma_start3A_228] : memref<100000x128xf32, #tpu.memory_space<hbm>> -> memref<112x128xf32, #tpu.memory_space<hbm>>
          tpu.enqueue_dma source(%dma_start3A_229 : memref<112x128xf32, #tpu.memory_space<hbm>>) target(%arg7 : memref<112x128xf32, #tpu.memory_space<vmem>>) target_semaphore(%arg16 : memref<!tpu.dma_semaphore, #tpu.memory_space<semaphore_mem>>)
          %dma_start3A_230 = tpu.memref_slice %arg3[%min3A_226] : memref<100000xf32, #tpu.memory_space<hbm>> -> memref<112xf32, #tpu.memory_space<hbm>>
          %dma_start3A_231 = tpu.memref_slice %arg3[%min3A_226] : memref<100000xf32, #tpu.memory_space<hbm>> -> memref<112xf32, #tpu.memory_space<hbm>>
          tpu.enqueue_dma source(%dma_start3A_231 : memref<112xf32, #tpu.memory_space<hbm>>) target(%arg9 : memref<112xf32, #tpu.memory_space<vmem>>) target_semaphore(%arg16 : memref<!tpu.dma_semaphore, #tpu.memory_space<semaphore_mem>>)
          %dma_start3A_232 = tpu.memref_slice %arg4[%min3A_226] : memref<100000xi32, #tpu.memory_space<hbm>> -> memref<112xi32, #tpu.memory_space<hbm>>
          %dma_start3A_233 = tpu.memref_slice %arg4[%min3A_226] : memref<100000xi32, #tpu.memory_space<hbm>> -> memref<112xi32, #tpu.memory_space<hbm>>
          tpu.enqueue_dma source(%dma_start3A_233 : memref<112xi32, #tpu.memory_space<hbm>>) target(%arg11 : memref<112xi32, #tpu.memory_space<vmem>>) target_semaphore(%arg16 : memref<!tpu.dma_semaphore, #tpu.memory_space<semaphore_mem>>)
        } else {
        }
        %add3A_196 = arith.constant 1 : i32
        %add3A_197 = arith.addi %add3A_130, %add3A_196 : i32
        %mul3A_198 = arith.constant 112 : i32
        %mul3A_199 = arith.muli %add3A_197, %mul3A_198 : i32
        %min3A_200 = arith.constant 99888 : i32
        %min3A_201 = arith.minsi %mul3A_199, %min3A_200 : i32
        %mul3A_202 = arith.constant 112 : i32
        %mul3A_203 = arith.muli %add3A_197, %mul3A_202 : i32
        %max3A_204 = arith.maxsi %reduce_max3A_19, %mul3A_203 : i32
        %mul3A_205 = arith.constant 112 : i32
        %mul3A_206 = arith.muli %add3A_197, %mul3A_205 : i32
        %add3A_207 = arith.constant 112 : i32
        %add3A_208 = arith.addi %mul3A_206, %add3A_207 : i32
        %min3A_209 = arith.minsi %reduce_max3A_31, %add3A_208 : i32
        %broadcast_in_dim3A_210 = vector.broadcast %max3A_204 : i32 to vector<16xi32>
        %broadcast_in_dim3A_211 = vector.broadcast %min3A_209 : i32 to vector<16xi32>
        %broadcast_in_dim3A_212 = vector.broadcast %mul3A_2 : i32 to vector<16xi32>
        %broadcast_in_dim3A_213 = vector.broadcast %min3A_201 : i32 to vector<16xi32>
        %add3A_214 = arith.addi %broadcast_in_dim3A_213, %iota3A : vector<16xi32>
        %parallel_loop3A_215 = arith.constant 0 : i32
        %parallel_loop3A_216 = arith.constant 112 : i32
        %parallel_loop3A_217 = arith.constant 16 : i32
        scf.for %parallel_loop3A_221 = %parallel_loop3A_215 to %parallel_loop3A_216 step %parallel_loop3A_217  : i32 {
          %parallel_loop3A_222 = vector.broadcast %parallel_loop3A_221 : i32 to vector<16xi32>
          %parallel_loop3A_223 = arith.addi %add3A_214, %parallel_loop3A_222 : vector<16xi32>
          %parallel_loop3A_224 = arith.cmpi sge, %parallel_loop3A_223, %broadcast_in_dim3A_210 : vector<16xi32>
          %parallel_loop3A_225 = arith.cmpi slt, %parallel_loop3A_223, %broadcast_in_dim3A_211 : vector<16xi32>
          %parallel_loop3A_226 = arith.andi %parallel_loop3A_224, %parallel_loop3A_225 : vector<16xi1>
          %parallel_loop3A_227 = arith.extui %parallel_loop3A_226 : vector<16xi1> to vector<16xi32>
          %parallel_loop3A_228 = arith.sitofp %parallel_loop3A_227 : vector<16xi32> to vector<16xf32>
          %parallel_loop3A_229 = arith.index_cast %parallel_loop3A_221 : i32 to index
          %parallel_loop3A_230 = tpu.vector_load %arg12[%parallel_loop3A_229] {strides = array<i32>} : memref<112xi32, #tpu.memory_space<vmem>>, vector<16xi32>,
          %parallel_loop3A_231 = arith.subi %parallel_loop3A_230, %broadcast_in_dim3A_212 : vector<16xi32>
          %parallel_loop3A_232 = arith.constant 0 : i32
          %parallel_loop3A_233 = vector.broadcast %parallel_loop3A_232 : i32 to vector<16xi32>
          %parallel_loop3A_234 = arith.maxsi %parallel_loop3A_231, %parallel_loop3A_233 : vector<16xi32>
          %parallel_loop3A_235 = arith.constant 31 : i32
          %parallel_loop3A_236 = vector.broadcast %parallel_loop3A_235 : i32 to vector<16xi32>
          %parallel_loop3A_237 = arith.minsi %parallel_loop3A_234, %parallel_loop3A_236 : vector<16xi32>
          %parallel_loop3A_238 = arith.constant 128 : i32
          %parallel_loop3A_239 = vector.broadcast %parallel_loop3A_238 : i32 to vector<16xi32>
          %parallel_loop3A_240 = arith.muli %parallel_loop3A_237, %parallel_loop3A_239 : vector<16xi32>
          %parallel_loop3A_241 = arith.index_cast %parallel_loop3A_221 : i32 to index
          %parallel_loop3A_242 = tpu.vector_load %arg10[%parallel_loop3A_241] {strides = array<i32>} : memref<112xf32, #tpu.memory_space<vmem>>, vector<16xf32>,
          %parallel_loop3A_243 = arith.mulf %parallel_loop3A_242, %parallel_loop3A_228 : vector<16xf32>
          %parallel_loop3A_244 = arith.index_cast %parallel_loop3A_221 : i32 to index
          %parallel_loop3A_245 = tpu.vector_load %arg10[%parallel_loop3A_244] {strides = array<i32>} : memref<112xf32, #tpu.memory_space<vmem>>, vector<16xf32>,
          tpu.vector_store %arg10[%parallel_loop3A_244], %parallel_loop3A_243 {strides = array<i32>} : memref<112xf32, #tpu.memory_space<vmem>>, vector<16xf32>,
          %parallel_loop3A_246 = arith.index_cast %parallel_loop3A_221 : i32 to index
          %parallel_loop3A_247 = tpu.vector_load %arg12[%parallel_loop3A_246] {strides = array<i32>} : memref<112xi32, #tpu.memory_space<vmem>>, vector<16xi32>,
          tpu.vector_store %arg12[%parallel_loop3A_246], %parallel_loop3A_240 {strides = array<i32>} : memref<112xi32, #tpu.memory_space<vmem>>, vector<16xi32>,
        } {sc.loop_unroll_factor = 1 : i64, sc.parallel_access}
        %parallel_loop3A_218 = arith.constant 0 : i32
        %parallel_loop3A_219 = arith.constant 112 : i32
        %parallel_loop3A_220 = arith.constant 1 : i32
        scf.for %parallel_loop3A_221 = %parallel_loop3A_218 to %parallel_loop3A_219 step %parallel_loop3A_220  : i32 {
          %parallel_loop3A_222 = vector.broadcast %parallel_loop3A_221 : i32 to vector<16xi32>
          %parallel_loop3A_223 = tpu.vector_load_idx %arg12[%parallel_loop3A_222] : memref<112xi32, #tpu.memory_space<vmem>>[vector<16xi32>], vector<16xi32>,
          %parallel_loop3A_224 = tpu.vector_load_idx %arg10[%parallel_loop3A_222] : memref<112xf32, #tpu.memory_space<vmem>>[vector<16xi32>], vector<16xf32>,
          %parallel_loop3A_225 = arith.constant 0 : i32
          %parallel_loop3A_226 = vector.broadcast %parallel_loop3A_225 : i32 to vector<16xi32>
          %parallel_loop3A_227 = arith.addi %iota3A, %parallel_loop3A_226 : vector<16xi32>
          %parallel_loop3A_228 = arith.addi %parallel_loop3A_223, %parallel_loop3A_227 : vector<16xi32>
          %parallel_loop3A_229 = arith.index_cast %parallel_loop3A_221 : i32 to index
          %parallel_loop3A_230 = arith.constant 0 : index
          %parallel_loop3A_231 = tpu.vector_load %arg8[%parallel_loop3A_229, %parallel_loop3A_230] {strides = array<i32>} : memref<112x128xf32, #tpu.memory_space<vmem>>, vector<16xf32>,
          %parallel_loop3A_232 = arith.mulf %parallel_loop3A_231, %parallel_loop3A_224 : vector<16xf32>
          tpu.vector_store_idx %arg14[%parallel_loop3A_228], %parallel_loop3A_232 {add = true} : memref<4096xf32, #tpu.memory_space<vmem>>[vector<16xi32>], vector<16xf32>,
          %parallel_loop3A_233 = arith.constant 16 : i32
          %parallel_loop3A_234 = vector.broadcast %parallel_loop3A_233 : i32 to vector<16xi32>
          %parallel_loop3A_235 = arith.addi %iota3A, %parallel_loop3A_234 : vector<16xi32>
          %parallel_loop3A_236 = arith.addi %parallel_loop3A_223, %parallel_loop3A_235 : vector<16xi32>
          %parallel_loop3A_237 = arith.index_cast %parallel_loop3A_221 : i32 to index
          %parallel_loop3A_238 = arith.constant 16 : index
          %parallel_loop3A_239 = tpu.vector_load %arg8[%parallel_loop3A_237, %parallel_loop3A_238] {strides = array<i32>} : memref<112x128xf32, #tpu.memory_space<vmem>>, vector<16xf32>,
          %parallel_loop3A_240 = arith.mulf %parallel_loop3A_239, %parallel_loop3A_224 : vector<16xf32>
          tpu.vector_store_idx %arg14[%parallel_loop3A_236], %parallel_loop3A_240 {add = true} : memref<4096xf32, #tpu.memory_space<vmem>>[vector<16xi32>], vector<16xf32>,
          %parallel_loop3A_241 = arith.constant 32 : i32
          %parallel_loop3A_242 = vector.broadcast %parallel_loop3A_241 : i32 to vector<16xi32>
          %parallel_loop3A_243 = arith.addi %iota3A, %parallel_loop3A_242 : vector<16xi32>
          %parallel_loop3A_244 = arith.addi %parallel_loop3A_223, %parallel_loop3A_243 : vector<16xi32>
          %parallel_loop3A_245 = arith.index_cast %parallel_loop3A_221 : i32 to index
          %parallel_loop3A_246 = arith.constant 32 : index
          %parallel_loop3A_247 = tpu.vector_load %arg8[%parallel_loop3A_245, %parallel_loop3A_246] {strides = array<i32>} : memref<112x128xf32, #tpu.memory_space<vmem>>, vector<16xf32>,
          %parallel_loop3A_248 = arith.mulf %parallel_loop3A_247, %parallel_loop3A_224 : vector<16xf32>
          tpu.vector_store_idx %arg14[%parallel_loop3A_244], %parallel_loop3A_248 {add = true} : memref<4096xf32, #tpu.memory_space<vmem>>[vector<16xi32>], vector<16xf32>,
          %parallel_loop3A_249 = arith.constant 48 : i32
          %parallel_loop3A_250 = vector.broadcast %parallel_loop3A_249 : i32 to vector<16xi32>
          %parallel_loop3A_251 = arith.addi %iota3A, %parallel_loop3A_250 : vector<16xi32>
          %parallel_loop3A_252 = arith.addi %parallel_loop3A_223, %parallel_loop3A_251 : vector<16xi32>
          %parallel_loop3A_253 = arith.index_cast %parallel_loop3A_221 : i32 to index
          %parallel_loop3A_254 = arith.constant 48 : index
          %parallel_loop3A_255 = tpu.vector_load %arg8[%parallel_loop3A_253, %parallel_loop3A_254] {strides = array<i32>} : memref<112x128xf32, #tpu.memory_space<vmem>>, vector<16xf32>,
          %parallel_loop3A_256 = arith.mulf %parallel_loop3A_255, %parallel_loop3A_224 : vector<16xf32>
          tpu.vector_store_idx %arg14[%parallel_loop3A_252], %parallel_loop3A_256 {add = true} : memref<4096xf32, #tpu.memory_space<vmem>>[vector<16xi32>], vector<16xf32>,
          %parallel_loop3A_257 = arith.constant 64 : i32
          %parallel_loop3A_258 = vector.broadcast %parallel_loop3A_257 : i32 to vector<16xi32>
          %parallel_loop3A_259 = arith.addi %iota3A, %parallel_loop3A_258 : vector<16xi32>
          %parallel_loop3A_260 = arith.addi %parallel_loop3A_223, %parallel_loop3A_259 : vector<16xi32>
          %parallel_loop3A_261 = arith.index_cast %parallel_loop3A_221 : i32 to index
          %parallel_loop3A_262 = arith.constant 64 : index
          %parallel_loop3A_263 = tpu.vector_load %arg8[%parallel_loop3A_261, %parallel_loop3A_262] {strides = array<i32>} : memref<112x128xf32, #tpu.memory_space<vmem>>, vector<16xf32>,
          %parallel_loop3A_264 = arith.mulf %parallel_loop3A_263, %parallel_loop3A_224 : vector<16xf32>
          tpu.vector_store_idx %arg14[%parallel_loop3A_260], %parallel_loop3A_264 {add = true} : memref<4096xf32, #tpu.memory_space<vmem>>[vector<16xi32>], vector<16xf32>,
          %parallel_loop3A_265 = arith.constant 80 : i32
          %parallel_loop3A_266 = vector.broadcast %parallel_loop3A_265 : i32 to vector<16xi32>
          %parallel_loop3A_267 = arith.addi %iota3A, %parallel_loop3A_266 : vector<16xi32>
          %parallel_loop3A_268 = arith.addi %parallel_loop3A_223, %parallel_loop3A_267 : vector<16xi32>
          %parallel_loop3A_269 = arith.index_cast %parallel_loop3A_221 : i32 to index
          %parallel_loop3A_270 = arith.constant 80 : index
          %parallel_loop3A_271 = tpu.vector_load %arg8[%parallel_loop3A_269, %parallel_loop3A_270] {strides = array<i32>} : memref<112x128xf32, #tpu.memory_space<vmem>>, vector<16xf32>,
          %parallel_loop3A_272 = arith.mulf %parallel_loop3A_271, %parallel_loop3A_224 : vector<16xf32>
          tpu.vector_store_idx %arg14[%parallel_loop3A_268], %parallel_loop3A_272 {add = true} : memref<4096xf32, #tpu.memory_space<vmem>>[vector<16xi32>], vector<16xf32>,
          %parallel_loop3A_273 = arith.constant 96 : i32
          %parallel_loop3A_274 = vector.broadcast %parallel_loop3A_273 : i32 to vector<16xi32>
          %parallel_loop3A_275 = arith.addi %iota3A, %parallel_loop3A_274 : vector<16xi32>
          %parallel_loop3A_276 = arith.addi %parallel_loop3A_223, %parallel_loop3A_275 : vector<16xi32>
          %parallel_loop3A_277 = arith.index_cast %parallel_loop3A_221 : i32 to index
          %parallel_loop3A_278 = arith.constant 96 : index
          %parallel_loop3A_279 = tpu.vector_load %arg8[%parallel_loop3A_277, %parallel_loop3A_278] {strides = array<i32>} : memref<112x128xf32, #tpu.memory_space<vmem>>, vector<16xf32>,
          %parallel_loop3A_280 = arith.mulf %parallel_loop3A_279, %parallel_loop3A_224 : vector<16xf32>
          tpu.vector_store_idx %arg14[%parallel_loop3A_276], %parallel_loop3A_280 {add = true} : memref<4096xf32, #tpu.memory_space<vmem>>[vector<16xi32>], vector<16xf32>,
          %parallel_loop3A_281 = arith.constant 112 : i32
          %parallel_loop3A_282 = vector.broadcast %parallel_loop3A_281 : i32 to vector<16xi32>
          %parallel_loop3A_283 = arith.addi %iota3A, %parallel_loop3A_282 : vector<16xi32>
          %parallel_loop3A_284 = arith.addi %parallel_loop3A_223, %parallel_loop3A_283 : vector<16xi32>
          %parallel_loop3A_285 = arith.index_cast %parallel_loop3A_221 : i32 to index
          %parallel_loop3A_286 = arith.constant 112 : index
          %parallel_loop3A_287 = tpu.vector_load %arg8[%parallel_loop3A_285, %parallel_loop3A_286] {strides = array<i32>} : memref<112x128xf32, #tpu.memory_space<vmem>>, vector<16xf32>,
          %parallel_loop3A_288 = arith.mulf %parallel_loop3A_287, %parallel_loop3A_224 : vector<16xf32>
          tpu.vector_store_idx %arg14[%parallel_loop3A_284], %parallel_loop3A_288 {add = true} : memref<4096xf32, #tpu.memory_space<vmem>>[vector<16xi32>], vector<16xf32>,
          %parallel_loop3A_289 = arith.constant 3 : i32
          %parallel_loop3A_290 = vector.broadcast %parallel_loop3A_289 : i32 to vector<16xi32>
          %parallel_loop3A_291 = arith.shrsi %parallel_loop3A_223, %parallel_loop3A_290 : vector<16xi32>
          %parallel_loop3A_292 = arith.addi %parallel_loop3A_291, %iota3A : vector<16xi32>
          %parallel_loop3A_293 = arith.mulf %parallel_loop3A_224, %convert_element_type3A_5 : vector<16xf32>
          tpu.vector_store_idx %arg15[%parallel_loop3A_292], %parallel_loop3A_293 {add = true} : memref<512xf32, #tpu.memory_space<vmem>>[vector<16xi32>], vector<16xf32>,
        } {sc.loop_unroll_factor = 8 : i64, sc.parallel_access}
      } else {
      }
      %while3A_175 = arith.constant 0 : i32
      scf.yield %while3A_175 : i32
    }
    %while3A_114 = arith.constant 1 : i32
    %while3A_115 = scf.for %while3A_126 = %while3A_111 to %while3A_107 step %while3A_114 iter_args(%while3A_127 = %while3A_113) -> (i32)  : i32 {
      %mul3A_128 = arith.constant 2 : i32
      %mul3A_129 = arith.muli %mul3A_128, %while3A_126 : i32
      %add3A_130 = arith.addi %select_n3A, %mul3A_129 : i32
      %mul3A_131 = arith.constant 112 : i32
      %mul3A_132 = arith.muli %add3A_130, %mul3A_131 : i32
      %min3A = arith.constant 99888 : i32
      %min3A_133 = arith.minsi %mul3A_132, %min3A : i32
      %dma_wait3A = arith.constant 0 : i32
      %dma_wait3A_134 = tpu.memref_slice %arg2[%min3A_133, %dma_wait3A] : memref<100000x128xf32, #tpu.memory_space<hbm>> -> memref<112x128xf32, #tpu.memory_space<hbm>>
      %dma_wait3A_135 = arith.constant 0 : i32
      %dma_wait3A_136 = tpu.memref_slice %arg2[%min3A_133, %dma_wait3A_135] : memref<100000x128xf32, #tpu.memory_space<hbm>> -> memref<112x128xf32, #tpu.memory_space<hbm>>
      tpu.wait_dma2 semaphore(%arg16 : memref<!tpu.dma_semaphore, #tpu.memory_space<semaphore_mem>>) src(%dma_wait3A_136 : memref<112x128xf32, #tpu.memory_space<hbm>>) dst(%arg7 : memref<112x128xf32, #tpu.memory_space<vmem>>)
      %dma_wait3A_137 = tpu.memref_slice %arg3[%min3A_133] : memref<100000xf32, #tpu.memory_space<hbm>> -> memref<112xf32, #tpu.memory_space<hbm>>
      %dma_wait3A_138 = tpu.memref_slice %arg3[%min3A_133] : memref<100000xf32, #tpu.memory_space<hbm>> -> memref<112xf32, #tpu.memory_space<hbm>>
      tpu.wait_dma2 semaphore(%arg16 : memref<!tpu.dma_semaphore, #tpu.memory_space<semaphore_mem>>) src(%dma_wait3A_138 : memref<112xf32, #tpu.memory_space<hbm>>) dst(%arg9 : memref<112xf32, #tpu.memory_space<vmem>>)
      %dma_wait3A_139 = tpu.memref_slice %arg4[%min3A_133] : memref<100000xi32, #tpu.memory_space<hbm>> -> memref<112xi32, #tpu.memory_space<hbm>>
      %dma_wait3A_140 = tpu.memref_slice %arg4[%min3A_133] : memref<100000xi32, #tpu.memory_space<hbm>> -> memref<112xi32, #tpu.memory_space<hbm>>
      tpu.wait_dma2 semaphore(%arg16 : memref<!tpu.dma_semaphore, #tpu.memory_space<semaphore_mem>>) src(%dma_wait3A_140 : memref<112xi32, #tpu.memory_space<hbm>>) dst(%arg11 : memref<112xi32, #tpu.memory_space<vmem>>)
      %add3A_141 = arith.constant 1 : i32
      %add3A_142 = arith.addi %add3A_130, %add3A_141 : i32
      %lt3A_143 = arith.cmpi slt, %add3A_142, %select_n3A_75 : i32
      %convert_element_type3A_144 = arith.extui %lt3A_143 : i1 to i32
      %cond3A_145 = arith.constant 0 : i32
      %cond3A_146 = arith.cmpi ne, %convert_element_type3A_144, %cond3A_145 : i32
      scf.if %cond3A_146 {
        %add3A_176 = arith.constant 1 : i32
        %add3A_177 = arith.addi %add3A_130, %add3A_176 : i32
        %mul3A_178 = arith.constant 112 : i32
        %mul3A_179 = arith.muli %add3A_177, %mul3A_178 : i32
        %min3A_180 = arith.constant 99888 : i32
        %min3A_181 = arith.minsi %mul3A_179, %min3A_180 : i32
        %dma_start3A = arith.constant 0 : i32
        %dma_start3A_182 = tpu.memref_slice %arg2[%min3A_181, %dma_start3A] : memref<100000x128xf32, #tpu.memory_space<hbm>> -> memref<112x128xf32, #tpu.memory_space<hbm>>
        %dma_start3A_183 = arith.constant 0 : i32
        %dma_start3A_184 = tpu.memref_slice %arg2[%min3A_181, %dma_start3A_183] : memref<100000x128xf32, #tpu.memory_space<hbm>> -> memref<112x128xf32, #tpu.memory_space<hbm>>
        tpu.enqueue_dma source(%dma_start3A_184 : memref<112x128xf32, #tpu.memory_space<hbm>>) target(%arg8 : memref<112x128xf32, #tpu.memory_space<vmem>>) target_semaphore(%arg17 : memref<!tpu.dma_semaphore, #tpu.memory_space<semaphore_mem>>)
        %dma_start3A_185 = tpu.memref_slice %arg3[%min3A_181] : memref<100000xf32, #tpu.memory_space<hbm>> -> memref<112xf32, #tpu.memory_space<hbm>>
        %dma_start3A_186 = tpu.memref_slice %arg3[%min3A_181] : memref<100000xf32, #tpu.memory_space<hbm>> -> memref<112xf32, #tpu.memory_space<hbm>>
        tpu.enqueue_dma source(%dma_start3A_186 : memref<112xf32, #tpu.memory_space<hbm>>) target(%arg10 : memref<112xf32, #tpu.memory_space<vmem>>) target_semaphore(%arg17 : memref<!tpu.dma_semaphore, #tpu.memory_space<semaphore_mem>>)
        %dma_start3A_187 = tpu.memref_slice %arg4[%min3A_181] : memref<100000xi32, #tpu.memory_space<hbm>> -> memref<112xi32, #tpu.memory_space<hbm>>
        %dma_start3A_188 = tpu.memref_slice %arg4[%min3A_181] : memref<100000xi32, #tpu.memory_space<hbm>> -> memref<112xi32, #tpu.memory_space<hbm>>
        tpu.enqueue_dma source(%dma_start3A_188 : memref<112xi32, #tpu.memory_space<hbm>>) target(%arg12 : memref<112xi32, #tpu.memory_space<vmem>>) target_semaphore(%arg17 : memref<!tpu.dma_semaphore, #tpu.memory_space<semaphore_mem>>)
      } else {
      }
      %mul3A_147 = arith.constant 112 : i32
      %mul3A_148 = arith.muli %add3A_130, %mul3A_147 : i32
      %min3A_149 = arith.constant 99888 : i32
      %min3A_150 = arith.minsi %mul3A_148, %min3A_149 : i32
      %mul3A_151 = arith.constant 112 : i32
      %mul3A_152 = arith.muli %add3A_130, %mul3A_151 : i32
      %max3A = arith.maxsi %reduce_max3A_19, %mul3A_152 : i32
      %mul3A_153 = arith.constant 112 : i32
      %mul3A_154 = arith.muli %add3A_130, %mul3A_153 : i32
      %add3A_155 = arith.constant 112 : i32
      %add3A_156 = arith.addi %mul3A_154, %add3A_155 : i32
      %min3A_157 = arith.minsi %reduce_max3A_31, %add3A_156 : i32
      %broadcast_in_dim3A_158 = vector.broadcast %max3A : i32 to vector<16xi32>
      %broadcast_in_dim3A_159 = vector.broadcast %min3A_157 : i32 to vector<16xi32>
      %broadcast_in_dim3A_160 = vector.broadcast %mul3A_2 : i32 to vector<16xi32>
      %broadcast_in_dim3A_161 = vector.broadcast %min3A_150 : i32 to vector<16xi32>
      %add3A_162 = arith.addi %broadcast_in_dim3A_161, %iota3A : vector<16xi32>
      %parallel_loop3A_163 = arith.constant 0 : i32
      %parallel_loop3A_164 = arith.constant 112 : i32
      %parallel_loop3A_165 = arith.constant 16 : i32
      scf.for %parallel_loop3A_176 = %parallel_loop3A_163 to %parallel_loop3A_164 step %parallel_loop3A_165  : i32 {
        %parallel_loop3A_177 = vector.broadcast %parallel_loop3A_176 : i32 to vector<16xi32>
        %parallel_loop3A_178 = arith.addi %add3A_162, %parallel_loop3A_177 : vector<16xi32>
        %parallel_loop3A_179 = arith.cmpi sge, %parallel_loop3A_178, %broadcast_in_dim3A_158 : vector<16xi32>
        %parallel_loop3A_180 = arith.cmpi slt, %parallel_loop3A_178, %broadcast_in_dim3A_159 : vector<16xi32>
        %parallel_loop3A_181 = arith.andi %parallel_loop3A_179, %parallel_loop3A_180 : vector<16xi1>
        %parallel_loop3A_182 = arith.extui %parallel_loop3A_181 : vector<16xi1> to vector<16xi32>
        %parallel_loop3A_183 = arith.sitofp %parallel_loop3A_182 : vector<16xi32> to vector<16xf32>
        %parallel_loop3A_184 = arith.index_cast %parallel_loop3A_176 : i32 to index
        %parallel_loop3A_185 = tpu.vector_load %arg11[%parallel_loop3A_184] {strides = array<i32>} : memref<112xi32, #tpu.memory_space<vmem>>, vector<16xi32>,
        %parallel_loop3A_186 = arith.subi %parallel_loop3A_185, %broadcast_in_dim3A_160 : vector<16xi32>
        %parallel_loop3A_187 = arith.constant 0 : i32
        %parallel_loop3A_188 = vector.broadcast %parallel_loop3A_187 : i32 to vector<16xi32>
        %parallel_loop3A_189 = arith.maxsi %parallel_loop3A_186, %parallel_loop3A_188 : vector<16xi32>
        %parallel_loop3A_190 = arith.constant 31 : i32
        %parallel_loop3A_191 = vector.broadcast %parallel_loop3A_190 : i32 to vector<16xi32>
        %parallel_loop3A_192 = arith.minsi %parallel_loop3A_189, %parallel_loop3A_191 : vector<16xi32>
        %parallel_loop3A_193 = arith.constant 128 : i32
        %parallel_loop3A_194 = vector.broadcast %parallel_loop3A_193 : i32 to vector<16xi32>
        %parallel_loop3A_195 = arith.muli %parallel_loop3A_192, %parallel_loop3A_194 : vector<16xi32>
        %parallel_loop3A_196 = arith.index_cast %parallel_loop3A_176 : i32 to index
        %parallel_loop3A_197 = tpu.vector_load %arg9[%parallel_loop3A_196] {strides = array<i32>} : memref<112xf32, #tpu.memory_space<vmem>>, vector<16xf32>,
        %parallel_loop3A_198 = arith.mulf %parallel_loop3A_197, %parallel_loop3A_183 : vector<16xf32>
        %parallel_loop3A_199 = arith.index_cast %parallel_loop3A_176 : i32 to index
        %parallel_loop3A_200 = tpu.vector_load %arg9[%parallel_loop3A_199] {strides = array<i32>} : memref<112xf32, #tpu.memory_space<vmem>>, vector<16xf32>,
        tpu.vector_store %arg9[%parallel_loop3A_199], %parallel_loop3A_198 {strides = array<i32>} : memref<112xf32, #tpu.memory_space<vmem>>, vector<16xf32>,
        %parallel_loop3A_201 = arith.index_cast %parallel_loop3A_176 : i32 to index
        %parallel_loop3A_202 = tpu.vector_load %arg11[%parallel_loop3A_201] {strides = array<i32>} : memref<112xi32, #tpu.memory_space<vmem>>, vector<16xi32>,
        tpu.vector_store %arg11[%parallel_loop3A_201], %parallel_loop3A_195 {strides = array<i32>} : memref<112xi32, #tpu.memory_space<vmem>>, vector<16xi32>,
      } {sc.loop_unroll_factor = 1 : i64, sc.parallel_access}
      %parallel_loop3A_166 = arith.constant 0 : i32
      %parallel_loop3A_167 = arith.constant 112 : i32
      %parallel_loop3A_168 = arith.constant 1 : i32
      scf.for %parallel_loop3A_176 = %parallel_loop3A_166 to %parallel_loop3A_167 step %parallel_loop3A_168  : i32 {
        %parallel_loop3A_177 = vector.broadcast %parallel_loop3A_176 : i32 to vector<16xi32>
        %parallel_loop3A_178 = tpu.vector_load_idx %arg11[%parallel_loop3A_177] : memref<112xi32, #tpu.memory_space<vmem>>[vector<16xi32>], vector<16xi32>,
        %parallel_loop3A_179 = tpu.vector_load_idx %arg9[%parallel_loop3A_177] : memref<112xf32, #tpu.memory_space<vmem>>[vector<16xi32>], vector<16xf32>,
        %parallel_loop3A_180 = arith.constant 0 : i32
        %parallel_loop3A_181 = vector.broadcast %parallel_loop3A_180 : i32 to vector<16xi32>
        %parallel_loop3A_182 = arith.addi %iota3A, %parallel_loop3A_181 : vector<16xi32>
        %parallel_loop3A_183 = arith.addi %parallel_loop3A_178, %parallel_loop3A_182 : vector<16xi32>
        %parallel_loop3A_184 = arith.index_cast %parallel_loop3A_176 : i32 to index
        %parallel_loop3A_185 = arith.constant 0 : index
        %parallel_loop3A_186 = tpu.vector_load %arg7[%parallel_loop3A_184, %parallel_loop3A_185] {strides = array<i32>} : memref<112x128xf32, #tpu.memory_space<vmem>>, vector<16xf32>,
        %parallel_loop3A_187 = arith.mulf %parallel_loop3A_186, %parallel_loop3A_179 : vector<16xf32>
        tpu.vector_store_idx %arg14[%parallel_loop3A_183], %parallel_loop3A_187 {add = true} : memref<4096xf32, #tpu.memory_space<vmem>>[vector<16xi32>], vector<16xf32>,
        %parallel_loop3A_188 = arith.constant 16 : i32
        %parallel_loop3A_189 = vector.broadcast %parallel_loop3A_188 : i32 to vector<16xi32>
        %parallel_loop3A_190 = arith.addi %iota3A, %parallel_loop3A_189 : vector<16xi32>
        %parallel_loop3A_191 = arith.addi %parallel_loop3A_178, %parallel_loop3A_190 : vector<16xi32>
        %parallel_loop3A_192 = arith.index_cast %parallel_loop3A_176 : i32 to index
        %parallel_loop3A_193 = arith.constant 16 : index
        %parallel_loop3A_194 = tpu.vector_load %arg7[%parallel_loop3A_192, %parallel_loop3A_193] {strides = array<i32>} : memref<112x128xf32, #tpu.memory_space<vmem>>, vector<16xf32>,
        %parallel_loop3A_195 = arith.mulf %parallel_loop3A_194, %parallel_loop3A_179 : vector<16xf32>
        tpu.vector_store_idx %arg14[%parallel_loop3A_191], %parallel_loop3A_195 {add = true} : memref<4096xf32, #tpu.memory_space<vmem>>[vector<16xi32>], vector<16xf32>,
        %parallel_loop3A_196 = arith.constant 32 : i32
        %parallel_loop3A_197 = vector.broadcast %parallel_loop3A_196 : i32 to vector<16xi32>
        %parallel_loop3A_198 = arith.addi %iota3A, %parallel_loop3A_197 : vector<16xi32>
        %parallel_loop3A_199 = arith.addi %parallel_loop3A_178, %parallel_loop3A_198 : vector<16xi32>
        %parallel_loop3A_200 = arith.index_cast %parallel_loop3A_176 : i32 to index
        %parallel_loop3A_201 = arith.constant 32 : index
        %parallel_loop3A_202 = tpu.vector_load %arg7[%parallel_loop3A_200, %parallel_loop3A_201] {strides = array<i32>} : memref<112x128xf32, #tpu.memory_space<vmem>>, vector<16xf32>,
        %parallel_loop3A_203 = arith.mulf %parallel_loop3A_202, %parallel_loop3A_179 : vector<16xf32>
        tpu.vector_store_idx %arg14[%parallel_loop3A_199], %parallel_loop3A_203 {add = true} : memref<4096xf32, #tpu.memory_space<vmem>>[vector<16xi32>], vector<16xf32>,
        %parallel_loop3A_204 = arith.constant 48 : i32
        %parallel_loop3A_205 = vector.broadcast %parallel_loop3A_204 : i32 to vector<16xi32>
        %parallel_loop3A_206 = arith.addi %iota3A, %parallel_loop3A_205 : vector<16xi32>
        %parallel_loop3A_207 = arith.addi %parallel_loop3A_178, %parallel_loop3A_206 : vector<16xi32>
        %parallel_loop3A_208 = arith.index_cast %parallel_loop3A_176 : i32 to index
        %parallel_loop3A_209 = arith.constant 48 : index
        %parallel_loop3A_210 = tpu.vector_load %arg7[%parallel_loop3A_208, %parallel_loop3A_209] {strides = array<i32>} : memref<112x128xf32, #tpu.memory_space<vmem>>, vector<16xf32>,
        %parallel_loop3A_211 = arith.mulf %parallel_loop3A_210, %parallel_loop3A_179 : vector<16xf32>
        tpu.vector_store_idx %arg14[%parallel_loop3A_207], %parallel_loop3A_211 {add = true} : memref<4096xf32, #tpu.memory_space<vmem>>[vector<16xi32>], vector<16xf32>,
        %parallel_loop3A_212 = arith.constant 64 : i32
        %parallel_loop3A_213 = vector.broadcast %parallel_loop3A_212 : i32 to vector<16xi32>
        %parallel_loop3A_214 = arith.addi %iota3A, %parallel_loop3A_213 : vector<16xi32>
        %parallel_loop3A_215 = arith.addi %parallel_loop3A_178, %parallel_loop3A_214 : vector<16xi32>
        %parallel_loop3A_216 = arith.index_cast %parallel_loop3A_176 : i32 to index
        %parallel_loop3A_217 = arith.constant 64 : index
        %parallel_loop3A_218 = tpu.vector_load %arg7[%parallel_loop3A_216, %parallel_loop3A_217] {strides = array<i32>} : memref<112x128xf32, #tpu.memory_space<vmem>>, vector<16xf32>,
        %parallel_loop3A_219 = arith.mulf %parallel_loop3A_218, %parallel_loop3A_179 : vector<16xf32>
        tpu.vector_store_idx %arg14[%parallel_loop3A_215], %parallel_loop3A_219 {add = true} : memref<4096xf32, #tpu.memory_space<vmem>>[vector<16xi32>], vector<16xf32>,
        %parallel_loop3A_220 = arith.constant 80 : i32
        %parallel_loop3A_221 = vector.broadcast %parallel_loop3A_220 : i32 to vector<16xi32>
        %parallel_loop3A_222 = arith.addi %iota3A, %parallel_loop3A_221 : vector<16xi32>
        %parallel_loop3A_223 = arith.addi %parallel_loop3A_178, %parallel_loop3A_222 : vector<16xi32>
        %parallel_loop3A_224 = arith.index_cast %parallel_loop3A_176 : i32 to index
        %parallel_loop3A_225 = arith.constant 80 : index
        %parallel_loop3A_226 = tpu.vector_load %arg7[%parallel_loop3A_224, %parallel_loop3A_225] {strides = array<i32>} : memref<112x128xf32, #tpu.memory_space<vmem>>, vector<16xf32>,
        %parallel_loop3A_227 = arith.mulf %parallel_loop3A_226, %parallel_loop3A_179 : vector<16xf32>
        tpu.vector_store_idx %arg14[%parallel_loop3A_223], %parallel_loop3A_227 {add = true} : memref<4096xf32, #tpu.memory_space<vmem>>[vector<16xi32>], vector<16xf32>,
        %parallel_loop3A_228 = arith.constant 96 : i32
        %parallel_loop3A_229 = vector.broadcast %parallel_loop3A_228 : i32 to vector<16xi32>
        %parallel_loop3A_230 = arith.addi %iota3A, %parallel_loop3A_229 : vector<16xi32>
        %parallel_loop3A_231 = arith.addi %parallel_loop3A_178, %parallel_loop3A_230 : vector<16xi32>
        %parallel_loop3A_232 = arith.index_cast %parallel_loop3A_176 : i32 to index
        %parallel_loop3A_233 = arith.constant 96 : index
        %parallel_loop3A_234 = tpu.vector_load %arg7[%parallel_loop3A_232, %parallel_loop3A_233] {strides = array<i32>} : memref<112x128xf32, #tpu.memory_space<vmem>>, vector<16xf32>,
        %parallel_loop3A_235 = arith.mulf %parallel_loop3A_234, %parallel_loop3A_179 : vector<16xf32>
        tpu.vector_store_idx %arg14[%parallel_loop3A_231], %parallel_loop3A_235 {add = true} : memref<4096xf32, #tpu.memory_space<vmem>>[vector<16xi32>], vector<16xf32>,
        %parallel_loop3A_236 = arith.constant 112 : i32
        %parallel_loop3A_237 = vector.broadcast %parallel_loop3A_236 : i32 to vector<16xi32>
        %parallel_loop3A_238 = arith.addi %iota3A, %parallel_loop3A_237 : vector<16xi32>
        %parallel_loop3A_239 = arith.addi %parallel_loop3A_178, %parallel_loop3A_238 : vector<16xi32>
        %parallel_loop3A_240 = arith.index_cast %parallel_loop3A_176 : i32 to index
        %parallel_loop3A_241 = arith.constant 112 : index
        %parallel_loop3A_242 = tpu.vector_load %arg7[%parallel_loop3A_240, %parallel_loop3A_241] {strides = array<i32>} : memref<112x128xf32, #tpu.memory_space<vmem>>, vector<16xf32>,
        %parallel_loop3A_243 = arith.mulf %parallel_loop3A_242, %parallel_loop3A_179 : vector<16xf32>
        tpu.vector_store_idx %arg14[%parallel_loop3A_239], %parallel_loop3A_243 {add = true} : memref<4096xf32, #tpu.memory_space<vmem>>[vector<16xi32>], vector<16xf32>,
        %parallel_loop3A_244 = arith.constant 3 : i32
        %parallel_loop3A_245 = vector.broadcast %parallel_loop3A_244 : i32 to vector<16xi32>
        %parallel_loop3A_246 = arith.shrsi %parallel_loop3A_178, %parallel_loop3A_245 : vector<16xi32>
        %parallel_loop3A_247 = arith.addi %parallel_loop3A_246, %iota3A : vector<16xi32>
        %parallel_loop3A_248 = arith.mulf %parallel_loop3A_179, %convert_element_type3A_5 : vector<16xf32>
        tpu.vector_store_idx %arg15[%parallel_loop3A_247], %parallel_loop3A_248 {add = true} : memref<512xf32, #tpu.memory_space<vmem>>[vector<16xi32>], vector<16xf32>,
      } {sc.loop_unroll_factor = 8 : i64, sc.parallel_access}
      %add3A_169 = arith.constant 1 : i32
      %add3A_170 = arith.addi %add3A_130, %add3A_169 : i32
      %lt3A_171 = arith.cmpi slt, %add3A_170, %select_n3A_75 : i32
      %convert_element_type3A_172 = arith.extui %lt3A_171 : i1 to i32
      %cond3A_173 = arith.constant 0 : i32
      %cond3A_174 = arith.cmpi ne, %convert_element_type3A_172, %cond3A_173 : i32
      scf.if %cond3A_174 {
        %add3A_176 = arith.constant 1 : i32
        %add3A_177 = arith.addi %add3A_130, %add3A_176 : i32
        %mul3A_178 = arith.constant 112 : i32
        %mul3A_179 = arith.muli %add3A_177, %mul3A_178 : i32
        %min3A_180 = arith.constant 99888 : i32
        %min3A_181 = arith.minsi %mul3A_179, %min3A_180 : i32
        %dma_wait3A_182 = arith.constant 0 : i32
        %dma_wait3A_183 = tpu.memref_slice %arg2[%min3A_181, %dma_wait3A_182] : memref<100000x128xf32, #tpu.memory_space<hbm>> -> memref<112x128xf32, #tpu.memory_space<hbm>>
        %dma_wait3A_184 = arith.constant 0 : i32
        %dma_wait3A_185 = tpu.memref_slice %arg2[%min3A_181, %dma_wait3A_184] : memref<100000x128xf32, #tpu.memory_space<hbm>> -> memref<112x128xf32, #tpu.memory_space<hbm>>
        tpu.wait_dma2 semaphore(%arg17 : memref<!tpu.dma_semaphore, #tpu.memory_space<semaphore_mem>>) src(%dma_wait3A_185 : memref<112x128xf32, #tpu.memory_space<hbm>>) dst(%arg8 : memref<112x128xf32, #tpu.memory_space<vmem>>)
        %dma_wait3A_186 = tpu.memref_slice %arg3[%min3A_181] : memref<100000xf32, #tpu.memory_space<hbm>> -> memref<112xf32, #tpu.memory_space<hbm>>
        %dma_wait3A_187 = tpu.memref_slice %arg3[%min3A_181] : memref<100000xf32, #tpu.memory_space<hbm>> -> memref<112xf32, #tpu.memory_space<hbm>>
        tpu.wait_dma2 semaphore(%arg17 : memref<!tpu.dma_semaphore, #tpu.memory_space<semaphore_mem>>) src(%dma_wait3A_187 : memref<112xf32, #tpu.memory_space<hbm>>) dst(%arg10 : memref<112xf32, #tpu.memory_space<vmem>>)
        %dma_wait3A_188 = tpu.memref_slice %arg4[%min3A_181] : memref<100000xi32, #tpu.memory_space<hbm>> -> memref<112xi32, #tpu.memory_space<hbm>>
        %dma_wait3A_189 = tpu.memref_slice %arg4[%min3A_181] : memref<100000xi32, #tpu.memory_space<hbm>> -> memref<112xi32, #tpu.memory_space<hbm>>
        tpu.wait_dma2 semaphore(%arg17 : memref<!tpu.dma_semaphore, #tpu.memory_space<semaphore_mem>>) src(%dma_wait3A_189 : memref<112xi32, #tpu.memory_space<hbm>>) dst(%arg12 : memref<112xi32, #tpu.memory_space<vmem>>)
        %add3A_190 = arith.constant 2 : i32
        %add3A_191 = arith.addi %add3A_130, %add3A_190 : i32
        %lt3A_192 = arith.cmpi slt, %add3A_191, %select_n3A_75 : i32
        %convert_element_type3A_193 = arith.extui %lt3A_192 : i1 to i32
        %cond3A_194 = arith.constant 0 : i32
        %cond3A_195 = arith.cmpi ne, %convert_element_type3A_193, %cond3A_194 : i32
        scf.if %cond3A_195 {
          %add3A_221 = arith.constant 2 : i32
          %add3A_222 = arith.addi %add3A_130, %add3A_221 : i32
          %mul3A_223 = arith.constant 112 : i32
          %mul3A_224 = arith.muli %add3A_222, %mul3A_223 : i32
          %min3A_225 = arith.constant 99888 : i32
          %min3A_226 = arith.minsi %mul3A_224, %min3A_225 : i32
          %dma_start3A = arith.constant 0 : i32
          %dma_start3A_227 = tpu.memref_slice %arg2[%min3A_226, %dma_start3A] : memref<100000x128xf32, #tpu.memory_space<hbm>> -> memref<112x128xf32, #tpu.memory_space<hbm>>
          %dma_start3A_228 = arith.constant 0 : i32
          %dma_start3A_229 = tpu.memref_slice %arg2[%min3A_226, %dma_start3A_228] : memref<100000x128xf32, #tpu.memory_space<hbm>> -> memref<112x128xf32, #tpu.memory_space<hbm>>
          tpu.enqueue_dma source(%dma_start3A_229 : memref<112x128xf32, #tpu.memory_space<hbm>>) target(%arg7 : memref<112x128xf32, #tpu.memory_space<vmem>>) target_semaphore(%arg16 : memref<!tpu.dma_semaphore, #tpu.memory_space<semaphore_mem>>)
          %dma_start3A_230 = tpu.memref_slice %arg3[%min3A_226] : memref<100000xf32, #tpu.memory_space<hbm>> -> memref<112xf32, #tpu.memory_space<hbm>>
          %dma_start3A_231 = tpu.memref_slice %arg3[%min3A_226] : memref<100000xf32, #tpu.memory_space<hbm>> -> memref<112xf32, #tpu.memory_space<hbm>>
          tpu.enqueue_dma source(%dma_start3A_231 : memref<112xf32, #tpu.memory_space<hbm>>) target(%arg9 : memref<112xf32, #tpu.memory_space<vmem>>) target_semaphore(%arg16 : memref<!tpu.dma_semaphore, #tpu.memory_space<semaphore_mem>>)
          %dma_start3A_232 = tpu.memref_slice %arg4[%min3A_226] : memref<100000xi32, #tpu.memory_space<hbm>> -> memref<112xi32, #tpu.memory_space<hbm>>
          %dma_start3A_233 = tpu.memref_slice %arg4[%min3A_226] : memref<100000xi32, #tpu.memory_space<hbm>> -> memref<112xi32, #tpu.memory_space<hbm>>
          tpu.enqueue_dma source(%dma_start3A_233 : memref<112xi32, #tpu.memory_space<hbm>>) target(%arg11 : memref<112xi32, #tpu.memory_space<vmem>>) target_semaphore(%arg16 : memref<!tpu.dma_semaphore, #tpu.memory_space<semaphore_mem>>)
        } else {
        }
        %add3A_196 = arith.constant 1 : i32
        %add3A_197 = arith.addi %add3A_130, %add3A_196 : i32
        %mul3A_198 = arith.constant 112 : i32
        %mul3A_199 = arith.muli %add3A_197, %mul3A_198 : i32
        %min3A_200 = arith.constant 99888 : i32
        %min3A_201 = arith.minsi %mul3A_199, %min3A_200 : i32
        %mul3A_202 = arith.constant 112 : i32
        %mul3A_203 = arith.muli %add3A_197, %mul3A_202 : i32
        %max3A_204 = arith.maxsi %reduce_max3A_19, %mul3A_203 : i32
        %mul3A_205 = arith.constant 112 : i32
        %mul3A_206 = arith.muli %add3A_197, %mul3A_205 : i32
        %add3A_207 = arith.constant 112 : i32
        %add3A_208 = arith.addi %mul3A_206, %add3A_207 : i32
        %min3A_209 = arith.minsi %reduce_max3A_31, %add3A_208 : i32
        %broadcast_in_dim3A_210 = vector.broadcast %max3A_204 : i32 to vector<16xi32>
        %broadcast_in_dim3A_211 = vector.broadcast %min3A_209 : i32 to vector<16xi32>
        %broadcast_in_dim3A_212 = vector.broadcast %mul3A_2 : i32 to vector<16xi32>
        %broadcast_in_dim3A_213 = vector.broadcast %min3A_201 : i32 to vector<16xi32>
        %add3A_214 = arith.addi %broadcast_in_dim3A_213, %iota3A : vector<16xi32>
        %parallel_loop3A_215 = arith.constant 0 : i32
        %parallel_loop3A_216 = arith.constant 112 : i32
        %parallel_loop3A_217 = arith.constant 16 : i32
        scf.for %parallel_loop3A_221 = %parallel_loop3A_215 to %parallel_loop3A_216 step %parallel_loop3A_217  : i32 {
          %parallel_loop3A_222 = vector.broadcast %parallel_loop3A_221 : i32 to vector<16xi32>
          %parallel_loop3A_223 = arith.addi %add3A_214, %parallel_loop3A_222 : vector<16xi32>
          %parallel_loop3A_224 = arith.cmpi sge, %parallel_loop3A_223, %broadcast_in_dim3A_210 : vector<16xi32>
          %parallel_loop3A_225 = arith.cmpi slt, %parallel_loop3A_223, %broadcast_in_dim3A_211 : vector<16xi32>
          %parallel_loop3A_226 = arith.andi %parallel_loop3A_224, %parallel_loop3A_225 : vector<16xi1>
          %parallel_loop3A_227 = arith.extui %parallel_loop3A_226 : vector<16xi1> to vector<16xi32>
          %parallel_loop3A_228 = arith.sitofp %parallel_loop3A_227 : vector<16xi32> to vector<16xf32>
          %parallel_loop3A_229 = arith.index_cast %parallel_loop3A_221 : i32 to index
          %parallel_loop3A_230 = tpu.vector_load %arg12[%parallel_loop3A_229] {strides = array<i32>} : memref<112xi32, #tpu.memory_space<vmem>>, vector<16xi32>,
          %parallel_loop3A_231 = arith.subi %parallel_loop3A_230, %broadcast_in_dim3A_212 : vector<16xi32>
          %parallel_loop3A_232 = arith.constant 0 : i32
          %parallel_loop3A_233 = vector.broadcast %parallel_loop3A_232 : i32 to vector<16xi32>
          %parallel_loop3A_234 = arith.maxsi %parallel_loop3A_231, %parallel_loop3A_233 : vector<16xi32>
          %parallel_loop3A_235 = arith.constant 31 : i32
          %parallel_loop3A_236 = vector.broadcast %parallel_loop3A_235 : i32 to vector<16xi32>
          %parallel_loop3A_237 = arith.minsi %parallel_loop3A_234, %parallel_loop3A_236 : vector<16xi32>
          %parallel_loop3A_238 = arith.constant 128 : i32
          %parallel_loop3A_239 = vector.broadcast %parallel_loop3A_238 : i32 to vector<16xi32>
          %parallel_loop3A_240 = arith.muli %parallel_loop3A_237, %parallel_loop3A_239 : vector<16xi32>
          %parallel_loop3A_241 = arith.index_cast %parallel_loop3A_221 : i32 to index
          %parallel_loop3A_242 = tpu.vector_load %arg10[%parallel_loop3A_241] {strides = array<i32>} : memref<112xf32, #tpu.memory_space<vmem>>, vector<16xf32>,
          %parallel_loop3A_243 = arith.mulf %parallel_loop3A_242, %parallel_loop3A_228 : vector<16xf32>
          %parallel_loop3A_244 = arith.index_cast %parallel_loop3A_221 : i32 to index
          %parallel_loop3A_245 = tpu.vector_load %arg10[%parallel_loop3A_244] {strides = array<i32>} : memref<112xf32, #tpu.memory_space<vmem>>, vector<16xf32>,
          tpu.vector_store %arg10[%parallel_loop3A_244], %parallel_loop3A_243 {strides = array<i32>} : memref<112xf32, #tpu.memory_space<vmem>>, vector<16xf32>,
          %parallel_loop3A_246 = arith.index_cast %parallel_loop3A_221 : i32 to index
          %parallel_loop3A_247 = tpu.vector_load %arg12[%parallel_loop3A_246] {strides = array<i32>} : memref<112xi32, #tpu.memory_space<vmem>>, vector<16xi32>,
          tpu.vector_store %arg12[%parallel_loop3A_246], %parallel_loop3A_240 {strides = array<i32>} : memref<112xi32, #tpu.memory_space<vmem>>, vector<16xi32>,
        } {sc.loop_unroll_factor = 1 : i64, sc.parallel_access}
        %parallel_loop3A_218 = arith.constant 0 : i32
        %parallel_loop3A_219 = arith.constant 112 : i32
        %parallel_loop3A_220 = arith.constant 1 : i32
        scf.for %parallel_loop3A_221 = %parallel_loop3A_218 to %parallel_loop3A_219 step %parallel_loop3A_220  : i32 {
          %parallel_loop3A_222 = vector.broadcast %parallel_loop3A_221 : i32 to vector<16xi32>
          %parallel_loop3A_223 = tpu.vector_load_idx %arg12[%parallel_loop3A_222] : memref<112xi32, #tpu.memory_space<vmem>>[vector<16xi32>], vector<16xi32>,
          %parallel_loop3A_224 = tpu.vector_load_idx %arg10[%parallel_loop3A_222] : memref<112xf32, #tpu.memory_space<vmem>>[vector<16xi32>], vector<16xf32>,
          %parallel_loop3A_225 = arith.constant 0 : i32
          %parallel_loop3A_226 = vector.broadcast %parallel_loop3A_225 : i32 to vector<16xi32>
          %parallel_loop3A_227 = arith.addi %iota3A, %parallel_loop3A_226 : vector<16xi32>
          %parallel_loop3A_228 = arith.addi %parallel_loop3A_223, %parallel_loop3A_227 : vector<16xi32>
          %parallel_loop3A_229 = arith.index_cast %parallel_loop3A_221 : i32 to index
          %parallel_loop3A_230 = arith.constant 0 : index
          %parallel_loop3A_231 = tpu.vector_load %arg8[%parallel_loop3A_229, %parallel_loop3A_230] {strides = array<i32>} : memref<112x128xf32, #tpu.memory_space<vmem>>, vector<16xf32>,
          %parallel_loop3A_232 = arith.mulf %parallel_loop3A_231, %parallel_loop3A_224 : vector<16xf32>
          tpu.vector_store_idx %arg14[%parallel_loop3A_228], %parallel_loop3A_232 {add = true} : memref<4096xf32, #tpu.memory_space<vmem>>[vector<16xi32>], vector<16xf32>,
          %parallel_loop3A_233 = arith.constant 16 : i32
          %parallel_loop3A_234 = vector.broadcast %parallel_loop3A_233 : i32 to vector<16xi32>
          %parallel_loop3A_235 = arith.addi %iota3A, %parallel_loop3A_234 : vector<16xi32>
          %parallel_loop3A_236 = arith.addi %parallel_loop3A_223, %parallel_loop3A_235 : vector<16xi32>
          %parallel_loop3A_237 = arith.index_cast %parallel_loop3A_221 : i32 to index
          %parallel_loop3A_238 = arith.constant 16 : index
          %parallel_loop3A_239 = tpu.vector_load %arg8[%parallel_loop3A_237, %parallel_loop3A_238] {strides = array<i32>} : memref<112x128xf32, #tpu.memory_space<vmem>>, vector<16xf32>,
          %parallel_loop3A_240 = arith.mulf %parallel_loop3A_239, %parallel_loop3A_224 : vector<16xf32>
          tpu.vector_store_idx %arg14[%parallel_loop3A_236], %parallel_loop3A_240 {add = true} : memref<4096xf32, #tpu.memory_space<vmem>>[vector<16xi32>], vector<16xf32>,
          %parallel_loop3A_241 = arith.constant 32 : i32
          %parallel_loop3A_242 = vector.broadcast %parallel_loop3A_241 : i32 to vector<16xi32>
          %parallel_loop3A_243 = arith.addi %iota3A, %parallel_loop3A_242 : vector<16xi32>
          %parallel_loop3A_244 = arith.addi %parallel_loop3A_223, %parallel_loop3A_243 : vector<16xi32>
          %parallel_loop3A_245 = arith.index_cast %parallel_loop3A_221 : i32 to index
          %parallel_loop3A_246 = arith.constant 32 : index
          %parallel_loop3A_247 = tpu.vector_load %arg8[%parallel_loop3A_245, %parallel_loop3A_246] {strides = array<i32>} : memref<112x128xf32, #tpu.memory_space<vmem>>, vector<16xf32>,
          %parallel_loop3A_248 = arith.mulf %parallel_loop3A_247, %parallel_loop3A_224 : vector<16xf32>
          tpu.vector_store_idx %arg14[%parallel_loop3A_244], %parallel_loop3A_248 {add = true} : memref<4096xf32, #tpu.memory_space<vmem>>[vector<16xi32>], vector<16xf32>,
          %parallel_loop3A_249 = arith.constant 48 : i32
          %parallel_loop3A_250 = vector.broadcast %parallel_loop3A_249 : i32 to vector<16xi32>
          %parallel_loop3A_251 = arith.addi %iota3A, %parallel_loop3A_250 : vector<16xi32>
          %parallel_loop3A_252 = arith.addi %parallel_loop3A_223, %parallel_loop3A_251 : vector<16xi32>
          %parallel_loop3A_253 = arith.index_cast %parallel_loop3A_221 : i32 to index
          %parallel_loop3A_254 = arith.constant 48 : index
          %parallel_loop3A_255 = tpu.vector_load %arg8[%parallel_loop3A_253, %parallel_loop3A_254] {strides = array<i32>} : memref<112x128xf32, #tpu.memory_space<vmem>>, vector<16xf32>,
          %parallel_loop3A_256 = arith.mulf %parallel_loop3A_255, %parallel_loop3A_224 : vector<16xf32>
          tpu.vector_store_idx %arg14[%parallel_loop3A_252], %parallel_loop3A_256 {add = true} : memref<4096xf32, #tpu.memory_space<vmem>>[vector<16xi32>], vector<16xf32>,
          %parallel_loop3A_257 = arith.constant 64 : i32
          %parallel_loop3A_258 = vector.broadcast %parallel_loop3A_257 : i32 to vector<16xi32>
          %parallel_loop3A_259 = arith.addi %iota3A, %parallel_loop3A_258 : vector<16xi32>
          %parallel_loop3A_260 = arith.addi %parallel_loop3A_223, %parallel_loop3A_259 : vector<16xi32>
          %parallel_loop3A_261 = arith.index_cast %parallel_loop3A_221 : i32 to index
          %parallel_loop3A_262 = arith.constant 64 : index
          %parallel_loop3A_263 = tpu.vector_load %arg8[%parallel_loop3A_261, %parallel_loop3A_262] {strides = array<i32>} : memref<112x128xf32, #tpu.memory_space<vmem>>, vector<16xf32>,
          %parallel_loop3A_264 = arith.mulf %parallel_loop3A_263, %parallel_loop3A_224 : vector<16xf32>
          tpu.vector_store_idx %arg14[%parallel_loop3A_260], %parallel_loop3A_264 {add = true} : memref<4096xf32, #tpu.memory_space<vmem>>[vector<16xi32>], vector<16xf32>,
          %parallel_loop3A_265 = arith.constant 80 : i32
          %parallel_loop3A_266 = vector.broadcast %parallel_loop3A_265 : i32 to vector<16xi32>
          %parallel_loop3A_267 = arith.addi %iota3A, %parallel_loop3A_266 : vector<16xi32>
          %parallel_loop3A_268 = arith.addi %parallel_loop3A_223, %parallel_loop3A_267 : vector<16xi32>
          %parallel_loop3A_269 = arith.index_cast %parallel_loop3A_221 : i32 to index
          %parallel_loop3A_270 = arith.constant 80 : index
          %parallel_loop3A_271 = tpu.vector_load %arg8[%parallel_loop3A_269, %parallel_loop3A_270] {strides = array<i32>} : memref<112x128xf32, #tpu.memory_space<vmem>>, vector<16xf32>,
          %parallel_loop3A_272 = arith.mulf %parallel_loop3A_271, %parallel_loop3A_224 : vector<16xf32>
          tpu.vector_store_idx %arg14[%parallel_loop3A_268], %parallel_loop3A_272 {add = true} : memref<4096xf32, #tpu.memory_space<vmem>>[vector<16xi32>], vector<16xf32>,
          %parallel_loop3A_273 = arith.constant 96 : i32
          %parallel_loop3A_274 = vector.broadcast %parallel_loop3A_273 : i32 to vector<16xi32>
          %parallel_loop3A_275 = arith.addi %iota3A, %parallel_loop3A_274 : vector<16xi32>
          %parallel_loop3A_276 = arith.addi %parallel_loop3A_223, %parallel_loop3A_275 : vector<16xi32>
          %parallel_loop3A_277 = arith.index_cast %parallel_loop3A_221 : i32 to index
          %parallel_loop3A_278 = arith.constant 96 : index
          %parallel_loop3A_279 = tpu.vector_load %arg8[%parallel_loop3A_277, %parallel_loop3A_278] {strides = array<i32>} : memref<112x128xf32, #tpu.memory_space<vmem>>, vector<16xf32>,
          %parallel_loop3A_280 = arith.mulf %parallel_loop3A_279, %parallel_loop3A_224 : vector<16xf32>
          tpu.vector_store_idx %arg14[%parallel_loop3A_276], %parallel_loop3A_280 {add = true} : memref<4096xf32, #tpu.memory_space<vmem>>[vector<16xi32>], vector<16xf32>,
          %parallel_loop3A_281 = arith.constant 112 : i32
          %parallel_loop3A_282 = vector.broadcast %parallel_loop3A_281 : i32 to vector<16xi32>
          %parallel_loop3A_283 = arith.addi %iota3A, %parallel_loop3A_282 : vector<16xi32>
          %parallel_loop3A_284 = arith.addi %parallel_loop3A_223, %parallel_loop3A_283 : vector<16xi32>
          %parallel_loop3A_285 = arith.index_cast %parallel_loop3A_221 : i32 to index
          %parallel_loop3A_286 = arith.constant 112 : index
          %parallel_loop3A_287 = tpu.vector_load %arg8[%parallel_loop3A_285, %parallel_loop3A_286] {strides = array<i32>} : memref<112x128xf32, #tpu.memory_space<vmem>>, vector<16xf32>,
          %parallel_loop3A_288 = arith.mulf %parallel_loop3A_287, %parallel_loop3A_224 : vector<16xf32>
          tpu.vector_store_idx %arg14[%parallel_loop3A_284], %parallel_loop3A_288 {add = true} : memref<4096xf32, #tpu.memory_space<vmem>>[vector<16xi32>], vector<16xf32>,
          %parallel_loop3A_289 = arith.constant 3 : i32
          %parallel_loop3A_290 = vector.broadcast %parallel_loop3A_289 : i32 to vector<16xi32>
          %parallel_loop3A_291 = arith.shrsi %parallel_loop3A_223, %parallel_loop3A_290 : vector<16xi32>
          %parallel_loop3A_292 = arith.addi %parallel_loop3A_291, %iota3A : vector<16xi32>
          %parallel_loop3A_293 = arith.mulf %parallel_loop3A_224, %convert_element_type3A_5 : vector<16xf32>
          tpu.vector_store_idx %arg15[%parallel_loop3A_292], %parallel_loop3A_293 {add = true} : memref<512xf32, #tpu.memory_space<vmem>>[vector<16xi32>], vector<16xf32>,
        } {sc.loop_unroll_factor = 8 : i64, sc.parallel_access}
      } else {
      }
      %while3A_175 = arith.constant 0 : i32
      scf.yield %while3A_175 : i32
    }
    %broadcast_in_dim3A_116 = arith.constant 1.000000e+00 : f32
    %broadcast_in_dim3A_117 = vector.broadcast %broadcast_in_dim3A_116 : f32 to vector<16xf32>
    %scan3A = arith.constant 0 : i32
    %scan3A_118 = arith.constant 0 : i32
    %scan3A_119 = arith.constant 32 : i32
    %scan3A_120 = arith.addi %scan3A_118, %scan3A_119 : i32
    %scan3A_121 = arith.constant 1 : i32
    %scan3A_122 = scf.for %scan3A_126 = %scan3A_118 to %scan3A_120 step %scan3A_121 iter_args(%scan3A_127 = %scan3A) -> (i32)  : i32 {
      %mul3A_128 = arith.constant 16 : i32
      %mul3A_129 = arith.muli %scan3A_126, %mul3A_128 : i32
      %broadcast_in_dim3A_130 = vector.broadcast %mul3A_129 : i32 to vector<16xi32>
      %gather3A_131 = tpu.vector_load_idx %arg15[%broadcast_in_dim3A_130] : memref<512xf32, #tpu.memory_space<vmem>>[vector<16xi32>], vector<16xf32>,
      %gt3A = arith.constant 0.000000e+00 : f32
      %gt3A_132 = vector.broadcast %gt3A : f32 to vector<16xf32>
      %gt3A_133 = arith.cmpf ogt, %gather3A_131, %gt3A_132 : vector<16xf32>
      %select_n3A_134 = arith.select %gt3A_133, %gather3A_131, %broadcast_in_dim3A_117 : vector<16xi1>, vector<16xf32>
      %div3A_135 = arith.divf %broadcast_in_dim3A_117, %select_n3A_134 : vector<16xf32>
      %mul3A_136 = arith.constant 128 : i32
      %mul3A_137 = arith.muli %scan3A_126, %mul3A_136 : i32
      %add3A_138 = arith.constant 0 : i32
      %add3A_139 = arith.addi %mul3A_137, %add3A_138 : i32
      %get3A = arith.index_cast %add3A_139 : i32 to index
      %get3A_140 = tpu.vector_load %arg14[%get3A] {strides = array<i32>} : memref<4096xf32, #tpu.memory_space<vmem>>, vector<16xf32>,
      %mul3A_141 = arith.mulf %get3A_140, %div3A_135 : vector<16xf32>
      %swap3A = arith.index_cast %add3A_139 : i32 to index
      %swap3A_142 = tpu.vector_load %arg14[%swap3A] {strides = array<i32>} : memref<4096xf32, #tpu.memory_space<vmem>>, vector<16xf32>,
      tpu.vector_store %arg14[%swap3A], %mul3A_141 {strides = array<i32>} : memref<4096xf32, #tpu.memory_space<vmem>>, vector<16xf32>,
      %mul3A_143 = arith.constant 128 : i32
      %mul3A_144 = arith.muli %scan3A_126, %mul3A_143 : i32
      %add3A_145 = arith.constant 16 : i32
      %add3A_146 = arith.addi %mul3A_144, %add3A_145 : i32
      %get3A_147 = arith.index_cast %add3A_146 : i32 to index
      %get3A_148 = tpu.vector_load %arg14[%get3A_147] {strides = array<i32>} : memref<4096xf32, #tpu.memory_space<vmem>>, vector<16xf32>,
      %mul3A_149 = arith.mulf %get3A_148, %div3A_135 : vector<16xf32>
      %swap3A_150 = arith.index_cast %add3A_146 : i32 to index
      %swap3A_151 = tpu.vector_load %arg14[%swap3A_150] {strides = array<i32>} : memref<4096xf32, #tpu.memory_space<vmem>>, vector<16xf32>,
      tpu.vector_store %arg14[%swap3A_150], %mul3A_149 {strides = array<i32>} : memref<4096xf32, #tpu.memory_space<vmem>>, vector<16xf32>,
      %mul3A_152 = arith.constant 128 : i32
      %mul3A_153 = arith.muli %scan3A_126, %mul3A_152 : i32
      %add3A_154 = arith.constant 32 : i32
      %add3A_155 = arith.addi %mul3A_153, %add3A_154 : i32
      %get3A_156 = arith.index_cast %add3A_155 : i32 to index
      %get3A_157 = tpu.vector_load %arg14[%get3A_156] {strides = array<i32>} : memref<4096xf32, #tpu.memory_space<vmem>>, vector<16xf32>,
      %mul3A_158 = arith.mulf %get3A_157, %div3A_135 : vector<16xf32>
      %swap3A_159 = arith.index_cast %add3A_155 : i32 to index
      %swap3A_160 = tpu.vector_load %arg14[%swap3A_159] {strides = array<i32>} : memref<4096xf32, #tpu.memory_space<vmem>>, vector<16xf32>,
      tpu.vector_store %arg14[%swap3A_159], %mul3A_158 {strides = array<i32>} : memref<4096xf32, #tpu.memory_space<vmem>>, vector<16xf32>,
      %mul3A_161 = arith.constant 128 : i32
      %mul3A_162 = arith.muli %scan3A_126, %mul3A_161 : i32
      %add3A_163 = arith.constant 48 : i32
      %add3A_164 = arith.addi %mul3A_162, %add3A_163 : i32
      %get3A_165 = arith.index_cast %add3A_164 : i32 to index
      %get3A_166 = tpu.vector_load %arg14[%get3A_165] {strides = array<i32>} : memref<4096xf32, #tpu.memory_space<vmem>>, vector<16xf32>,
      %mul3A_167 = arith.mulf %get3A_166, %div3A_135 : vector<16xf32>
      %swap3A_168 = arith.index_cast %add3A_164 : i32 to index
      %swap3A_169 = tpu.vector_load %arg14[%swap3A_168] {strides = array<i32>} : memref<4096xf32, #tpu.memory_space<vmem>>, vector<16xf32>,
      tpu.vector_store %arg14[%swap3A_168], %mul3A_167 {strides = array<i32>} : memref<4096xf32, #tpu.memory_space<vmem>>, vector<16xf32>,
      %mul3A_170 = arith.constant 128 : i32
      %mul3A_171 = arith.muli %scan3A_126, %mul3A_170 : i32
      %add3A_172 = arith.constant 64 : i32
      %add3A_173 = arith.addi %mul3A_171, %add3A_172 : i32
      %get3A_174 = arith.index_cast %add3A_173 : i32 to index
      %get3A_175 = tpu.vector_load %arg14[%get3A_174] {strides = array<i32>} : memref<4096xf32, #tpu.memory_space<vmem>>, vector<16xf32>,
      %mul3A_176 = arith.mulf %get3A_175, %div3A_135 : vector<16xf32>
      %swap3A_177 = arith.index_cast %add3A_173 : i32 to index
      %swap3A_178 = tpu.vector_load %arg14[%swap3A_177] {strides = array<i32>} : memref<4096xf32, #tpu.memory_space<vmem>>, vector<16xf32>,
      tpu.vector_store %arg14[%swap3A_177], %mul3A_176 {strides = array<i32>} : memref<4096xf32, #tpu.memory_space<vmem>>, vector<16xf32>,
      %mul3A_179 = arith.constant 128 : i32
      %mul3A_180 = arith.muli %scan3A_126, %mul3A_179 : i32
      %add3A_181 = arith.constant 80 : i32
      %add3A_182 = arith.addi %mul3A_180, %add3A_181 : i32
      %get3A_183 = arith.index_cast %add3A_182 : i32 to index
      %get3A_184 = tpu.vector_load %arg14[%get3A_183] {strides = array<i32>} : memref<4096xf32, #tpu.memory_space<vmem>>, vector<16xf32>,
      %mul3A_185 = arith.mulf %get3A_184, %div3A_135 : vector<16xf32>
      %swap3A_186 = arith.index_cast %add3A_182 : i32 to index
      %swap3A_187 = tpu.vector_load %arg14[%swap3A_186] {strides = array<i32>} : memref<4096xf32, #tpu.memory_space<vmem>>, vector<16xf32>,
      tpu.vector_store %arg14[%swap3A_186], %mul3A_185 {strides = array<i32>} : memref<4096xf32, #tpu.memory_space<vmem>>, vector<16xf32>,
      %mul3A_188 = arith.constant 128 : i32
      %mul3A_189 = arith.muli %scan3A_126, %mul3A_188 : i32
      %add3A_190 = arith.constant 96 : i32
      %add3A_191 = arith.addi %mul3A_189, %add3A_190 : i32
      %get3A_192 = arith.index_cast %add3A_191 : i32 to index
      %get3A_193 = tpu.vector_load %arg14[%get3A_192] {strides = array<i32>} : memref<4096xf32, #tpu.memory_space<vmem>>, vector<16xf32>,
      %mul3A_194 = arith.mulf %get3A_193, %div3A_135 : vector<16xf32>
      %swap3A_195 = arith.index_cast %add3A_191 : i32 to index
      %swap3A_196 = tpu.vector_load %arg14[%swap3A_195] {strides = array<i32>} : memref<4096xf32, #tpu.memory_space<vmem>>, vector<16xf32>,
      tpu.vector_store %arg14[%swap3A_195], %mul3A_194 {strides = array<i32>} : memref<4096xf32, #tpu.memory_space<vmem>>, vector<16xf32>,
      %mul3A_197 = arith.constant 128 : i32
      %mul3A_198 = arith.muli %scan3A_126, %mul3A_197 : i32
      %add3A_199 = arith.constant 112 : i32
      %add3A_200 = arith.addi %mul3A_198, %add3A_199 : i32
      %get3A_201 = arith.index_cast %add3A_200 : i32 to index
      %get3A_202 = tpu.vector_load %arg14[%get3A_201] {strides = array<i32>} : memref<4096xf32, #tpu.memory_space<vmem>>, vector<16xf32>,
      %mul3A_203 = arith.mulf %get3A_202, %div3A_135 : vector<16xf32>
      %swap3A_204 = arith.index_cast %add3A_200 : i32 to index
      %swap3A_205 = tpu.vector_load %arg14[%swap3A_204] {strides = array<i32>} : memref<4096xf32, #tpu.memory_space<vmem>>, vector<16xf32>,
      tpu.vector_store %arg14[%swap3A_204], %mul3A_203 {strides = array<i32>} : memref<4096xf32, #tpu.memory_space<vmem>>, vector<16xf32>,
      %scan3A_206 = arith.constant 0 : i32
      scf.yield %scan3A_206 : i32
    }
    %scan3A_123 = arith.constant 32 : i32
    %mul3A_124 = arith.constant 128 : i32
    %mul3A_125 = arith.muli %mul3A_2, %mul3A_124 : i32
    "tpu.region"() ({
      %run_scoped3A = tpu.sem_alloc : memref<!tpu.dma_semaphore, #tpu.memory_space<semaphore_mem>>
      %dma_start3A = tpu.memref_slice %arg6[%mul3A_125] : memref<131072xf32, #tpu.memory_space<hbm>> -> memref<4096xf32, #tpu.memory_space<hbm>>
      %dma_start3A_126 = tpu.memref_slice %arg6[%mul3A_125] : memref<131072xf32, #tpu.memory_space<hbm>> -> memref<4096xf32, #tpu.memory_space<hbm>>
      tpu.enqueue_dma source(%arg14 : memref<4096xf32, #tpu.memory_space<vmem>>) target(%dma_start3A_126 : memref<4096xf32, #tpu.memory_space<hbm>>) target_semaphore(%run_scoped3A : memref<!tpu.dma_semaphore, #tpu.memory_space<semaphore_mem>>)
      %dma_wait3A = tpu.memref_slice %arg6[%mul3A_125] : memref<131072xf32, #tpu.memory_space<hbm>> -> memref<4096xf32, #tpu.memory_space<hbm>>
      %dma_wait3A_127 = tpu.memref_slice %arg6[%mul3A_125] : memref<131072xf32, #tpu.memory_space<hbm>> -> memref<4096xf32, #tpu.memory_space<hbm>>
      tpu.wait_dma2 semaphore(%run_scoped3A : memref<!tpu.dma_semaphore, #tpu.memory_space<semaphore_mem>>) src(%arg14 : memref<4096xf32, #tpu.memory_space<vmem>>) dst(%dma_wait3A_127 : memref<4096xf32, #tpu.memory_space<hbm>>)
      tpu.yield
    }) : () -> ()
    return
  }
}

module attributes {stable_mosaic.version = 14 : i64} {
  func.func @_ex_body(%arg0: i32, %arg1: memref<10000x128xf32, #tpu.memory_space<vmem>>, %arg2: memref<128x64xf32, #tpu.memory_space<vmem>>, %arg3: memref<1x64xf32, #tpu.memory_space<vmem>>, %arg4: memref<1x64xf32, #tpu.memory_space<vmem>>, %arg5: memref<1x1x10000xf32, #tpu.memory_space<vmem>>) attributes {dimension_semantics = [#tpu.dimension_semantics<arbitrary>], iteration_bounds = array<i64: 10>, scalar_prefetch = 0 : i64, scratch_operands = 0 : i64, tpu.core_type = #tpu.core_type<tc>, window_params = [{transform_indices = @transform_0, window_bounds = array<i64: 10000, 128>}, {pipeline_mode = #tpu.pipeline_mode<synchronous>, transform_indices = @transform_1, window_bounds = array<i64: 128, 64>}, {pipeline_mode = #tpu.pipeline_mode<synchronous>, transform_indices = @transform_2, window_bounds = array<i64: 1, 64>}, {pipeline_mode = #tpu.pipeline_mode<synchronous>, transform_indices = @transform_3, window_bounds = array<i64: 1, 64>}, {transform_indices = @transform_4, window_bounds = array<i64: 1, 1, 10000>}]} {
    %get3A = arith.constant 0 : index
    %get3A_0 = arith.constant 0 : index
    %get3A_1 = vector.load %arg1[%get3A, %get3A_0] : memref<10000x128xf32, #tpu.memory_space<vmem>>, vector<10000x128xf32>
    %get3A_2 = arith.constant 0 : index
    %get3A_3 = arith.constant 0 : index
    %get3A_4 = vector.load %arg2[%get3A_2, %get3A_3] : memref<128x64xf32, #tpu.memory_space<vmem>>, vector<128x64xf32>
    %dot_general3A = arith.constant dense<0.000000e+00> : vector<10000x64xf32>
    %dot_general3A_5 = tpu.matmul %get3A_1, %get3A_4, %dot_general3A {dimension_numbers = #tpu.dot_dimension_numbers<[1], [0], [0], [1], [0, 0, 1, 1], [], []>, transpose_lhs_hint = false} : vector<10000x128xf32>, vector<128x64xf32>, vector<10000x64xf32> -> vector<10000x64xf32>
    %get3A_6 = arith.constant 0 : index
    %get3A_7 = arith.constant 0 : index
    %get3A_8 = vector.load %arg3[%get3A_6, %get3A_7] : memref<1x64xf32, #tpu.memory_space<vmem>>, vector<1x64xf32>
    %add3A = vector.broadcast %get3A_8 : vector<1x64xf32> to vector<10000x64xf32>
    %add3A_9 = arith.addf %dot_general3A_5, %add3A : vector<10000x64xf32>
    %mul3A = arith.constant 5.000000e-01 : f32
    %mul3A_10 = vector.broadcast %mul3A : f32 to vector<10000x64xf32>
    %mul3A_11 = arith.mulf %mul3A_10, %add3A_9 : vector<10000x64xf32>
    %mul3A_12 = arith.constant 0.707106769 : f32
    %mul3A_13 = vector.broadcast %mul3A_12 : f32 to vector<10000x64xf32>
    %mul3A_14 = arith.mulf %add3A_9, %mul3A_13 : vector<10000x64xf32>
    %erf3A = math.erf %mul3A_14 : vector<10000x64xf32>
    %add3A_15 = arith.constant 1.000000e+00 : f32
    %add3A_16 = vector.broadcast %add3A_15 : f32 to vector<10000x64xf32>
    %add3A_17 = arith.addf %add3A_16, %erf3A : vector<10000x64xf32>
    %mul3A_18 = arith.mulf %mul3A_11, %add3A_17 : vector<10000x64xf32>
    %get3A_19 = arith.constant 0 : index
    %get3A_20 = arith.constant 0 : index
    %get3A_21 = vector.load %arg4[%get3A_19, %get3A_20] : memref<1x64xf32, #tpu.memory_space<vmem>>, vector<1x64xf32>
    %mul3A_22 = vector.broadcast %get3A_21 : vector<1x64xf32> to vector<10000x64xf32>
    %mul3A_23 = arith.mulf %mul3A_18, %mul3A_22 : vector<10000x64xf32>
    %reduce_sum3A = arith.constant dense<0.000000e+00> : vector<10000xf32>
    %reduce_sum3A_24 = vector.multi_reduction <add>, %mul3A_23, %reduce_sum3A [1] : vector<10000x64xf32> to vector<10000xf32>
    %exp3A = math.exp %reduce_sum3A_24 : vector<10000xf32>
    %swap3A = arith.constant 0 : index
    %swap3A_25 = arith.constant 0 : index
    %swap3A_26 = arith.constant 0 : index
    %swap3A_27 = vector.load %arg5[%swap3A, %swap3A_25, %swap3A_26] : memref<1x1x10000xf32, #tpu.memory_space<vmem>>, vector<1x1x10000xf32>
    %swap3A_28 = vector.shape_cast %swap3A_27 : vector<1x1x10000xf32> to vector<10000xf32>
    %swap3A_29 = vector.shape_cast %exp3A : vector<10000xf32> to vector<1x1x10000xf32>
    tpu.vector_store %arg5[%swap3A, %swap3A_25, %swap3A_26], %swap3A_29 {strides = array<i32>} : memref<1x1x10000xf32, #tpu.memory_space<vmem>>, vector<1x1x10000xf32>,
    return
  }
  func.func @transform_0(%arg0: i32) -> (i32, i32) {
    %c0_i32 = arith.constant 0 : i32
    %c0_i32_0 = arith.constant 0 : i32
    return %arg0, %c0_i32 : i32, i32
  }
  func.func @transform_1(%arg0: i32) -> (i32, i32) {
    %c0_i32 = arith.constant 0 : i32
    %c0_i32_0 = arith.constant 0 : i32
    %c0_i32_1 = arith.constant 0 : i32
    return %c0_i32, %c0_i32_0 : i32, i32
  }
  func.func @transform_2(%arg0: i32) -> (i32, i32) {
    %c0_i32 = arith.constant 0 : i32
    %c0_i32_0 = arith.constant 0 : i32
    %c0_i32_1 = arith.constant 0 : i32
    return %c0_i32, %c0_i32_0 : i32, i32
  }
  func.func @transform_3(%arg0: i32) -> (i32, i32) {
    %c0_i32 = arith.constant 0 : i32
    %c0_i32_0 = arith.constant 0 : i32
    %c0_i32_1 = arith.constant 0 : i32
    return %c0_i32, %c0_i32_0 : i32, i32
  }
  func.func @transform_4(%arg0: i32) -> (i32, i32, i32) {
    %c0_i32 = arith.constant 0 : i32
    %c0_i32_0 = arith.constant 0 : i32
    %c0_i32_1 = arith.constant 0 : i32
    return %arg0, %c0_i32, %c0_i32_0 : i32, i32, i32
  }
}

</mosaic_0001>

<sc_bundles>
// kernel: kernel.4.cloned.1.call-start
scs
__scs_entry_jumppad:
0x0: {  	(pc) =	sbr.rel $0x88, $3  }
0x1: {  	(tag) =	ssettag $0x0;
	lr =	simm.s32 $0x1  }
0x2: {  	[smem:$0x3F9C] =	sst lr;
	_ =	strace $0xD0000000  }
0x3: {  	_ = 	snop  }
0x4: {  	_ = 	snop  }
0x5: {  	_ = 	snop  }
0x6: {  	_ = 	snop  }
0x7: {  	_ = 	snop  }
__scs_overlays_trampoline_lowered:
0x8: {  	[smem:$0x3FAB] =	sst s0  }
0x9: {  	[smem:$0x3FAC] =	sst s1  }
0xa: {  	[smem:$0x3FAD] =	sst s2  }
0xb: {  	[smem:$0x3FAE] =	sst s3  }
0xc: {  	[smem:$0x3FAF] =	sst s4  }
0xd: {  	[smem:$0x3FB0] =	sst s5  }
0xe: {  	[smem:$0x3FB1] =	sst s6  }
0xf: {  	[smem:$0x3FB2] =	sst s7  }
0x10: {  	[smem:$0x3FB3] =	sst s8  }
0x11: {  	[smem:$0x3FB4] =	sst s9;
	s0 =	simm.s32 @!p0 $0x0  }
0x12: {  	s1 =	sld [smem:$0x3F9A];
	s0 =	simm.s32 @p0 $0x1  }
0x13: {  	[smem:$0x3FB5] =	sst s0;
	s0 =	simm.s32 @!p1 $0x0  }
0x14: {  	s2 =	sld [smem:$0x3F99];
	s0 =	simm.s32 @p1 $0x1  }
0x15: {  	[smem:$0x3FB6] =	sst s0;
	s0 =	simm.s32 @!p2 $0x0  }
0x16: {  	s3 =	sld [smem:$0x3FDB];
	s0 =	simm.s32 @p2 $0x1  }
0x17: {  	s4 =	simm.s32 $0x1BF5;
	[smem:$0x3FB8] =	sst s0  }
0x18: {  	s0 =	sld [smem:$0x3F9B];
	_ =	swait.ge [sflag:s4], $0x0  }
0x19: {  	s7 =	sld [smem:$0x3F9C]  }
0x1a: {  	s8 =	sadd.s32 $0xFFFFE003, lr  }
0x1b: {  	s9 =	sadd.s32 $0xFFFFFEF7, lr;
	s5 =	simm.s32 $0xFFFFFFFF;
	p2 =	slt.u32 s8, $0xFFFFF086  }
0x1c: {  	p1 =	slt.u32 s9, $0xF7A;
	s5 =	simm.s32 @!p2 $0x0  }
0x1d: {  	s5 =	simm.s32 @p1 $0x1;
	p0 =	seq.s32 s7, s2  }
0x1e: {  	s7 =	smul.u32 @!p0 $0xF7A, s2;
	p2 =	seq.s32 @!p0 s5, $0x0  }
0x1f: {  	s9 =	smul.u32 $0xF7A, s1;
	s8 =	simm.s32 @!p0 $0x1BF5;
	p2 =	por !p2, p0  }
0x20: {  	[sflag:s8] =	ssyncset.s32 @!p0 $0xFFFFF086;
	s6 =	sadd.s32 @!p0 s3, s7;
	s7 =	simm.s32 @!p0 $0x108  }
0x21: {  	s3 =	sadd.s32 s3, s9;
	s6 =	sadd.s32 @!p0 $0x88, s6;
	s7 =	simm.s32 @p2 $0x1082  }
0x22: {  	[simem:s7], [sflag:s8] =	dma.local @!p0 [hbm:s6], $0xF7A  }
0x23: {  	s9 =	sor.u32 $0xD0000000, s2;
	s6 =	simm.s32 $0x108;
	_ =	swait.ge @!p0 [sflag:s8], $0x0  }
0x24: {  	s3 =	sadd.s32 $0x88, s3;
	s6 =	simm.s32 @!p1 $0x1082;
	[sflag:s4] =	ssyncset.s32 $0xFFFFF086  }
0x25: {  	[simem:s6], [sflag:s4] =	dma.local [hbm:s3], $0xF7A  }
0x26: {  	[smem:$0x3F9C] =	sst s1;
	(tag) =	ssettag s2;
	_ =	strace s9  }
0x27: {  	s1 =	sld [smem:$0x3FAC]  }
0x28: {  	s2 =	sld [smem:$0x3FAD]  }
0x29: {  	s4 =	sld [smem:$0x3FAF]  }
0x2a: {  	p0 =	seq.s32 s5, $0x0;
	s5 =	sld [smem:$0x3FB0]  }
0x2b: {  	s6 =	sld [smem:$0x3FB1]  }
0x2c: {  	s7 =	sld [smem:$0x3FB2]  }
0x2d: {  	s3 =	simm.s32 $0x108;
	s8 =	sld [smem:$0x3FB3]  }
0x2e: {  	s3 =	simm.s32 @!p0 $0x1082;
	s9 =	sld [smem:$0x3FB4]  }
0x2f: {  	lr =	sadd.s32 s0, s3;
	s0 =	sld [smem:$0x3FAB]  }
0x30: {  	s3 =	sld [smem:$0x3FAE]  }
0x31: {  	[smem:$0x3FB7] =	sst s10  }
0x32: {  	s10 =	sld [smem:$0x3FB5];
	_ =	sdelay $0x3  }
0x33: {  	p0 =	seq.s32 s10, $0x1;
	s10 =	sld [smem:$0x3FB7];
	_ =	sdelay $0x3  }
0x34: {  	[smem:$0x3FB7] =	sst s10  }
0x35: {  	s10 =	sld [smem:$0x3FB6];
	_ =	sdelay $0x3  }
0x36: {  	p1 =	seq.s32 s10, $0x1;
	s10 =	sld [smem:$0x3FB7];
	_ =	sdelay $0x3  }
0x37: {  	[smem:$0x3FB7] =	sst s10  }
0x38: {  	s10 =	sld [smem:$0x3FB8]  }
0x39: {  	_ = 	snop;
	(pc) =	sbr.ind lr, $3  }
0x3a: {  	_ = 	snop  }
0x3b: {  	_ = 	snop  }
0x3c: {  	p2 =	seq.s32 s10, $0x1;
	s10 =	sld [smem:$0x3FB7]  }
0x3d: {  	_ =	shalt  }
0x3e: {  	_ =	shalt  }
0x3f: {  	_ =	shalt  }
0x40: {  	_ =	shalt  }
0x41: {  	_ =	shalt  }
0x42: {  	_ =	shalt  }
0x43: {  	_ =	shalt  }
0x44: {  	_ =	shalt  }
0x45: {  	_ =	shalt  }
0x46: {  	_ =	shalt  }
0x47: {  	_ =	shalt  }
0x48: {  	_ =	shalt  }
0x49: {  	_ =	shalt  }
0x4a: {  	_ =	shalt  }
0x4b: {  	_ =	shalt  }
0x4c: {  	_ =	shalt  }
0x4d: {  	_ =	shalt  }
0x4e: {  	_ =	shalt  }
0x4f: {  	_ =	shalt  }
0x50: {  	_ =	shalt  }
0x51: {  	_ =	shalt  }
0x52: {  	_ =	shalt  }
0x53: {  	_ =	shalt  }
0x54: {  	_ =	shalt  }
0x55: {  	_ =	shalt  }
0x56: {  	_ =	shalt  }
0x57: {  	_ =	shalt  }
0x58: {  	_ =	shalt  }
0x59: {  	_ =	shalt  }
0x5a: {  	_ =	shalt  }
0x5b: {  	_ =	shalt  }
0x5c: {  	_ =	shalt  }
0x5d: {  	_ =	shalt  }
0x5e: {  	_ =	shalt  }
0x5f: {  	_ =	shalt  }
0x60: {  	_ =	shalt  }
0x61: {  	_ =	shalt  }
0x62: {  	_ =	shalt  }
0x63: {  	_ =	shalt  }
0x64: {  	_ =	shalt  }
0x65: {  	_ =	shalt  }
0x66: {  	_ =	shalt  }
0x67: {  	_ =	shalt  }
0x68: {  	_ =	shalt  }
0x69: {  	_ =	shalt  }
0x6a: {  	_ =	shalt  }
0x6b: {  	_ =	shalt  }
0x6c: {  	_ =	shalt  }
0x6d: {  	_ =	shalt  }
0x6e: {  	_ =	shalt  }
0x6f: {  	_ =	shalt  }
0x70: {  	_ =	shalt  }
0x71: {  	_ =	shalt  }
0x72: {  	_ =	shalt  }
0x73: {  	_ =	shalt  }
0x74: {  	_ =	shalt  }
0x75: {  	_ =	shalt  }
0x76: {  	_ =	shalt  }
0x77: {  	_ =	shalt  }
0x78: {  	_ =	shalt  }
0x79: {  	_ =	shalt  }
0x7a: {  	_ =	shalt  }
0x7b: {  	_ =	shalt  }
0x7c: {  	_ =	shalt  }
0x7d: {  	_ =	shalt  }
0x7e: {  	_ =	shalt  }
0x7f: {  	_ =	shalt  }
0x80: {  	_ =	shalt  }
0x81: {  	_ =	shalt  }
0x82: {  	_ =	shalt  }
0x83: {  	_ =	shalt  }
0x84: {  	_ =	shalt  }
0x85: {  	_ =	shalt  }
0x86: {  	_ =	shalt  }
0x87: {  	_ =	shalt  }
.Lfunc_end0:
.L_simem_size_0:
called_computation_lowered:
.L_overlay_start_0:
0x88: {  	s2 =	sld [smem:$0x3FD9]  }
0x89: {  	s3 =	sld [smem:$0x3FFE];
	_ =	sdelay $0x1  }
0x8a: {  	s1 =	srdreg.scid  }
0x8b: {  	s0 =	sand.u32 $0x1, s1  }
0x8c: {  	s17 =	sshll.u32 s0, $0xA;
	s2 =	sadd.s32 s3, s2  }
0x8d: {  	s2 =	sadd.s32 s2, s17  }
0x8e: {  	[smem:$0x3FC3] =	sst s2  }
0x8f: {  	_ = 	snop  }
0x90: {  	s2 =	sld [smem:$0x3FC9]  }
0x91: {  	s18 =	sld [smem:$0x3FC8]  }
0x92: {  	s4 =	sld [smem:$0x3FD0];
	(tm) =	ssettm $0x1  }
0x93: {  	s5 =	sld [smem:$0x3FFB];
	_ =	sdelay $0x3  }
0x94: {  	_ =	strace s5  }
0x95: {  	s5 =	sld [smem:$0x3FFC];
	_ =	sdelay $0x3  }
0x96: {  	_ =	strace s5  }
0x97: {  	s5 =	sld [smem:$0x3FFD];
	_ =	sdelay $0x3  }
0x98: {  	_ =	strace s5  }
0x99: {  	_ =	strace $0x8FFFFFFF  }
0x9a: {  	s19 =	sld [smem:$0x3FDB];
	_ =	sdelay $0x1  }
0x9b: {  	s6 =	simm.s32 $_scs_section_size  }
0x9c: {  	s7 =	simm.s32 $_size__tile_overlayer_lowered;
	s8 =	simm.s32 $_tile_overlayer_lowered  }
0x9d: {  	s22 =	simm.s32 $0x1BFF;
	s21 =	sshll.u32 s8, $0x1;
	s5 =	sadd.s32 s6, s19  }
0x9e: {  	s9 =	simm.s32 $0x0;
	s20 =	sshll.u32 s7, $0x1;
	s7 =	sadd.s32 s21, s5  }
0x9f: {  	[timem:s9], [sflag:s22] =	dma.local [hbm:s7], s20  }
0xa0: {  	_ =	swait.ge [sflag:s22], s20  }
0xa1: {  	s6 =	ssub.s32 $0x0, s20;
	[sflag:s22] =	ssyncset.done $0x0  }
0xa2: {  	[sflag:s22] =	ssyncadd.s32 s6;
	_ =	sdelay $0x1  }
0xa3: {  	s23 =	simm.s32 $0x1B8B  }
0xa4: {  	_ =	swait.ge [sflag:s23], $0x1  }
0xa5: {  	[sflag:s23] =	ssyncset.done $0x0  }
0xa6: {  	s25 =	simm.s32 $0x1B8E;
	s24 =	sld [smem:$0x3FFE];
	[sflag:s23] =	ssyncadd.s32 $0xFFFFFFFF  }
0xa7: {  	s26 =	simm.s32 $execute0_lowered;
	[smem:$0x3FD2] =	sst s25  }
0xa8: {  	s7 =	sshll.u32 s26, $0x1;
	_ =	strace $0x80000046;
	[dreg:$0x1] =	wrdreg $0xFFFFFFFF  }
0xa9: {  	s28 =	simm.s32 $_size_execute0_lowered;
	s5 =	sadd.s32 s5, s7;
	[dreg:$0x0] =	wrdreg $0x0  }
0xaa: {  	s7 =	sshll.u32 s28, $0x1;
	[dreg:$0x2] =	wrdreg s5  }
0xab: {  	[dreg:$0x3] =	wrdreg s7  }
0xac: {  	[dreg:$0x4] =	wrdreg $0xC0  }
0xad: {  	_ =	task [dreg:s9], $0x5FFFF  }
0xae: {  	[dreg:$0x1] =	wrdreg $0xFFFFFFFF  }
0xaf: {  	[dreg:$0x0] =	wrdreg $0x60  }
0xb0: {  	[dreg:$0x2] =	wrdreg s2  }
0xb1: {  	[dreg:$0x3] =	wrdreg s24  }
0xb2: {  	[dreg:$0x4] =	wrdreg s18  }
0xb3: {  	[dreg:$0x5] =	wrdreg s4  }
0xb4: {  	[dreg:$0x6] =	wrdreg $0x9  }
0xb5: {  	_ =	task.clear_ibuf [dreg:s9], $0x7FFFF;
	_ =	strace $0x90000046  }
0xb6: {  	s29 =	simm.s32 $0x9;
	_ =	strace $0x80000048  }
0xb7: {  	_ =	swait.ge [sflag:s29], $0x1  }
0xb8: {  	[sflag:s29] =	ssyncadd.s32 $0xFFFFFFFF  }
0xb9: {  	_ =	strace $0x90000048  }
0xba: {  	_ =	sfence  }
0xbb: {  	s30 =	sld [smem:$0x0];
	_ =	sdelay $0x2  }
0xbc: {  	s31 =	sshll.u32 s1, $0xD;
	s1 =	sshrl.u32 s1, $0x2  }
0xbd: {  	s3 =	sand.u32 $0x4000, s31;
	s1 =	sadd.s32 s1, s30  }
0xbe: {  	s0 =	sor.u32 s3, s0;
	s1 =	sshll.u32 s1, $0x11  }
0xbf: {  	s0 =	sor.u32 s1, s0  }
0xc0: {  	s0 =	sadd.s32 $0x8F2B, s0  }
0xc1: {  	[sflag:s0] =	ssyncadd.remote.s32 $0x1  }
0xc2: {  	_ =	sfence.sel $0xFFFF  }
0xc3: {  	[dreg:$0x0] =	wrdreg $0xFFFFFFFF;
	(pc) =	sbr.abs _section_cstart, $3  }
0xc4: {  	[dreg:$0x1] =	wrdreg $0xFFFFFFFF  }
0xc5: {  	_ =	task.clear_ibuf [dreg:s9], $0x2FFFF;
	_ =	strace $0x9FFFFFFF  }
0xc6: {  	(tm) =	ssettm $0x7FFFFFFF  }
0xc7: {  	_ =	shalt  }
tec
execute0_lowered:
.L_overlay_start_1:
0x0: {  	(tag) =	ssettag $0x1  }
0x1: {  	s1 =	rddreg [dreg:$0x0]  }
0x2: {  	s0 =	rddreg [dreg:$0x1]  }
0x3: {  	s2 =	rddreg [dreg:$0x2]  }
0x4: {  	s3 =	rddreg [dreg:$0x3]  }
0x5: {  	s20 =	simm.s32 $0x0;
	s4 =	srdreg.scid;
	s5 =	stileid.u32  }
0x6: {  	s11 =	simm.s32 $0x1;
	s12 =	simm.s32 $0x7100;
	s13 =	simm.s32 $0x7000  }
0x7: {  	s14 =	simm.s32 $0x7280;
	s15 =	simm.s32 $0x8280;
	s16 =	simm.s32 $0x2  }
0x8: {  	s17 =	simm.s32 $0x7180;
	s18 =	simm.s32 $0x7080;
	s19 =	simm.s32 $0x0  }
0x9: {  	[smem:$0x7FF] =	sst s20;
	s4 =	sand.u32 $0x1, s4;
	s7 =	sshll.u32 s5, $0x1  }
0xa: {  	v3 =	vimm.f32 $0.0e+00;
	v4 =	vlaneseq.u32;
	v5 =	vimm.s32 $0x0;
	s5 =	sadd.s32 $0xA00, s0;
	s0 =	sadd.s32 $0x3C00, s0;
	_ =	strace $0x80000047  }
0xb: {  	vm0 =	vcmask $0x300;
	v6 =	vor.u32 $0x10, v4;
	v7 =	vor.u32 $0x20, v4;
	s6 =	ssub.s32 $0x2, s4;
	s4 =	sor.u32 s4, s7;
	[dreg:$0x5] =	wrdreg s0  }
0xc: {  	v8 =	vor.u32 $0x30, v4;
	v9 =	vor.u32 $0x40, v4;
	v10 =	vor.u32 $0x50, v4;
	s8 =	sshrl.u32 s6, $0x1;
	s7 =	sshll.u32 s4, $0x5;
	s10 =	sshll.u32 s4, $0x9  }
0xd: {  	v11 =	vor.u32 $0x60, v4;
	v12 =	vor.u32 $0x70, v4;
	s9 =	sadd.s32 $0x1, s4;
	s31 =	ssub.s32 s6, s8;
	v2 =	vmov s7;
	s7 =	sadd.s32 s3, s10  }
0xe: {  	v13 =	vsel vm0, $0x3F800000, v3;
	v0 =	vmov s4;
	v1 =	vmov s9;
	s9 =	simm.s32 $0x7200;
	s10 =	simm.s32 $0x3;
	s8 =	smax.u32 s31, $0x1  }
.LBB2_1:
0xf: {  	s0 =	simm.s32 $0x0;
	[tilespmem:s14+$0x0] =	vst v3;
	s3 =	simm.s32 $0x7280  }
.LBB2_2:
0x10: {  	s0 =	sadd.s32 $0x10, s0  }
0x11: {  	p0 =	slt.u32 s0, $0xFF0  }
.Ltmp0:
0x12: {  	_ = 	snop;
	(pc) =	sbr.rel @p0 .LBB2_2-.Ltmp0, $3  }
0x13: {  	_ =	sdelay $0x1  }
0x14: {  	s3 =	sadd.s32 $0x10, s3  }
0x15: {  	[tilespmem:s3+$0x0] =	vst v3  }
0x16: {  	s0 =	simm.s32 $0x8280  }
0x17: {  	s3 =	simm.s32 $0x0;
	[tilespmem:s0+$0x0] =	vst v3  }
.LBB2_4:
0x18: {  	s3 =	sadd.s32 $0x10, s3  }
0x19: {  	p0 =	slt.u32 s3, $0x1F0  }
.Ltmp1:
0x1a: {  	_ = 	snop;
	(pc) =	sbr.rel @p0 .LBB2_4-.Ltmp1, $3  }
0x1b: {  	_ =	sdelay $0x1  }
0x1c: {  	s0 =	sadd.s32 $0x10, s0  }
0x1d: {  	[tilespmem:s0+$0x0] =	vst v3  }
0x1e: {  	s0 =	rddreg [dreg:$0x5]  }
0x1f: {  	[tilespmem:s9], [sflag:$0x3] =	stream.linear.gather [hbm4b:s0+s20], $0x80, $0x38;
	[tilespmem:$0x8480] =	vst v63  }
0x20: {  	_ =	swait.ge [sflag:s10], $0x80  }
0x21: {  	[sflag:s10] =	ssyncset.done $0x0  }
0x22: {  	[sflag:s10] =	ssyncadd.s32 $0xFFFFFF80  }
0x23: {  	v14 =	vld.idx.msk [tilespmem:v0+s9+$0x0], $0xffff;
	_ =	sdelay $0x1  }
0x24: {  	v15 =	vld.idx.msk [tilespmem:v1+s9+$0x0], $0xffff;
	_ =	sdelay $0x2  }
0x25: {  	v14 =	vxor.u32 $0x80000000, v14  }
0x26: {  	(xrf0) =	vmax.scan.msk.u32 $0xffff, v14  }
0x27: {  	v14 =	vxor.u32 $0x80000000, v15  }
0x28: {  	(xrf0) =	vmax.scan.msk.u32 $0xffff, v14;
	_ =	sdelay $0x3  }
0x29: {  	v14, _, _ =	vpop (xrf0)  }
0x2a: {  	(v2sf) =	vpush v14, $0xF  }
0x2b: {  	v14, _, _ =	vpop (xrf0)  }
0x2c: {  	(v2sf) =	vpush v14, $0xF;
	_ =	sdelay $0xc  }
0x2d: {  	s29 =	spop (v2sf)  }
0x2e: {  	s20 =	sxor.u32 $0x80000000, s29  }
0x2f: {  	s24 =	spop (v2sf);
	s3 =	smulhi.u32 $0x92492493, s20;
	s4 =	sshra.s32 s20, $0x1F  }
0x30: {  	s6 =	sadd.s32 $0x8000006F, s24;
	s4 =	smul.u32 $0x92492493, s4  }
0x31: {  	s21 =	smulhi.u32 $0x92492493, s6;
	s22 =	sshra.s32 s6, $0x1F  }
0x32: {  	s23 =	ssub.s32 $0x7FFFFF91, s24;
	s3 =	ssub.s32 s3, s20;
	s22 =	smul.u32 $0x92492493, s22  }
0x33: {  	s3 =	sadd.s32 s4, s3;
	s30 =	sadd.s32 s23, s21  }
0x34: {  	s3 =	sadd.s32 s20, s3;
	s4 =	sadd.s32 s22, s30  }
0x35: {  	s31 =	sshrl.u32 s3, $0x1F;
	s3 =	sshra.s32 s3, $0x6;
	s4 =	sadd.s32 s6, s4  }
0x36: {  	s3 =	sadd.s32 s31, s3;
	s22 =	sshrl.u32 s4, $0x1F;
	s4 =	sshra.s32 s4, $0x6  }
0x37: {  	s25 =	smul.u32 $0xFFFFFF90, s3;
	s4 =	sadd.s32 s22, s4  }
0x38: {  	p1 =	sgt.s32 s29, $0xFFFFFFFF;
	p0 =	slt.s32 s20, $0x1;
	s21 =	smul.u32 $0xFFFFFF90, s4  }
0x39: {  	s26 =	ssub.s32 $0x0, s20;
	p0 =	por p1, p0  }
0x3a: {  	p3 =	slt.s32 s6, $0x1;
	p2 =	sne.s32 s25, s26;
	p4 =	sne.s32 s21, s23  }
0x3b: {  	s0 =	simm.s32 $0x1;
	p0 =	por !p0, !p2;
	p1 =	por !p3, !p4  }
0x3c: {  	s6 =	simm.s32 $0x1;
	p0 =	por !p0, !p0;
	p1 =	por !p1, !p1  }
0x3d: {  	s0 =	simm.s32 @!p0 $0x0;
	s6 =	simm.s32 @!p1 $0x0  }
0x3e: {  	s21 =	ssub.s32 s3, s0;
	s22 =	ssub.s32 s4, s6  }
0x3f: {  	p0 =	sle.s32 s22, s21  }
0x40: {  	s0 =	smul.u32 @!p0 $0x70, s21;
	_ =	sdelay $0x1  }
0x41: {  	p1 =	slt.s32 @!p0 s0, $0x18630  }
0x42: {  	p1 =	por !p1, p0  }
0x43: {  	s28 =	ssub.s32 s22, s21;
	s0 =	simm.s32 @p1 $0x18630  }
0x44: {  	s4 =	simm.s32 @!p0 $0x0;
	s6 =	simm.s32 @!p0 $0x7000;
	s3 =	sshll.u32 @!p0 s0, $0x4  }
0x45: {  	s29 =	sadd.s32 $0x1, s28;
	s0 =	sshrl.u32 @!p0 s0, $0x3;
	s3 =	sadd.s32 @!p0 s1, s3  }
0x46: {  	[tilespmem:s4], [sflag:$0x1] =	stream.linear.gather @!p0 [hbm4b:s3+s4], $0x3800, $0x38;
	[tilespmem:$0x8480] =	vst v63  }
0x47: {  	p5 =	slt.s32 s28, $0x0;
	s30 =	sand.u32 $0x1, s29;
	s3 =	sadd.s32 @!p0 s5, s0  }
0x48: {  	[tilespmem:s6], [sflag:$0x1] =	stream.linear.gather @!p0 [hbm4b:s3+s4], $0x70, $0x38;
	[tilespmem:$0x8480] =	vst v63  }
0x49: {  	p6 =	seq.s32 s30, $0x1;
	s0 =	sadd.s32 @!p0 s2, s0;
	s3 =	simm.s32 @!p0 $0x7100  }
0x4a: {  	[tilespmem:s3], [sflag:$0x1] =	stream.linear.gather @!p0 [hbm4b:s0+s4], $0x70, $0x38;
	[tilespmem:$0x8480] =	vst v63  }
0x4b: {  	s31 =	sshrl.u32 s29, $0x1F;
	p0 =	por !p5, !p6  }
0x4c: {  	s0 =	sadd.s32 s31, s29;
	s3 =	simm.s32 $0x1;
	p0 =	por !p0, !p0  }
0x4d: {  	s0 =	sshra.s32 s0, $0x1;
	s3 =	simm.s32 @!p0 $0x0  }
0x4e: {  	s23 =	ssub.s32 s0, s3  }
0x4f: {  	p0 =	slt.s32 s23, $0x1  }
.Ltmp2:
0x50: {  	_ = 	snop;
	(pc) =	sbr.rel @p0 .LBB2_18-.Ltmp2, $1  }
0x51: {  	_ =	sdelay $0x3  }
.Ltmp3:
0x52: {  	(pc) =	sbr.rel .LBB2_7-.Ltmp3, $2  }
0x53: {  	_ =	sdelay $0x2  }
0x54: {  	s24 =	sxor.u32 $0x80000000, s24;
	s25 =	simm.s32 $0x0  }
.LBB2_17:
0x55: {  	s25 =	sadd.s32 $0x1, s25  }
0x56: {  	p0 =	sne.s32 s25, s23  }
.Ltmp4:
0x57: {  	_ = 	snop;
	(pc) =	sbr.rel @!p0 .LBB2_18-.Ltmp4, $1  }
0x58: {  	_ =	sdelay $0x3  }
.LBB2_7:
0x59: {  	s0 =	sshll.u32 s25, $0x1  }
0x5a: {  	s28 =	sadd.s32 s21, s0  }
0x5b: {  	_ =	swait.ge [sflag:s11], $0x3800;
	s26 =	sadd.s32 $0x1, s28  }
0x5c: {  	[sflag:s11] =	ssyncset.done $0x0;
	p0 =	sge.s32 s26, s22  }
0x5d: {  	[sflag:s11] =	ssyncadd.s32 $0xFFFFC800;
	s0 =	smul.u32 @!p0 $0x70, s26  }
0x5e: {  	_ =	swait.ge [sflag:s11], $0x70  }
0x5f: {  	[sflag:s11] =	ssyncset.done $0x0;
	p1 =	slt.s32 @!p0 s0, $0x18630  }
0x60: {  	s30 =	simm.s32 $0x7100;
	[sflag:s11] =	ssyncadd.s32 $0xFFFFFF90;
	p1 =	por !p1, p0  }
0x61: {  	s4 =	simm.s32 @!p0 $0x0;
	_ =	swait.ge [sflag:s11], $0x70;
	s0 =	simm.s32 @p1 $0x18630  }
0x62: {  	s6 =	simm.s32 @!p0 $0x3800;
	[sflag:s11] =	ssyncset.done $0x0;
	s3 =	sshll.u32 @!p0 s0, $0x4  }
0x63: {  	[sflag:s11] =	ssyncadd.s32 $0xFFFFFF90;
	s0 =	sshrl.u32 @!p0 s0, $0x3;
	s3 =	sadd.s32 @!p0 s1, s3  }
0x64: {  	[tilespmem:s6], [sflag:$0x2] =	stream.linear.gather @!p0 [hbm4b:s3+s4], $0x3800, $0x38;
	[tilespmem:$0x8480] =	vst v63  }
0x65: {  	s29 =	simm.s32 $0x7000;
	s3 =	sadd.s32 @!p0 s5, s0;
	s6 =	simm.s32 @!p0 $0x7080  }
0x66: {  	[tilespmem:s6], [sflag:$0x2] =	stream.linear.gather @!p0 [hbm4b:s3+s4], $0x70, $0x38;
	[tilespmem:$0x8480] =	vst v63  }
0x67: {  	s0 =	sadd.s32 @!p0 s2, s0;
	s3 =	smul.u32 $0x70, s28;
	s6 =	simm.s32 @!p0 $0x7180  }
0x68: {  	[tilespmem:s6], [sflag:$0x2] =	stream.linear.gather @!p0 [hbm4b:s0+s4], $0x70, $0x38;
	[tilespmem:$0x8480] =	vst v63  }
0x69: {  	p1 =	slt.s32 s3, $0x18630;
	s0 =	smov.u32 s3;
	s4 =	sadd.s32 $0x70, s3;
	v17 =	vld [tilespmem:s30+$0x0]  }
0x6a: {  	s0 =	simm.s32 @!p1 $0x18630;
	p1 =	sgt.s32 s20, s3;
	p2 =	slt.s32 s24, s4  }
0x6b: {  	s6 =	simm.s32 $0x0;
	v18 =	vld [tilespmem:s29+$0x0];
	s3 =	smov.u32 @p1 s20;
	s4 =	smov.u32 @p2 s24;
	v14 =	vor.u32 s0, v4  }
0x6c: {  	v15 =	vmov s3;
	v16 =	vmov s4;
	v19 =	vadd.s32 s6, v14  }
0x6d: {  	vm0 =	vge.s32 v19, v15;
	vm1 =	vlt.s32 v19, v16  }
0x6e: {  	vm0 =	vmand vm0, vm1;
	v17 =	vsub.s32 v17, v2  }
0x6f: {  	s3 =	simm.s32 $0x10;
	s4 =	simm.s32 $0x7110;
	v19 =	vsel vm0, $0x3F800000, v5;
	vm0 =	vgt.s32 v17, $0x0  }
0x70: {  	v20 =	vadd.s32 s3, v14;
	v21 =	vmul.f32 v19, v18;
	v18 =	vld [tilespmem:s4+$0x0];
	v17 =	vnsel vm0, $0x0, v17  }
0x71: {  	s6 =	simm.s32 $0x7010;
	vm1 =	vlt.s32 v20, v16;
	vm0 =	vge.s32 v20, v15;
	v19 =	vmin.u32 v17, $0x1F  }
0x72: {  	s31 =	simm.s32 $0x7110;
	s0 =	simm.s32 $0x7010;
	vm0 =	vmand vm0, vm1;
	v17 =	vld [tilespmem:s6+$0x0];
	[tilespmem:s29+$0x0] =	vst v21;
	v19 =	vshll.u32 v19, $0x7  }
.LBB2_8:
0x73: {  	s3 =	sadd.s32 $0x10, s3  }
0x74: {  	[tilespmem:s30+$0x0] =	vst v19;
	s29 =	simm.s32 $0x200;
	p1 =	slt.u32 s3, $0x60  }
.Ltmp5:
0x75: {  	v20 =	vsel vm0, $0x3F800000, v5;
	s4 =	sadd.s32 $0x10, s4;
	v19 =	vadd.s32 s3, v14;
	v21 =	vsub.s32 v18, v2;
	(pc) =	sbr.rel @p1 .LBB2_8-.Ltmp5, $4  }
0x76: {  	s30 =	smov.u32 s31;
	s31 =	smov.u32 s4;
	vm0 =	vge.s32 v19, v15;
	vm1 =	vlt.s32 v19, v16;
	v18 =	vld [tilespmem:s4+$0x0];
	vm2 =	vgt.s32 v21, $0x0  }
0x77: {  	s6 =	sadd.s32 $0x10, s6;
	vm0 =	vmand vm0, vm1;
	v19 =	vnsel vm2, $0x0, v21;
	v20 =	vmul.f32 v20, v17  }
0x78: {  	v17 =	vld [tilespmem:s6+$0x0];
	v19 =	vmin.u32 v19, $0x1F  }
0x79: {  	v19 =	vshll.u32 v19, $0x7;
	[tilespmem:s0+$0x0] =	vst v20;
	s0 =	smov.u32 s6  }
0x7a: {  	_ = 	snop  }
0x7b: {  	v14 =	vsub.s32 v18, v2  }
0x7c: {  	s3 =	simm.s32 $0x0;
	v15 =	vsel vm0, $0x3F800000, v5;
	vm1 =	vgt.s32 v14, $0x0  }
0x7d: {  	s4 =	simm.s32 $0x7;
	v16 =	vmov s3;
	v14 =	vnsel vm1, $0x0, v14;
	v15 =	vmul.f32 v15, v17  }
0x7e: {  	s6 =	simm.s32 $0x1;
	[tilespmem:s30+$0x0] =	vst v19;
	v16 =	vand.u32 $0xFFFFFFF8, v16;
	v17 =	vmov s4;
	v14 =	vmin.u32 v14, $0x1F  }
0x7f: {  	v18 =	vbroadcast v16, $0x0;
	v16 =	vmov s6;
	s4 =	simm.s32 $0x2;
	v14 =	vshll.u32 v14, $0x7;
	[tilespmem:s0+$0x0] =	vst v15  }
0x80: {  	s6 =	simm.s32 $0x3;
	v16 =	vand.u32 $0xFFFFFFF9, v16;
	v19 =	vmov s4;
	[tilespmem:s31+$0x0] =	vst v14  }
0x81: {  	v22 =	vbroadcast v16, $0x0;
	v15 =	vand.u32 $0xFFFFFFFA, v19;
	v16 =	vmov s6;
	v32 =	vld [tilespmem:s29+$0xFFFFFE80]  }
0x82: {  	s4 =	simm.s32 $0x4;
	s6 =	simm.s32 $0x5;
	v24 =	vbroadcast v15, $0x0;
	v14 =	vand.u32 $0xFFFFFFFB, v16;
	v34 =	vld [tilespmem:s29+$0xFFFFFF00]  }
0x83: {  	v15 =	vmov s4;
	v16 =	vmov s6;
	v25 =	vbroadcast v14, $0x0;
	v14 =	vld.idx.msk [tilespmem:v17+s13+$0x0], $0xffff  }
0x84: {  	v15 =	vand.u32 $0xFFFFFFFC, v15;
	v19 =	vand.u32 $0xFFFFFFFD, v16;
	v16 =	vld.idx.msk [tilespmem:v17+s12+$0x0], $0xffff  }
0x85: {  	v28 =	vbroadcast v15, $0x0;
	v15 =	vld.idx.msk [tilespmem:v18+s13+$0x0], $0xffff  }
0x86: {  	s31 =	simm.s32 $0x6;
	v17 =	vld.idx.msk [tilespmem:v18+s12+$0x0], $0xffff  }
0x87: {  	v29 =	vbroadcast v19, $0x0;
	v18 =	vmov s31;
	v23 =	vld.idx.msk [tilespmem:v22+s13+$0x0], $0xffff  }
0x88: {  	v18 =	vand.u32 $0xFFFFFFFE, v18;
	v27 =	vld.idx.msk [tilespmem:v22+s12+$0x0], $0xffff  }
0x89: {  	v30 =	vbroadcast v18, $0x0;
	v21 =	vld.idx.msk [tilespmem:v24+s13+$0x0], $0xffff  }
0x8a: {  	v26 =	vld.idx.msk [tilespmem:v24+s12+$0x0], $0xffff  }
0x8b: {  	v20 =	vld.idx.msk [tilespmem:v25+s13+$0x0], $0xffff  }
0x8c: {  	v19 =	vld.idx.msk [tilespmem:v28+s13+$0x0], $0xffff  }
0x8d: {  	v18 =	vld.idx.msk [tilespmem:v29+s13+$0x0], $0xffff  }
0x8e: {  	v24 =	vld.idx.msk [tilespmem:v28+s12+$0x0], $0xffff  }
0x8f: {  	v31 =	vld.idx.msk [tilespmem:v30+s12+$0x0], $0xffff  }
0x90: {  	v22 =	vld.idx.msk [tilespmem:v29+s12+$0x0], $0xffff  }
0x91: {  	v29 =	vld [tilespmem:s29+$0x100]  }
0x92: {  	v28 =	vld.idx.msk [tilespmem:v30+s13+$0x0], $0xffff  }
0x93: {  	v25 =	vld.idx.msk [tilespmem:v25+s12+$0x0], $0xffff  }
0x94: {  	v35 =	vld [tilespmem:s29+$0xFFFFFF80];
	v33 =	vadd.s32 v4, v31  }
0x95: {  	v37 =	vld [tilespmem:s29+$0x0]  }
0x96: {  	v39 =	vld [tilespmem:s29+$0x80];
	v38 =	vadd.s32 v4, v26  }
0x97: {  	v42 =	vld [tilespmem:s29+$0x180];
	v36 =	vadd.s32 v4, v27;
	v29 =	vmul.f32 v29, v28  }
0x98: {  	v30 =	vld [tilespmem:s29+$0xFFFFFE00];
	v40 =	vadd.s32 v4, v25  }
0x99: {  	v34 =	vmul.f32 v34, v21;
	[tilespmem:v33+s14+$0x0] =	vst.idx.add.f32.msk $0xffff, v29  }
0x9a: {  	v62 =	vadd.s32 v4, v24;
	v29 =	vmul.f32 v32, v23;
	v33 =	vld [tilespmem:s29+$0x110]  }
0x9b: {  	v35 =	vmul.f32 v35, v20;
	v41 =	vadd.s32 v4, v22;
	[tilespmem:v38+s14+$0x0] =	vst.idx.add.f32.msk $0xffff, v34  }
0x9c: {  	[tilespmem:v36+s14+$0x0] =	vst.idx.add.f32.msk $0xffff, v29;
	v29 =	vadd.s32 v6, v31  }
0x9d: {  	v63 =	vmul.f32 v37, v19;
	[tilespmem:v40+s14+$0x0] =	vst.idx.add.f32.msk $0xffff, v35  }
0x9e: {  	v44 =	vadd.s32 v4, v17;
	v43 =	vmul.f32 v39, v18;
	v47 =	vld [tilespmem:s29+$0xFFFFFF10]  }
0x9f: {  	[tilespmem:v62+s14+$0x0] =	vst.idx.add.f32.msk $0xffff, v63;
	v45 =	vmul.f32 v33, v28  }
0xa0: {  	[tilespmem:v41+s14+$0x0] =	vst.idx.add.f32.msk $0xffff, v43  }
0xa1: {  	v30 =	vmul.f32 v30, v15;
	[tilespmem:v29+s14+$0x0] =	vst.idx.add.f32.msk $0xffff, v45  }
0xa2: {  	v46 =	vadd.s32 v4, v16;
	v32 =	vld [tilespmem:s29+$0x120]  }
0xa3: {  	[tilespmem:v44+s14+$0x0] =	vst.idx.add.f32.msk $0xffff, v30  }
0xa4: {  	v30 =	vadd.s32 v7, v31;
	v48 =	vld [tilespmem:s29+$0xFFFFFF90]  }
0xa5: {  	v49 =	vld [tilespmem:s29+$0x10];
	v29 =	vmul.f32 v42, v14  }
0xa6: {  	v53 =	vld [tilespmem:s29+$0xFFFFFE10]  }
0xa7: {  	v51 =	vadd.s32 v6, v25;
	[tilespmem:v46+s14+$0x0] =	vst.idx.add.f32.msk $0xffff, v29;
	v32 =	vmul.f32 v32, v28  }
0xa8: {  	v56 =	vadd.s32 v6, v17;
	v29 =	vld [tilespmem:s29+$0xFFFFFE90]  }
0xa9: {  	[tilespmem:v30+s14+$0x0] =	vst.idx.add.f32.msk $0xffff, v32  }
0xaa: {  	v34 =	vmul.f32 v48, v20;
	v30 =	vadd.s32 v6, v26;
	v32 =	vld [tilespmem:s29+$0x130]  }
0xab: {  	v50 =	vadd.s32 v6, v27;
	v52 =	vld [tilespmem:s29+$0x90];
	v61 =	vmul.f32 v53, v15  }
0xac: {  	v54 =	vadd.s32 v8, v31;
	[tilespmem:v51+s14+$0x0] =	vst.idx.add.f32.msk $0xffff, v34  }
0xad: {  	[tilespmem:v56+s14+$0x0] =	vst.idx.add.f32.msk $0xffff, v61;
	v33 =	vmul.f32 v47, v21  }
0xae: {  	v55 =	vld [tilespmem:s29+$0x190];
	v29 =	vmul.f32 v29, v23  }
0xaf: {  	[tilespmem:v30+s14+$0x0] =	vst.idx.add.f32.msk $0xffff, v33;
	v30 =	vadd.s32 v6, v22;
	v32 =	vmul.f32 v32, v28  }
0xb0: {  	[tilespmem:v50+s14+$0x0] =	vst.idx.add.f32.msk $0xffff, v29;
	v29 =	vadd.s32 v6, v24  }
0xb1: {  	[tilespmem:v54+s14+$0x0] =	vst.idx.add.f32.msk $0xffff, v32  }
0xb2: {  	v58 =	vadd.s32 v6, v16;
	v59 =	vmul.f32 v52, v18;
	v60 =	vld [tilespmem:s29+$0x140]  }
0xb3: {  	v57 =	vmul.f32 v49, v19;
	v49 =	vld [tilespmem:s29+$0xFFFFFE20]  }
0xb4: {  	[tilespmem:v30+s14+$0x0] =	vst.idx.add.f32.msk $0xffff, v59;
	v30 =	vadd.s32 v9, v31  }
0xb5: {  	[tilespmem:v29+s14+$0x0] =	vst.idx.add.f32.msk $0xffff, v57;
	v29 =	vmul.f32 v55, v14  }
0xb6: {  	v45 =	vld [tilespmem:s29+$0xFFFFFFA0]  }
0xb7: {  	[tilespmem:v58+s14+$0x0] =	vst.idx.add.f32.msk $0xffff, v29;
	v62 =	vmul.f32 v60, v28  }
0xb8: {  	v29 =	vld [tilespmem:s29+$0xFFFFFEA0]  }
0xb9: {  	[tilespmem:v30+s14+$0x0] =	vst.idx.add.f32.msk $0xffff, v62  }
0xba: {  	v55 =	vadd.s32 v7, v17;
	v30 =	vld [tilespmem:s29+$0x150]  }
0xbb: {  	v44 =	vadd.s32 v7, v27;
	v63 =	vld [tilespmem:s29+$0xFFFFFF20]  }
0xbc: {  	v47 =	vadd.s32 v10, v31;
	v46 =	vld [tilespmem:s29+$0x20]  }
0xbd: {  	v38 =	vmul.f32 v49, v15;
	v52 =	vld [tilespmem:s29+$0x1A0]  }
0xbe: {  	v48 =	vld [tilespmem:s29+$0xA0];
	v29 =	vmul.f32 v29, v23  }
0xbf: {  	v51 =	vadd.s32 v7, v25;
	[tilespmem:v55+s14+$0x0] =	vst.idx.add.f32.msk $0xffff, v38;
	v30 =	vmul.f32 v30, v28  }
0xc0: {  	v50 =	vadd.s32 v7, v26;
	[tilespmem:v44+s14+$0x0] =	vst.idx.add.f32.msk $0xffff, v29  }
0xc1: {  	v29 =	vadd.s32 v7, v24;
	[tilespmem:v47+s14+$0x0] =	vst.idx.add.f32.msk $0xffff, v30  }
0xc2: {  	v30 =	vmul.f32 v45, v20;
	v36 =	vld [tilespmem:s29+$0x160]  }
0xc3: {  	v56 =	vadd.s32 v7, v16;
	v53 =	vmul.f32 v63, v21;
	v38 =	vld [tilespmem:s29+$0xFFFFFE30]  }
0xc4: {  	v35 =	vmul.f32 v46, v19;
	[tilespmem:v51+s14+$0x0] =	vst.idx.add.f32.msk $0xffff, v30;
	v30 =	vadd.s32 v11, v31  }
0xc5: {  	[tilespmem:v50+s14+$0x0] =	vst.idx.add.f32.msk $0xffff, v53  }
0xc6: {  	v54 =	vadd.s32 v7, v22;
	[tilespmem:v29+s14+$0x0] =	vst.idx.add.f32.msk $0xffff, v35;
	v29 =	vmul.f32 v52, v14  }
0xc7: {  	v58 =	vld [tilespmem:s29+$0xFFFFFF30];
	v57 =	vmul.f32 v36, v28  }
0xc8: {  	[tilespmem:v56+s14+$0x0] =	vst.idx.add.f32.msk $0xffff, v29  }
0xc9: {  	v37 =	vmul.f32 v48, v18;
	[tilespmem:v30+s14+$0x0] =	vst.idx.add.f32.msk $0xffff, v57  }
0xca: {  	v29 =	vld [tilespmem:s29+$0x170]  }
0xcb: {  	[tilespmem:v54+s14+$0x0] =	vst.idx.add.f32.msk $0xffff, v37  }
0xcc: {  	v59 =	vadd.s32 v12, v31;
	v31 =	vshra.s32 v31, $0x3;
	v30 =	vld [tilespmem:s29+$0xFFFFFEB0]  }
0xcd: {  	v37 =	vld [tilespmem:s29+$0xB0];
	v31 =	vadd.s32 v4, v31  }
0xce: {  	v44 =	vadd.s32 v8, v17;
	v35 =	vld [tilespmem:s29+$0x30]  }
0xcf: {  	v62 =	vadd.s32 v8, v26;
	v60 =	vld [tilespmem:s29+$0xFFFFFFB0];
	v29 =	vmul.f32 v29, v28  }
0xd0: {  	v61 =	vadd.s32 v8, v27;
	v63 =	vadd.s32 v8, v25;
	v42 =	vld [tilespmem:s29+$0x1B0];
	v28 =	vmul.f32 v13, v28  }
0xd1: {  	v46 =	vmul.f32 v38, v15;
	[tilespmem:v59+s14+$0x0] =	vst.idx.add.f32.msk $0xffff, v29;
	v29 =	vmul.f32 v30, v23  }
0xd2: {  	v30 =	vadd.s32 v8, v24;
	[tilespmem:v31+s15+$0x0] =	vst.idx.add.f32.msk $0xffff, v28;
	v28 =	vmul.f32 v58, v21  }
0xd3: {  	[tilespmem:v44+s14+$0x0] =	vst.idx.add.f32.msk $0xffff, v46;
	v31 =	vadd.s32 v8, v22  }
0xd4: {  	v43 =	vmul.f32 v60, v20;
	[tilespmem:v62+s14+$0x0] =	vst.idx.add.f32.msk $0xffff, v28;
	v28 =	vadd.s32 v8, v16  }
0xd5: {  	[tilespmem:v61+s14+$0x0] =	vst.idx.add.f32.msk $0xffff, v29;
	v29 =	vmul.f32 v35, v19  }
0xd6: {  	v45 =	vmul.f32 v37, v18;
	[tilespmem:v63+s14+$0x0] =	vst.idx.add.f32.msk $0xffff, v43  }
0xd7: {  	[tilespmem:v30+s14+$0x0] =	vst.idx.add.f32.msk $0xffff, v29;
	v29 =	vmul.f32 v42, v14  }
0xd8: {  	[tilespmem:v31+s14+$0x0] =	vst.idx.add.f32.msk $0xffff, v45  }
0xd9: {  	[tilespmem:v28+s14+$0x0] =	vst.idx.add.f32.msk $0xffff, v29  }
0xda: {  	v28 =	vld [tilespmem:s29+$0xFFFFFEC0]  }
0xdb: {  	v29 =	vld [tilespmem:s29+$0xFFFFFF40]  }
0xdc: {  	v30 =	vadd.s32 v9, v27;
	v31 =	vld [tilespmem:s29+$0xFFFFFFC0]  }
0xdd: {  	v47 =	vadd.s32 v9, v26;
	v48 =	vld [tilespmem:s29+$0x40]  }
0xde: {  	v49 =	vadd.s32 v9, v25;
	v50 =	vld [tilespmem:s29+$0xFFFFFE40]  }
0xdf: {  	v51 =	vadd.s32 v9, v24;
	v35 =	vld [tilespmem:s29+$0xC0];
	v28 =	vmul.f32 v28, v23  }
0xe0: {  	v54 =	vadd.s32 v9, v17;
	v53 =	vld [tilespmem:s29+$0x1C0];
	v29 =	vmul.f32 v29, v21  }
0xe1: {  	[tilespmem:v30+s14+$0x0] =	vst.idx.add.f32.msk $0xffff, v28;
	v28 =	vmul.f32 v31, v20  }
0xe2: {  	v52 =	vadd.s32 v9, v22;
	[tilespmem:v47+s14+$0x0] =	vst.idx.add.f32.msk $0xffff, v29;
	v29 =	vmul.f32 v48, v19  }
0xe3: {  	v31 =	vmul.f32 v50, v15;
	[tilespmem:v49+s14+$0x0] =	vst.idx.add.f32.msk $0xffff, v28  }
0xe4: {  	v30 =	vadd.s32 v9, v16;
	[tilespmem:v51+s14+$0x0] =	vst.idx.add.f32.msk $0xffff, v29  }
0xe5: {  	v28 =	vmul.f32 v35, v18;
	[tilespmem:v54+s14+$0x0] =	vst.idx.add.f32.msk $0xffff, v31  }
0xe6: {  	v29 =	vld [tilespmem:s29+$0xFFFFFF50]  }
0xe7: {  	[tilespmem:v52+s14+$0x0] =	vst.idx.add.f32.msk $0xffff, v28;
	v28 =	vmul.f32 v53, v14  }
0xe8: {  	v56 =	vld [tilespmem:s29+$0x50]  }
0xe9: {  	v55 =	vadd.s32 v10, v26;
	[tilespmem:v30+s14+$0x0] =	vst.idx.add.f32.msk $0xffff, v28  }
0xea: {  	v28 =	vld [tilespmem:s29+$0xFFFFFED0]  }
0xeb: {  	v60 =	vadd.s32 v10, v24;
	v31 =	vld [tilespmem:s29+$0xFFFFFFD0]  }
0xec: {  	v59 =	vld [tilespmem:s29+$0xFFFFFE50];
	v30 =	vadd.s32 v10, v27;
	v29 =	vmul.f32 v29, v21  }
0xed: {  	v58 =	vld [tilespmem:s29+$0xD0]  }
0xee: {  	v57 =	vadd.s32 v10, v25;
	[tilespmem:v55+s14+$0x0] =	vst.idx.add.f32.msk $0xffff, v29;
	v29 =	vmul.f32 v56, v19  }
0xef: {  	v62 =	vld [tilespmem:s29+$0x1D0];
	v28 =	vmul.f32 v28, v23  }
0xf0: {  	v61 =	vadd.s32 v10, v22;
	[tilespmem:v60+s14+$0x0] =	vst.idx.add.f32.msk $0xffff, v29  }
0xf1: {  	v63 =	vadd.s32 v10, v17;
	[tilespmem:v30+s14+$0x0] =	vst.idx.add.f32.msk $0xffff, v28;
	v28 =	vmul.f32 v31, v20  }
0xf2: {  	v29 =	vld [tilespmem:s29+$0xFFFFFF60];
	v30 =	vadd.s32 v10, v16  }
0xf3: {  	[tilespmem:v57+s14+$0x0] =	vst.idx.add.f32.msk $0xffff, v28;
	v28 =	vmul.f32 v58, v18  }
0xf4: {  	v45 =	vld [tilespmem:s29+$0x60];
	v31 =	vmul.f32 v59, v15  }
0xf5: {  	v44 =	vadd.s32 v11, v26;
	[tilespmem:v61+s14+$0x0] =	vst.idx.add.f32.msk $0xffff, v28;
	v28 =	vmul.f32 v62, v14  }
0xf6: {  	[tilespmem:v63+s14+$0x0] =	vst.idx.add.f32.msk $0xffff, v31  }
0xf7: {  	v49 =	vadd.s32 v11, v24;
	[tilespmem:v30+s14+$0x0] =	vst.idx.add.f32.msk $0xffff, v28  }
0xf8: {  	v29 =	vmul.f32 v29, v21;
	v28 =	vld [tilespmem:s29+$0xFFFFFEE0]  }
0xf9: {  	v31 =	vld [tilespmem:s29+$0xFFFFFFE0]  }
0xfa: {  	[tilespmem:v44+s14+$0x0] =	vst.idx.add.f32.msk $0xffff, v29;
	v29 =	vmul.f32 v45, v19;
	v30 =	vadd.s32 v11, v27  }
0xfb: {  	v47 =	vld [tilespmem:s29+$0xE0]  }
0xfc: {  	v46 =	vadd.s32 v11, v25;
	[tilespmem:v49+s14+$0x0] =	vst.idx.add.f32.msk $0xffff, v29  }
0xfd: {  	v29 =	vld [tilespmem:s29+$0xFFFFFF70];
	v28 =	vmul.f32 v28, v23  }
0xfe: {  	v50 =	vadd.s32 v11, v22;
	v51 =	vld [tilespmem:s29+$0x1E0]  }
0xff: {  	v54 =	vadd.s32 v12, v26;
	[tilespmem:v30+s14+$0x0] =	vst.idx.add.f32.msk $0xffff, v28;
	v28 =	vmul.f32 v31, v20  }
0x100: {  	v48 =	vld [tilespmem:s29+$0xFFFFFE60];
	v30 =	vadd.s32 v11, v16  }
0x101: {  	[tilespmem:v46+s14+$0x0] =	vst.idx.add.f32.msk $0xffff, v28;
	v28 =	vmul.f32 v47, v18  }
0x102: {  	v26 =	vshra.s32 v26, $0x3;
	v52 =	vadd.s32 v11, v17;
	v53 =	vld [tilespmem:s29+$0x70];
	v29 =	vmul.f32 v29, v21  }
0x103: {  	v26 =	vadd.s32 v4, v26;
	[tilespmem:v50+s14+$0x0] =	vst.idx.add.f32.msk $0xffff, v28;
	v28 =	vmul.f32 v51, v14  }
0x104: {  	[tilespmem:v54+s14+$0x0] =	vst.idx.add.f32.msk $0xffff, v29  }
0x105: {  	v31 =	vmul.f32 v48, v15;
	[tilespmem:v30+s14+$0x0] =	vst.idx.add.f32.msk $0xffff, v28  }
0x106: {  	v59 =	vadd.s32 v12, v24;
	v21 =	vmul.f32 v13, v21;
	v28 =	vld [tilespmem:s29+$0xFFFFFEF0]  }
0x107: {  	[tilespmem:v52+s14+$0x0] =	vst.idx.add.f32.msk $0xffff, v31  }
0x108: {  	[tilespmem:v26+s15+$0x0] =	vst.idx.add.f32.msk $0xffff, v21;
	v30 =	vadd.s32 v12, v27;
	v27 =	vshra.s32 v27, $0x3  }
0x109: {  	v26 =	vmul.f32 v53, v19;
	v31 =	vld [tilespmem:s29+$0xFFFFFFF0];
	v27 =	vadd.s32 v4, v27  }
0x10a: {  	v56 =	vld [tilespmem:s29+$0xFFFFFE70]  }
0x10b: {  	v57 =	vadd.s32 v12, v25;
	v25 =	vshra.s32 v25, $0x3;
	[tilespmem:v59+s14+$0x0] =	vst.idx.add.f32.msk $0xffff, v26;
	v28 =	vmul.f32 v28, v23  }
0x10c: {  	v24 =	vshra.s32 v24, $0x3;
	v25 =	vadd.s32 v4, v25;
	v55 =	vld [tilespmem:s29+$0xF0];
	v23 =	vmul.f32 v13, v23  }
0x10d: {  	v24 =	vadd.s32 v4, v24;
	[tilespmem:v30+s14+$0x0] =	vst.idx.add.f32.msk $0xffff, v28  }
0x10e: {  	v60 =	vadd.s32 v12, v22;
	v22 =	vshra.s32 v22, $0x3;
	[tilespmem:v27+s15+$0x0] =	vst.idx.add.f32.msk $0xffff, v23;
	v27 =	vmul.f32 v31, v20  }
0x10f: {  	v22 =	vadd.s32 v4, v22;
	v58 =	vld [tilespmem:s29+$0x1F0];
	v20 =	vmul.f32 v13, v20  }
0x110: {  	v19 =	vmul.f32 v13, v19;
	[tilespmem:v57+s14+$0x0] =	vst.idx.add.f32.msk $0xffff, v27;
	v27 =	vadd.s32 v12, v17;
	v17 =	vshra.s32 v17, $0x3  }
0x111: {  	[tilespmem:v25+s15+$0x0] =	vst.idx.add.f32.msk $0xffff, v20;
	v20 =	vmul.f32 v55, v18;
	v17 =	vadd.s32 v4, v17  }
0x112: {  	s3 =	simm.s32 $0x8;
	[tilespmem:v24+s15+$0x0] =	vst.idx.add.f32.msk $0xffff, v19;
	v19 =	vadd.s32 v12, v16;
	v16 =	vshra.s32 v16, $0x3;
	v18 =	vmul.f32 v13, v18  }
0x113: {  	s4 =	simm.s32 $0xF;
	v24 =	vmov s3;
	v16 =	vadd.s32 v4, v16;
	v61 =	vmul.f32 v56, v15;
	[tilespmem:v60+s14+$0x0] =	vst.idx.add.f32.msk $0xffff, v20  }
0x114: {  	s6 =	simm.s32 $0x9;
	v62 =	vmov s4;
	v15 =	vmul.f32 v13, v15;
	v20 =	vand.u32 $0xFFFFFFF8, v24;
	[tilespmem:v22+s15+$0x0] =	vst.idx.add.f32.msk $0xffff, v18  }
0x115: {  	s31 =	simm.s32 $0xA;
	v63 =	vmov s6;
	v18 =	vmul.f32 v58, v14;
	v20 =	vbroadcast v20, $0x0;
	[tilespmem:v27+s14+$0x0] =	vst.idx.add.f32.msk $0xffff, v61  }
0x116: {  	s3 =	simm.s32 $0xB;
	v22 =	vand.u32 $0xFFFFFFF9, v63;
	v14 =	vmul.f32 v13, v14;
	[tilespmem:v17+s15+$0x0] =	vst.idx.add.f32.msk $0xffff, v15;
	v15 =	vmov s31  }
0x117: {  	s4 =	simm.s32 $0xC;
	v24 =	vbroadcast v22, $0x0;
	[tilespmem:v19+s14+$0x0] =	vst.idx.add.f32.msk $0xffff, v18;
	v17 =	vmov s3;
	v15 =	vand.u32 $0xFFFFFFFA, v15  }
0x118: {  	s6 =	simm.s32 $0xD;
	v18 =	vmov s4;
	[tilespmem:v16+s15+$0x0] =	vst.idx.add.f32.msk $0xffff, v14;
	v17 =	vand.u32 $0xFFFFFFFB, v17;
	v25 =	vbroadcast v15, $0x0  }
0x119: {  	v19 =	vmov s6;
	v14 =	vld.idx.msk [tilespmem:v62+s13+$0x0], $0xffff;
	v18 =	vand.u32 $0xFFFFFFFC, v18;
	v28 =	vbroadcast v17, $0x0  }
0x11a: {  	v16 =	vld.idx.msk [tilespmem:v62+s12+$0x0], $0xffff;
	v19 =	vand.u32 $0xFFFFFFFD, v19;
	v30 =	vbroadcast v18, $0x0  }
0x11b: {  	v31 =	vbroadcast v19, $0x0;
	v15 =	vld.idx.msk [tilespmem:v20+s13+$0x0], $0xffff  }
0x11c: {  	s31 =	simm.s32 $0xE;
	v17 =	vld.idx.msk [tilespmem:v20+s12+$0x0], $0xffff  }
0x11d: {  	s30 =	simm.s32 $0x10;
	v19 =	vmov s31;
	v18 =	vld.idx.msk [tilespmem:v24+s13+$0x0], $0xffff  }
.LBB2_10:
0x11e: {  	p1 =	slt.u32 s30, $0x68;
	v23 =	vld.idx.msk [tilespmem:v25+s13+$0x0], $0xffff;
	v19 =	vand.u32 $0xFFFFFFFE, v19  }
0x11f: {  	v21 =	vld.idx.msk [tilespmem:v28+s13+$0x0], $0xffff;
	v32 =	vbroadcast v19, $0x0  }
0x120: {  	v20 =	vld.idx.msk [tilespmem:v30+s13+$0x0], $0xffff  }
0x121: {  	v19 =	vld.idx.msk [tilespmem:v31+s13+$0x0], $0xffff  }
0x122: {  	v27 =	vld.idx.msk [tilespmem:v24+s12+$0x0], $0xffff  }
0x123: {  	v26 =	vld.idx.msk [tilespmem:v25+s12+$0x0], $0xffff  }
0x124: {  	v25 =	vld.idx.msk [tilespmem:v28+s12+$0x0], $0xffff  }
0x125: {  	v29 =	vld.idx.msk [tilespmem:v32+s12+$0x0], $0xffff  }
0x126: {  	v24 =	vld.idx.msk [tilespmem:v30+s12+$0x0], $0xffff  }
0x127: {  	v22 =	vld.idx.msk [tilespmem:v31+s12+$0x0], $0xffff  }
0x128: {  	s29 =	sadd.s32 $0x400, s29;
	v28 =	vld.idx.msk [tilespmem:v32+s13+$0x0], $0xffff  }
0x129: {  	v30 =	vld [tilespmem:s29+$0x100]  }
0x12a: {  	v31 =	vld [tilespmem:s29+$0xFFFFFE00]  }
0x12b: {  	v33 =	vadd.s32 v4, v29;
	v32 =	vld [tilespmem:s29+$0xFFFFFE80]  }
0x12c: {  	v34 =	vld [tilespmem:s29+$0xFFFFFF00]  }
0x12d: {  	v35 =	vld [tilespmem:s29+$0xFFFFFF80]  }
0x12e: {  	v36 =	vadd.s32 v4, v27;
	v37 =	vld [tilespmem:s29+$0x0];
	v30 =	vmul.f32 v30, v28  }
0x12f: {  	v38 =	vadd.s32 v4, v26;
	v31 =	vmul.f32 v31, v15;
	v39 =	vld [tilespmem:s29+$0x80]  }
0x130: {  	v40 =	vadd.s32 v4, v25;
	v32 =	vmul.f32 v32, v18;
	[tilespmem:v33+s14+$0x0] =	vst.idx.add.f32.msk $0xffff, v30  }
0x131: {  	v33 =	vadd.s32 v4, v24;
	v30 =	vmul.f32 v34, v23;
	v34 =	vld [tilespmem:s29+$0x110]  }
0x132: {  	v41 =	vadd.s32 v4, v22;
	v35 =	vmul.f32 v35, v21;
	v42 =	vld [tilespmem:s29+$0x180]  }
0x133: {  	[tilespmem:v36+s14+$0x0] =	vst.idx.add.f32.msk $0xffff, v32;
	v32 =	vmul.f32 v37, v20;
	v36 =	vadd.s32 v6, v29  }
0x134: {  	[tilespmem:v38+s14+$0x0] =	vst.idx.add.f32.msk $0xffff, v30;
	v30 =	vmul.f32 v39, v19  }
0x135: {  	v37 =	vadd.s32 v4, v17;
	[tilespmem:v40+s14+$0x0] =	vst.idx.add.f32.msk $0xffff, v35  }
0x136: {  	[tilespmem:v33+s14+$0x0] =	vst.idx.add.f32.msk $0xffff, v32;
	v32 =	vmul.f32 v34, v28;
	v33 =	vadd.s32 v4, v16  }
0x137: {  	[tilespmem:v41+s14+$0x0] =	vst.idx.add.f32.msk $0xffff, v30;
	v30 =	vmul.f32 v42, v14  }
0x138: {  	[tilespmem:v36+s14+$0x0] =	vst.idx.add.f32.msk $0xffff, v32  }
0x139: {  	v32 =	vld [tilespmem:s29+$0x120]  }
0x13a: {  	[tilespmem:v37+s14+$0x0] =	vst.idx.add.f32.msk $0xffff, v31  }
0x13b: {  	v31 =	vadd.s32 v7, v29;
	[tilespmem:v33+s14+$0x0] =	vst.idx.add.f32.msk $0xffff, v30  }
0x13c: {  	v30 =	vld [tilespmem:s29+$0xFFFFFE90]  }
0x13d: {  	v33 =	vld [tilespmem:s29+$0xFFFFFF10]  }
0x13e: {  	v34 =	vld [tilespmem:s29+$0xFFFFFF90];
	v32 =	vmul.f32 v32, v28  }
0x13f: {  	v35 =	vld [tilespmem:s29+$0x10]  }
0x140: {  	v36 =	vadd.s32 v6, v27;
	[tilespmem:v31+s14+$0x0] =	vst.idx.add.f32.msk $0xffff, v32  }
0x141: {  	v31 =	vadd.s32 v6, v26;
	v30 =	vmul.f32 v30, v18;
	v32 =	vld [tilespmem:s29+$0x130]  }
0x142: {  	v37 =	vadd.s32 v6, v25;
	v33 =	vmul.f32 v33, v23;
	v38 =	vld [tilespmem:s29+$0x90]  }
0x143: {  	v40 =	vadd.s32 v8, v29;
	v39 =	vld [tilespmem:s29+$0xFFFFFE10];
	v34 =	vmul.f32 v34, v21  }
0x144: {  	v35 =	vmul.f32 v35, v20;
	v41 =	vld [tilespmem:s29+$0x190]  }
0x145: {  	[tilespmem:v36+s14+$0x0] =	vst.idx.add.f32.msk $0xffff, v30;
	v30 =	vadd.s32 v6, v24  }
0x146: {  	[tilespmem:v31+s14+$0x0] =	vst.idx.add.f32.msk $0xffff, v33;
	v31 =	vadd.s32 v6, v22;
	v32 =	vmul.f32 v32, v28  }
0x147: {  	v33 =	vadd.s32 v6, v17;
	[tilespmem:v37+s14+$0x0] =	vst.idx.add.f32.msk $0xffff, v34;
	v34 =	vmul.f32 v38, v19  }
0x148: {  	v36 =	vmul.f32 v39, v15;
	[tilespmem:v40+s14+$0x0] =	vst.idx.add.f32.msk $0xffff, v32;
	v32 =	vadd.s32 v6, v16  }
0x149: {  	v37 =	vld [tilespmem:s29+$0x140];
	v38 =	vmul.f32 v41, v14  }
0x14a: {  	[tilespmem:v30+s14+$0x0] =	vst.idx.add.f32.msk $0xffff, v35  }
0x14b: {  	v30 =	vadd.s32 v9, v29;
	[tilespmem:v31+s14+$0x0] =	vst.idx.add.f32.msk $0xffff, v34  }
0x14c: {  	[tilespmem:v33+s14+$0x0] =	vst.idx.add.f32.msk $0xffff, v36  }
0x14d: {  	[tilespmem:v32+s14+$0x0] =	vst.idx.add.f32.msk $0xffff, v38  }
0x14e: {  	v31 =	vld [tilespmem:s29+$0xFFFFFEA0];
	v32 =	vmul.f32 v37, v28  }
0x14f: {  	v33 =	vld [tilespmem:s29+$0xFFFFFF20]  }
0x150: {  	[tilespmem:v30+s14+$0x0] =	vst.idx.add.f32.msk $0xffff, v32  }
0x151: {  	v30 =	vld [tilespmem:s29+$0x150]  }
0x152: {  	v32 =	vadd.s32 v7, v27;
	v34 =	vld [tilespmem:s29+$0xFFFFFFA0]  }
0x153: {  	v36 =	vadd.s32 v10, v29;
	v31 =	vmul.f32 v31, v18;
	v35 =	vld [tilespmem:s29+$0x20]  }
0x154: {  	v33 =	vmul.f32 v33, v23;
	v37 =	vld [tilespmem:s29+$0xA0]  }
0x155: {  	v39 =	vadd.s32 v7, v26;
	v38 =	vld [tilespmem:s29+$0xFFFFFE20]  }
0x156: {  	v40 =	vadd.s32 v7, v25;
	v30 =	vmul.f32 v30, v28;
	v41 =	vld [tilespmem:s29+$0x1A0]  }
0x157: {  	[tilespmem:v32+s14+$0x0] =	vst.idx.add.f32.msk $0xffff, v31;
	v31 =	vmul.f32 v34, v21;
	v32 =	vadd.s32 v7, v24  }
0x158: {  	v34 =	vmul.f32 v35, v20;
	v35 =	vadd.s32 v7, v22;
	[tilespmem:v36+s14+$0x0] =	vst.idx.add.f32.msk $0xffff, v30  }
0x159: {  	v30 =	vadd.s32 v7, v17;
	v36 =	vmul.f32 v37, v19;
	v37 =	vld [tilespmem:s29+$0x160]  }
0x15a: {  	v38 =	vmul.f32 v38, v15;
	[tilespmem:v39+s14+$0x0] =	vst.idx.add.f32.msk $0xffff, v33;
	v33 =	vadd.s32 v7, v16  }
0x15b: {  	[tilespmem:v40+s14+$0x0] =	vst.idx.add.f32.msk $0xffff, v31;
	v31 =	vadd.s32 v11, v29;
	v39 =	vmul.f32 v41, v14  }
0x15c: {  	[tilespmem:v32+s14+$0x0] =	vst.idx.add.f32.msk $0xffff, v34  }
0x15d: {  	[tilespmem:v35+s14+$0x0] =	vst.idx.add.f32.msk $0xffff, v36  }
0x15e: {  	[tilespmem:v30+s14+$0x0] =	vst.idx.add.f32.msk $0xffff, v38;
	v30 =	vmul.f32 v37, v28  }
0x15f: {  	[tilespmem:v33+s14+$0x0] =	vst.idx.add.f32.msk $0xffff, v39  }
0x160: {  	[tilespmem:v31+s14+$0x0] =	vst.idx.add.f32.msk $0xffff, v30  }
0x161: {  	v30 =	vld [tilespmem:s29+$0x170]  }
0x162: {  	v31 =	vld [tilespmem:s29+$0xFFFFFEB0]  }
0x163: {  	v33 =	vadd.s32 v12, v29;
	v29 =	vshra.s32 v29, $0x3;
	v32 =	vld [tilespmem:s29+$0xFFFFFF30]  }
0x164: {  	v29 =	vadd.s32 v4, v29;
	v34 =	vld [tilespmem:s29+$0xFFFFFFB0]  }
0x165: {  	v35 =	vld [tilespmem:s29+$0x30]  }
0x166: {  	v36 =	vadd.s32 v8, v27;
	v37 =	vld [tilespmem:s29+$0xB0];
	v30 =	vmul.f32 v30, v28  }
0x167: {  	v39 =	vadd.s32 v8, v26;
	v28 =	vmul.f32 v13, v28;
	v38 =	vld [tilespmem:s29+$0xFFFFFE30];
	v31 =	vmul.f32 v31, v18  }
0x168: {  	v40 =	vadd.s32 v8, v25;
	v32 =	vmul.f32 v32, v23;
	[tilespmem:v33+s14+$0x0] =	vst.idx.add.f32.msk $0xffff, v30  }
0x169: {  	v33 =	vadd.s32 v8, v24;
	v30 =	vmul.f32 v34, v21;
	[tilespmem:v29+s15+$0x0] =	vst.idx.add.f32.msk $0xffff, v28  }
0x16a: {  	v29 =	vadd.s32 v8, v22;
	v28 =	vmul.f32 v35, v20;
	v34 =	vld [tilespmem:s29+$0x1B0]  }
0x16b: {  	v35 =	vadd.s32 v8, v17;
	[tilespmem:v36+s14+$0x0] =	vst.idx.add.f32.msk $0xffff, v31;
	v31 =	vmul.f32 v37, v19  }
0x16c: {  	v36 =	vmul.f32 v38, v15;
	[tilespmem:v39+s14+$0x0] =	vst.idx.add.f32.msk $0xffff, v32;
	v32 =	vadd.s32 v8, v16  }
0x16d: {  	[tilespmem:v40+s14+$0x0] =	vst.idx.add.f32.msk $0xffff, v30  }
0x16e: {  	[tilespmem:v33+s14+$0x0] =	vst.idx.add.f32.msk $0xffff, v28  }
0x16f: {  	[tilespmem:v29+s14+$0x0] =	vst.idx.add.f32.msk $0xffff, v31;
	v28 =	vmul.f32 v34, v14  }
0x170: {  	[tilespmem:v35+s14+$0x0] =	vst.idx.add.f32.msk $0xffff, v36  }
0x171: {  	[tilespmem:v32+s14+$0x0] =	vst.idx.add.f32.msk $0xffff, v28  }
0x172: {  	v28 =	vld [tilespmem:s29+$0xFFFFFEC0]  }
0x173: {  	v29 =	vld [tilespmem:s29+$0xFFFFFF40]  }
0x174: {  	v30 =	vadd.s32 v9, v27;
	v31 =	vld [tilespmem:s29+$0xFFFFFFC0]  }
0x175: {  	v32 =	vadd.s32 v9, v26;
	v33 =	vld [tilespmem:s29+$0x40]  }
0x176: {  	v34 =	vadd.s32 v9, v25;
	v35 =	vld [tilespmem:s29+$0xC0]  }
0x177: {  	v37 =	vadd.s32 v9, v24;
	v36 =	vld [tilespmem:s29+$0xFFFFFE40];
	v28 =	vmul.f32 v28, v18  }
0x178: {  	v38 =	vadd.s32 v9, v22;
	v29 =	vmul.f32 v29, v23;
	v39 =	vld [tilespmem:s29+$0x1C0]  }
0x179: {  	v40 =	vadd.s32 v9, v17;
	[tilespmem:v30+s14+$0x0] =	vst.idx.add.f32.msk $0xffff, v28;
	v28 =	vmul.f32 v31, v21  }
0x17a: {  	v30 =	vadd.s32 v9, v16;
	[tilespmem:v32+s14+$0x0] =	vst.idx.add.f32.msk $0xffff, v29;
	v29 =	vmul.f32 v33, v20  }
0x17b: {  	[tilespmem:v34+s14+$0x0] =	vst.idx.add.f32.msk $0xffff, v28;
	v28 =	vmul.f32 v35, v19  }
0x17c: {  	v31 =	vmul.f32 v36, v15;
	[tilespmem:v37+s14+$0x0] =	vst.idx.add.f32.msk $0xffff, v29  }
0x17d: {  	[tilespmem:v38+s14+$0x0] =	vst.idx.add.f32.msk $0xffff, v28;
	v28 =	vmul.f32 v39, v14  }
0x17e: {  	[tilespmem:v40+s14+$0x0] =	vst.idx.add.f32.msk $0xffff, v31  }
0x17f: {  	[tilespmem:v30+s14+$0x0] =	vst.idx.add.f32.msk $0xffff, v28  }
0x180: {  	v28 =	vld [tilespmem:s29+$0xFFFFFED0]  }
0x181: {  	v29 =	vld [tilespmem:s29+$0xFFFFFF50]  }
0x182: {  	v30 =	vadd.s32 v10, v27;
	v31 =	vld [tilespmem:s29+$0xFFFFFFD0]  }
0x183: {  	v32 =	vadd.s32 v10, v26;
	v33 =	vld [tilespmem:s29+$0x50]  }
0x184: {  	v34 =	vadd.s32 v10, v25;
	v35 =	vld [tilespmem:s29+$0xD0]  }
0x185: {  	v37 =	vadd.s32 v10, v24;
	v36 =	vld [tilespmem:s29+$0xFFFFFE50];
	v28 =	vmul.f32 v28, v18  }
0x186: {  	v38 =	vadd.s32 v10, v22;
	v29 =	vmul.f32 v29, v23;
	v39 =	vld [tilespmem:s29+$0x1D0]  }
0x187: {  	v40 =	vadd.s32 v10, v17;
	[tilespmem:v30+s14+$0x0] =	vst.idx.add.f32.msk $0xffff, v28;
	v28 =	vmul.f32 v31, v21  }
0x188: {  	v30 =	vadd.s32 v10, v16;
	[tilespmem:v32+s14+$0x0] =	vst.idx.add.f32.msk $0xffff, v29;
	v29 =	vmul.f32 v33, v20  }
0x189: {  	[tilespmem:v34+s14+$0x0] =	vst.idx.add.f32.msk $0xffff, v28;
	v28 =	vmul.f32 v35, v19  }
0x18a: {  	v31 =	vmul.f32 v36, v15;
	[tilespmem:v37+s14+$0x0] =	vst.idx.add.f32.msk $0xffff, v29  }
0x18b: {  	[tilespmem:v38+s14+$0x0] =	vst.idx.add.f32.msk $0xffff, v28;
	v28 =	vmul.f32 v39, v14  }
0x18c: {  	[tilespmem:v40+s14+$0x0] =	vst.idx.add.f32.msk $0xffff, v31  }
0x18d: {  	[tilespmem:v30+s14+$0x0] =	vst.idx.add.f32.msk $0xffff, v28  }
0x18e: {  	v28 =	vld [tilespmem:s29+$0xFFFFFEE0]  }
0x18f: {  	v29 =	vld [tilespmem:s29+$0xFFFFFF60]  }
0x190: {  	v30 =	vadd.s32 v11, v27;
	v31 =	vld [tilespmem:s29+$0xFFFFFFE0]  }
0x191: {  	v32 =	vadd.s32 v11, v26;
	v33 =	vld [tilespmem:s29+$0x60]  }
0x192: {  	v34 =	vadd.s32 v11, v25;
	v35 =	vld [tilespmem:s29+$0xE0]  }
0x193: {  	v37 =	vadd.s32 v11, v24;
	v36 =	vld [tilespmem:s29+$0xFFFFFE60];
	v28 =	vmul.f32 v28, v18  }
0x194: {  	v38 =	vadd.s32 v11, v22;
	v29 =	vmul.f32 v29, v23;
	v39 =	vld [tilespmem:s29+$0x1E0]  }
0x195: {  	v40 =	vadd.s32 v11, v17;
	[tilespmem:v30+s14+$0x0] =	vst.idx.add.f32.msk $0xffff, v28;
	v28 =	vmul.f32 v31, v21  }
0x196: {  	v30 =	vadd.s32 v11, v16;
	[tilespmem:v32+s14+$0x0] =	vst.idx.add.f32.msk $0xffff, v29;
	v29 =	vmul.f32 v33, v20  }
0x197: {  	[tilespmem:v34+s14+$0x0] =	vst.idx.add.f32.msk $0xffff, v28;
	v28 =	vmul.f32 v35, v19  }
0x198: {  	v31 =	vmul.f32 v36, v15;
	[tilespmem:v37+s14+$0x0] =	vst.idx.add.f32.msk $0xffff, v29  }
0x199: {  	[tilespmem:v38+s14+$0x0] =	vst.idx.add.f32.msk $0xffff, v28;
	v28 =	vmul.f32 v39, v14  }
0x19a: {  	[tilespmem:v40+s14+$0x0] =	vst.idx.add.f32.msk $0xffff, v31  }
0x19b: {  	[tilespmem:v30+s14+$0x0] =	vst.idx.add.f32.msk $0xffff, v28  }
0x19c: {  	v28 =	vld [tilespmem:s29+$0xFFFFFEF0]  }
0x19d: {  	v29 =	vld [tilespmem:s29+$0xFFFFFF70]  }
0x19e: {  	v30 =	vadd.s32 v12, v27;
	v27 =	vshra.s32 v27, $0x3;
	v31 =	vld [tilespmem:s29+$0xFFFFFFF0]  }
0x19f: {  	v32 =	vmul.f32 v13, v18;
	v27 =	vadd.s32 v4, v27;
	v33 =	vld [tilespmem:s29+$0x70]  }
0x1a0: {  	v34 =	vadd.s32 v12, v26;
	v26 =	vshra.s32 v26, $0x3;
	v35 =	vmul.f32 v13, v23;
	v36 =	vld [tilespmem:s29+$0xF0]  }
0x1a1: {  	v26 =	vadd.s32 v4, v26;
	v37 =	vld [tilespmem:s29+$0xFFFFFE70];
	v18 =	vmul.f32 v28, v18;
	v28 =	vmul.f32 v13, v21  }
0x1a2: {  	v23 =	vmul.f32 v29, v23;
	v29 =	vadd.s32 v12, v25;
	v25 =	vshra.s32 v25, $0x3;
	v38 =	vld [tilespmem:s29+$0x1F0]  }
0x1a3: {  	[tilespmem:v30+s14+$0x0] =	vst.idx.add.f32.msk $0xffff, v18;
	v18 =	vmul.f32 v31, v21;
	v21 =	vadd.s32 v4, v25  }
0x1a4: {  	v25 =	vadd.s32 v12, v24;
	v24 =	vshra.s32 v24, $0x3;
	[tilespmem:v27+s15+$0x0] =	vst.idx.add.f32.msk $0xffff, v32;
	v27 =	vmul.f32 v33, v20  }
0x1a5: {  	[tilespmem:v34+s14+$0x0] =	vst.idx.add.f32.msk $0xffff, v23;
	v23 =	vadd.s32 v4, v24;
	v24 =	vmul.f32 v36, v19  }
0x1a6: {  	v30 =	vmul.f32 v37, v15;
	[tilespmem:v26+s15+$0x0] =	vst.idx.add.f32.msk $0xffff, v35;
	v26 =	vadd.s32 v12, v22;
	v22 =	vshra.s32 v22, $0x3  }
0x1a7: {  	[tilespmem:v29+s14+$0x0] =	vst.idx.add.f32.msk $0xffff, v18;
	v18 =	vadd.s32 v4, v22;
	v22 =	vmul.f32 v38, v14  }
0x1a8: {  	v20 =	vmul.f32 v13, v20;
	v29 =	vadd.s32 v12, v17;
	v17 =	vshra.s32 v17, $0x3;
	[tilespmem:v21+s15+$0x0] =	vst.idx.add.f32.msk $0xffff, v28  }
0x1a9: {  	v17 =	vadd.s32 v4, v17;
	[tilespmem:v25+s14+$0x0] =	vst.idx.add.f32.msk $0xffff, v27  }
0x1aa: {  	v19 =	vmul.f32 v13, v19;
	[tilespmem:v23+s15+$0x0] =	vst.idx.add.f32.msk $0xffff, v20;
	v20 =	vadd.s32 v12, v16;
	v16 =	vshra.s32 v16, $0x3  }
0x1ab: {  	s0 =	sadd.s32 $0x7, s30;
	v21 =	vmov s30;
	[tilespmem:v26+s14+$0x0] =	vst.idx.add.f32.msk $0xffff, v24;
	v16 =	vadd.s32 v4, v16  }
0x1ac: {  	s3 =	sadd.s32 $0x1, s30;
	v15 =	vmul.f32 v13, v15;
	v21 =	vand.u32 $0xFFFFFFF8, v21;
	v23 =	vmov s0;
	[tilespmem:v18+s15+$0x0] =	vst.idx.add.f32.msk $0xffff, v19  }
0x1ad: {  	s0 =	sadd.s32 $0x2, s30;
	v18 =	vbroadcast v21, $0x0;
	v19 =	vmov s3;
	[tilespmem:v29+s14+$0x0] =	vst.idx.add.f32.msk $0xffff, v30  }
0x1ae: {  	v14 =	vmul.f32 v13, v14;
	v21 =	vmov s0;
	s0 =	sadd.s32 $0x3, s30;
	v19 =	vand.u32 $0xFFFFFFF9, v19;
	[tilespmem:v17+s15+$0x0] =	vst.idx.add.f32.msk $0xffff, v15  }
0x1af: {  	v24 =	vbroadcast v19, $0x0;
	v15 =	vand.u32 $0xFFFFFFFA, v21;
	v17 =	vmov s0;
	s0 =	sadd.s32 $0x4, s30;
	[tilespmem:v20+s14+$0x0] =	vst.idx.add.f32.msk $0xffff, v22  }
0x1b0: {  	v25 =	vbroadcast v15, $0x0;
	v15 =	vand.u32 $0xFFFFFFFB, v17;
	v17 =	vmov s0;
	s0 =	sadd.s32 $0x5, s30;
	[tilespmem:v16+s15+$0x0] =	vst.idx.add.f32.msk $0xffff, v14  }
.Ltmp6:
0x1b1: {  	v28 =	vbroadcast v15, $0x0;
	v15 =	vand.u32 $0xFFFFFFFC, v17;
	v16 =	vmov s0;
	v14 =	vld.idx.msk [tilespmem:v23+s13+$0x0], $0xffff;
	(pc) =	sbr.rel @p1 .LBB2_10-.Ltmp6, $4  }
0x1b2: {  	v30 =	vbroadcast v15, $0x0;
	v17 =	vand.u32 $0xFFFFFFFD, v16;
	v16 =	vld.idx.msk [tilespmem:v23+s12+$0x0], $0xffff  }
0x1b3: {  	v31 =	vbroadcast v17, $0x0;
	v15 =	vld.idx.msk [tilespmem:v18+s13+$0x0], $0xffff  }
0x1b4: {  	s0 =	sadd.s32 $0x6, s30;
	v17 =	vld.idx.msk [tilespmem:v18+s12+$0x0], $0xffff  }
0x1b5: {  	s30 =	sadd.s32 $0x8, s30;
	v19 =	vmov s0;
	v18 =	vld.idx.msk [tilespmem:v24+s13+$0x0], $0xffff  }
0x1b6: {  	_ =	sdelay $0x3  }
0x1b7: {  	v22 =	vld.idx.msk [tilespmem:v25+s13+$0x0], $0xffff  }
0x1b8: {  	v21 =	vld.idx.msk [tilespmem:v28+s13+$0x0], $0xffff  }
0x1b9: {  	v20 =	vld.idx.msk [tilespmem:v30+s13+$0x0], $0xffff  }
0x1ba: {  	v27 =	vld.idx.msk [tilespmem:v24+s12+$0x0], $0xffff  }
0x1bb: {  	v26 =	vld.idx.msk [tilespmem:v25+s12+$0x0], $0xffff  }
0x1bc: {  	v25 =	vld.idx.msk [tilespmem:v28+s12+$0x0], $0xffff  }
0x1bd: {  	v24 =	vld.idx.msk [tilespmem:v30+s12+$0x0], $0xffff  }
0x1be: {  	v19 =	vand.u32 $0xFFFFFFFE, v19;
	v23 =	vld.idx.msk [tilespmem:v31+s12+$0x0], $0xffff  }
0x1bf: {  	s29 =	sadd.s32 $0x400, s29;
	v29 =	vbroadcast v19, $0x0;
	v19 =	vld.idx.msk [tilespmem:v31+s13+$0x0], $0xffff  }
0x1c0: {  	v61 =	vld [tilespmem:s29+$0x100]  }
0x1c1: {  	v62 =	vld [tilespmem:s29+$0xFFFFFE00]  }
0x1c2: {  	v32 =	vld [tilespmem:s29+$0xFFFFFE80]  }
0x1c3: {  	v34 =	vld [tilespmem:s29+$0xFFFFFF00]  }
0x1c4: {  	v42 =	vld [tilespmem:s29+$0x180]  }
0x1c5: {  	v35 =	vld [tilespmem:s29+$0xFFFFFF80];
	v49 =	vadd.s32 v4, v17  }
0x1c6: {  	v37 =	vld [tilespmem:s29+$0x0];
	v51 =	vadd.s32 v4, v16  }
0x1c7: {  	v39 =	vld [tilespmem:s29+$0x80]  }
0x1c8: {  	v31 =	vmul.f32 v62, v15;
	v28 =	vld.idx.msk [tilespmem:v29+s12+$0x0], $0xffff  }
0x1c9: {  	v36 =	vadd.s32 v4, v27;
	v52 =	vmul.f32 v42, v14;
	v29 =	vld.idx.msk [tilespmem:v29+s13+$0x0], $0xffff  }
0x1ca: {  	v38 =	vadd.s32 v4, v26;
	[tilespmem:v49+s14+$0x0] =	vst.idx.add.f32.msk $0xffff, v31  }
0x1cb: {  	v40 =	vadd.s32 v4, v25;
	[tilespmem:v51+s14+$0x0] =	vst.idx.add.f32.msk $0xffff, v52  }
0x1cc: {  	v45 =	vadd.s32 v4, v24;
	v63 =	vmul.f32 v32, v18;
	v62 =	vld [tilespmem:s29+$0xFFFFFE10]  }
0x1cd: {  	v41 =	vadd.s32 v4, v23;
	v34 =	vmul.f32 v34, v22;
	v44 =	vld [tilespmem:s29+$0x190]  }
0x1ce: {  	v35 =	vmul.f32 v35, v21;
	[tilespmem:v36+s14+$0x0] =	vst.idx.add.f32.msk $0xffff, v63  }
0x1cf: {  	v47 =	vmul.f32 v37, v20;
	[tilespmem:v38+s14+$0x0] =	vst.idx.add.f32.msk $0xffff, v34  }
0x1d0: {  	v48 =	vmul.f32 v39, v19;
	[tilespmem:v40+s14+$0x0] =	vst.idx.add.f32.msk $0xffff, v35  }
0x1d1: {  	[tilespmem:v45+s14+$0x0] =	vst.idx.add.f32.msk $0xffff, v47  }
0x1d2: {  	[tilespmem:v41+s14+$0x0] =	vst.idx.add.f32.msk $0xffff, v48  }
0x1d3: {  	v54 =	vld [tilespmem:s29+$0xFFFFFE90];
	v33 =	vadd.s32 v4, v28  }
0x1d4: {  	v56 =	vld [tilespmem:s29+$0xFFFFFF90]  }
0x1d5: {  	v47 =	vadd.s32 v6, v17;
	v57 =	vld [tilespmem:s29+$0x10]  }
0x1d6: {  	v60 =	vadd.s32 v6, v25;
	v55 =	vld [tilespmem:s29+$0xFFFFFF10];
	v30 =	vmul.f32 v61, v29  }
0x1d7: {  	v45 =	vadd.s32 v6, v24;
	v61 =	vld [tilespmem:s29+$0x90]  }
0x1d8: {  	v58 =	vadd.s32 v6, v27;
	v52 =	vmul.f32 v62, v15;
	[tilespmem:v33+s14+$0x0] =	vst.idx.add.f32.msk $0xffff, v30  }
0x1d9: {  	v34 =	vmul.f32 v56, v21;
	v33 =	vld [tilespmem:s29+$0x110]  }
0x1da: {  	v48 =	vmul.f32 v57, v20;
	[tilespmem:v47+s14+$0x0] =	vst.idx.add.f32.msk $0xffff, v52  }
0x1db: {  	v46 =	vadd.s32 v6, v28;
	v30 =	vmul.f32 v54, v18;
	[tilespmem:v60+s14+$0x0] =	vst.idx.add.f32.msk $0xffff, v34  }
0x1dc: {  	v59 =	vadd.s32 v6, v26;
	[tilespmem:v45+s14+$0x0] =	vst.idx.add.f32.msk $0xffff, v48  }
0x1dd: {  	[tilespmem:v58+s14+$0x0] =	vst.idx.add.f32.msk $0xffff, v30  }
0x1de: {  	v60 =	vld [tilespmem:s29+$0x20];
	v50 =	vmul.f32 v33, v29  }
0x1df: {  	v33 =	vmul.f32 v55, v22;
	v55 =	vld [tilespmem:s29+$0xFFFFFEA0]  }
0x1e0: {  	v47 =	vadd.s32 v7, v24;
	[tilespmem:v46+s14+$0x0] =	vst.idx.add.f32.msk $0xffff, v50  }
0x1e1: {  	[tilespmem:v59+s14+$0x0] =	vst.idx.add.f32.msk $0xffff, v33  }
0x1e2: {  	v46 =	vadd.s32 v6, v23;
	v59 =	vld [tilespmem:s29+$0xFFFFFFA0]  }
0x1e3: {  	v58 =	vadd.s32 v7, v27;
	v35 =	vmul.f32 v60, v20;
	v32 =	vld [tilespmem:s29+$0x120]  }
0x1e4: {  	v57 =	vld [tilespmem:s29+$0xFFFFFF20]  }
0x1e5: {  	v50 =	vmul.f32 v61, v19;
	[tilespmem:v47+s14+$0x0] =	vst.idx.add.f32.msk $0xffff, v35  }
0x1e6: {  	v53 =	vadd.s32 v7, v28;
	v35 =	vld [tilespmem:s29+$0x30];
	v30 =	vmul.f32 v55, v18  }
0x1e7: {  	[tilespmem:v46+s14+$0x0] =	vst.idx.add.f32.msk $0xffff, v50  }
0x1e8: {  	v49 =	vadd.s32 v6, v16;
	[tilespmem:v58+s14+$0x0] =	vst.idx.add.f32.msk $0xffff, v30  }
0x1e9: {  	v45 =	vadd.s32 v7, v25;
	v32 =	vmul.f32 v32, v29;
	v62 =	vld [tilespmem:s29+$0xA0]  }
0x1ea: {  	v48 =	vmul.f32 v57, v22;
	v57 =	vld [tilespmem:s29+$0xFFFFFEB0]  }
0x1eb: {  	[tilespmem:v53+s14+$0x0] =	vst.idx.add.f32.msk $0xffff, v32;
	v53 =	vmul.f32 v44, v14;
	v44 =	vadd.s32 v7, v26  }
0x1ec: {  	v50 =	vmul.f32 v59, v21;
	v32 =	vld [tilespmem:s29+$0x130]  }
0x1ed: {  	[tilespmem:v49+s14+$0x0] =	vst.idx.add.f32.msk $0xffff, v53;
	v49 =	vadd.s32 v7, v23  }
0x1ee: {  	v63 =	vadd.s32 v8, v28;
	[tilespmem:v45+s14+$0x0] =	vst.idx.add.f32.msk $0xffff, v50  }
0x1ef: {  	v60 =	vld [tilespmem:s29+$0xFFFFFFB0]  }
0x1f0: {  	v37 =	vmul.f32 v62, v19;
	[tilespmem:v44+s14+$0x0] =	vst.idx.add.f32.msk $0xffff, v48  }
0x1f1: {  	v32 =	vmul.f32 v32, v29;
	v58 =	vld [tilespmem:s29+$0xFFFFFF30]  }
0x1f2: {  	v42 =	vadd.s32 v8, v24;
	[tilespmem:v49+s14+$0x0] =	vst.idx.add.f32.msk $0xffff, v37  }
0x1f3: {  	[tilespmem:v63+s14+$0x0] =	vst.idx.add.f32.msk $0xffff, v32  }
0x1f4: {  	v37 =	vld [tilespmem:s29+$0xB0]  }
0x1f5: {  	v62 =	vadd.s32 v8, v26;
	v48 =	vmul.f32 v35, v20;
	v51 =	vld [tilespmem:s29+$0x140]  }
0x1f6: {  	v46 =	vld [tilespmem:s29+$0x1A0];
	v44 =	vadd.s32 v8, v23  }
0x1f7: {  	v54 =	vadd.s32 v9, v28;
	[tilespmem:v42+s14+$0x0] =	vst.idx.add.f32.msk $0xffff, v48  }
0x1f8: {  	v63 =	vld [tilespmem:s29+$0xFFFFFE20];
	v43 =	vmul.f32 v58, v22  }
0x1f9: {  	v58 =	vld [tilespmem:s29+$0x40];
	v50 =	vmul.f32 v37, v19  }
0x1fa: {  	v52 =	vadd.s32 v7, v16;
	[tilespmem:v62+s14+$0x0] =	vst.idx.add.f32.msk $0xffff, v43;
	v56 =	vmul.f32 v51, v29  }
0x1fb: {  	v51 =	vadd.s32 v7, v17;
	[tilespmem:v44+s14+$0x0] =	vst.idx.add.f32.msk $0xffff, v50  }
0x1fc: {  	[tilespmem:v54+s14+$0x0] =	vst.idx.add.f32.msk $0xffff, v56  }
0x1fd: {  	v54 =	vmul.f32 v46, v14;
	v35 =	vld [tilespmem:s29+$0xC0]  }
0x1fe: {  	v38 =	vmul.f32 v63, v15;
	v63 =	vadd.s32 v8, v25;
	v31 =	vld [tilespmem:s29+$0x150]  }
0x1ff: {  	[tilespmem:v52+s14+$0x0] =	vst.idx.add.f32.msk $0xffff, v54  }
0x200: {  	v62 =	vadd.s32 v9, v23;
	[tilespmem:v51+s14+$0x0] =	vst.idx.add.f32.msk $0xffff, v38  }
0x201: {  	v61 =	vadd.s32 v10, v28;
	v46 =	vmul.f32 v60, v21;
	v45 =	vld [tilespmem:s29+$0x1B0]  }
0x202: {  	v38 =	vld [tilespmem:s29+$0xFFFFFE30]  }
0x203: {  	v49 =	vadd.s32 v8, v16;
	[tilespmem:v63+s14+$0x0] =	vst.idx.add.f32.msk $0xffff, v46;
	v48 =	vmul.f32 v35, v19  }
0x204: {  	v47 =	vadd.s32 v8, v17;
	v54 =	vld [tilespmem:s29+$0xFFFFFF40];
	v31 =	vmul.f32 v31, v29  }
0x205: {  	[tilespmem:v62+s14+$0x0] =	vst.idx.add.f32.msk $0xffff, v48  }
0x206: {  	[tilespmem:v61+s14+$0x0] =	vst.idx.add.f32.msk $0xffff, v31;
	v52 =	vmul.f32 v45, v14  }
0x207: {  	v61 =	vadd.s32 v8, v27;
	v36 =	vld [tilespmem:s29+$0x160];
	v51 =	vmul.f32 v38, v15  }
0x208: {  	[tilespmem:v49+s14+$0x0] =	vst.idx.add.f32.msk $0xffff, v52  }
0x209: {  	v53 =	vadd.s32 v11, v28;
	[tilespmem:v47+s14+$0x0] =	vst.idx.add.f32.msk $0xffff, v51  }
0x20a: {  	v41 =	vmul.f32 v57, v18;
	v63 =	vld [tilespmem:s29+$0x1C0]  }
0x20b: {  	v60 =	vld [tilespmem:s29+$0xFFFFFE40]  }
0x20c: {  	[tilespmem:v61+s14+$0x0] =	vst.idx.add.f32.msk $0xffff, v41;
	v61 =	vadd.s32 v9, v24;
	v55 =	vmul.f32 v36, v29  }
0x20d: {  	v46 =	vmul.f32 v58, v20;
	v58 =	vld [tilespmem:s29+$0xD0];
	v47 =	vadd.s32 v9, v16  }
0x20e: {  	v44 =	vadd.s32 v9, v17;
	[tilespmem:v53+s14+$0x0] =	vst.idx.add.f32.msk $0xffff, v55  }
0x20f: {  	v56 =	vld [tilespmem:s29+$0x170]  }
0x210: {  	v53 =	vld [tilespmem:s29+$0xFFFFFEC0];
	v50 =	vmul.f32 v63, v14  }
0x211: {  	v59 =	vadd.s32 v12, v28;
	v28 =	vshra.s32 v28, $0x3;
	v49 =	vmul.f32 v60, v15;
	[tilespmem:v61+s14+$0x0] =	vst.idx.add.f32.msk $0xffff, v46  }
0x212: {  	v28 =	vadd.s32 v4, v28;
	[tilespmem:v47+s14+$0x0] =	vst.idx.add.f32.msk $0xffff, v50  }
0x213: {  	v61 =	vadd.s32 v10, v23;
	[tilespmem:v44+s14+$0x0] =	vst.idx.add.f32.msk $0xffff, v49  }
0x214: {  	v55 =	vadd.s32 v9, v27;
	v62 =	vld [tilespmem:s29+$0x1D0];
	v30 =	vmul.f32 v56, v29  }
0x215: {  	v57 =	vadd.s32 v9, v26;
	v29 =	vmul.f32 v13, v29;
	v56 =	vld [tilespmem:s29+$0xFFFFFFC0]  }
0x216: {  	v46 =	vmul.f32 v58, v19;
	[tilespmem:v59+s14+$0x0] =	vst.idx.add.f32.msk $0xffff, v30  }
0x217: {  	[tilespmem:v28+s15+$0x0] =	vst.idx.add.f32.msk $0xffff, v29;
	v28 =	vmul.f32 v53, v18  }
0x218: {  	[tilespmem:v61+s14+$0x0] =	vst.idx.add.f32.msk $0xffff, v46;
	v29 =	vmul.f32 v54, v22  }
0x219: {  	v59 =	vadd.s32 v9, v25;
	[tilespmem:v55+s14+$0x0] =	vst.idx.add.f32.msk $0xffff, v28  }
0x21a: {  	[tilespmem:v57+s14+$0x0] =	vst.idx.add.f32.msk $0xffff, v29  }
0x21b: {  	v45 =	vmul.f32 v56, v21;
	v56 =	vld [tilespmem:s29+$0x50]  }
0x21c: {  	v51 =	vld [tilespmem:s29+$0xFFFFFED0]  }
0x21d: {  	v60 =	vadd.s32 v10, v24;
	v52 =	vld [tilespmem:s29+$0xFFFFFF50]  }
0x21e: {  	[tilespmem:v59+s14+$0x0] =	vst.idx.add.f32.msk $0xffff, v45;
	v45 =	vadd.s32 v10, v16  }
0x21f: {  	v53 =	vadd.s32 v10, v27;
	v59 =	vld [tilespmem:s29+$0xFFFFFE50]  }
0x220: {  	v55 =	vadd.s32 v10, v26;
	v54 =	vld [tilespmem:s29+$0xFFFFFFD0];
	v44 =	vmul.f32 v56, v20  }
0x221: {  	v48 =	vmul.f32 v62, v14;
	v56 =	vld [tilespmem:s29+$0xE0]  }
0x222: {  	v28 =	vmul.f32 v51, v18;
	[tilespmem:v60+s14+$0x0] =	vst.idx.add.f32.msk $0xffff, v44  }
0x223: {  	v63 =	vadd.s32 v10, v17;
	v29 =	vmul.f32 v52, v22;
	[tilespmem:v45+s14+$0x0] =	vst.idx.add.f32.msk $0xffff, v48  }
0x224: {  	[tilespmem:v53+s14+$0x0] =	vst.idx.add.f32.msk $0xffff, v28  }
0x225: {  	[tilespmem:v55+s14+$0x0] =	vst.idx.add.f32.msk $0xffff, v29  }
0x226: {  	v57 =	vadd.s32 v10, v25;
	v47 =	vmul.f32 v59, v15;
	v43 =	vmul.f32 v54, v21;
	v54 =	vld [tilespmem:s29+$0x60]  }
0x227: {  	v60 =	vld [tilespmem:s29+$0x1E0]  }
0x228: {  	[tilespmem:v63+s14+$0x0] =	vst.idx.add.f32.msk $0xffff, v47  }
0x229: {  	v59 =	vadd.s32 v11, v23;
	v49 =	vld [tilespmem:s29+$0xFFFFFEE0]  }
0x22a: {  	v50 =	vld [tilespmem:s29+$0xFFFFFF60]  }
0x22b: {  	v58 =	vadd.s32 v11, v24;
	[tilespmem:v57+s14+$0x0] =	vst.idx.add.f32.msk $0xffff, v43  }
0x22c: {  	v33 =	vadd.s32 v11, v16;
	v57 =	vld [tilespmem:s29+$0xFFFFFE60];
	v35 =	vmul.f32 v56, v19  }
0x22d: {  	v51 =	vadd.s32 v11, v27;
	v52 =	vld [tilespmem:s29+$0xFFFFFFE0]  }
0x22e: {  	v53 =	vadd.s32 v11, v26;
	[tilespmem:v59+s14+$0x0] =	vst.idx.add.f32.msk $0xffff, v35;
	v63 =	vmul.f32 v54, v20  }
0x22f: {  	v39 =	vmul.f32 v60, v14;
	v47 =	vld [tilespmem:s29+$0xF0]  }
0x230: {  	v28 =	vmul.f32 v49, v18;
	[tilespmem:v58+s14+$0x0] =	vst.idx.add.f32.msk $0xffff, v63  }
0x231: {  	v61 =	vadd.s32 v11, v17;
	v29 =	vmul.f32 v50, v22;
	[tilespmem:v33+s14+$0x0] =	vst.idx.add.f32.msk $0xffff, v39  }
0x232: {  	[tilespmem:v51+s14+$0x0] =	vst.idx.add.f32.msk $0xffff, v28  }
0x233: {  	[tilespmem:v53+s14+$0x0] =	vst.idx.add.f32.msk $0xffff, v29  }
0x234: {  	v55 =	vadd.s32 v11, v25;
	v36 =	vmul.f32 v57, v15;
	v45 =	vld [tilespmem:s29+$0x70]  }
0x235: {  	v51 =	vld [tilespmem:s29+$0x1F0]  }
0x236: {  	[tilespmem:v61+s14+$0x0] =	vst.idx.add.f32.msk $0xffff, v36  }
0x237: {  	v54 =	vadd.s32 v12, v23;
	v23 =	vshra.s32 v23, $0x3;
	v62 =	vmul.f32 v52, v21;
	v41 =	vld [tilespmem:s29+$0xFFFFFEF0]  }
0x238: {  	v23 =	vadd.s32 v4, v23;
	v42 =	vld [tilespmem:s29+$0xFFFFFF70]  }
0x239: {  	v52 =	vadd.s32 v12, v24;
	[tilespmem:v55+s14+$0x0] =	vst.idx.add.f32.msk $0xffff, v62  }
0x23a: {  	v60 =	vadd.s32 v12, v16;
	v48 =	vld [tilespmem:s29+$0xFFFFFE70];
	v58 =	vmul.f32 v47, v19  }
0x23b: {  	v43 =	vadd.s32 v12, v27;
	v59 =	vmul.f32 v13, v19;
	v44 =	vld [tilespmem:s29+$0xFFFFFFF0]  }
0x23c: {  	v46 =	vadd.s32 v12, v26;
	v24 =	vshra.s32 v24, $0x3;
	[tilespmem:v54+s14+$0x0] =	vst.idx.add.f32.msk $0xffff, v58;
	v55 =	vmul.f32 v45, v20  }
0x23d: {  	v24 =	vadd.s32 v4, v24;
	v61 =	vshra.s32 v16, $0x3;
	[tilespmem:v23+s15+$0x0] =	vst.idx.add.f32.msk $0xffff, v59;
	v63 =	vmul.f32 v51, v14  }
0x23e: {  	v27 =	vshra.s32 v27, $0x3;
	v16 =	vadd.s32 v4, v61;
	v28 =	vmul.f32 v41, v18;
	[tilespmem:v52+s14+$0x0] =	vst.idx.add.f32.msk $0xffff, v55  }
0x23f: {  	v26 =	vshra.s32 v26, $0x3;
	v27 =	vadd.s32 v4, v27;
	v29 =	vmul.f32 v42, v22;
	[tilespmem:v60+s14+$0x0] =	vst.idx.add.f32.msk $0xffff, v63  }
0x240: {  	v26 =	vadd.s32 v4, v26;
	v20 =	vmul.f32 v13, v20;
	[tilespmem:v43+s14+$0x0] =	vst.idx.add.f32.msk $0xffff, v28  }
0x241: {  	v56 =	vadd.s32 v12, v17;
	v14 =	vmul.f32 v13, v14;
	[tilespmem:v46+s14+$0x0] =	vst.idx.add.f32.msk $0xffff, v29  }
0x242: {  	v49 =	vmul.f32 v13, v18;
	v50 =	vadd.s32 v12, v25;
	v57 =	vshra.s32 v17, $0x3;
	[tilespmem:v24+s15+$0x0] =	vst.idx.add.f32.msk $0xffff, v20  }
0x243: {  	v25 =	vshra.s32 v25, $0x3;
	v17 =	vadd.s32 v4, v57;
	v22 =	vmul.f32 v13, v22;
	[tilespmem:v16+s15+$0x0] =	vst.idx.add.f32.msk $0xffff, v14  }
0x244: {  	v25 =	vadd.s32 v4, v25;
	v62 =	vmul.f32 v48, v15;
	[tilespmem:v27+s15+$0x0] =	vst.idx.add.f32.msk $0xffff, v49  }
.Ltmp7:
0x245: {  	v53 =	vmul.f32 v44, v21;
	[tilespmem:v26+s15+$0x0] =	vst.idx.add.f32.msk $0xffff, v22;
	(pc) =	sbr.rel @p0 .LBB2_17-.Ltmp7, $4  }
0x246: {  	v15 =	vmul.f32 v13, v15;
	[tilespmem:v56+s14+$0x0] =	vst.idx.add.f32.msk $0xffff, v62  }
0x247: {  	v21 =	vmul.f32 v13, v21;
	[tilespmem:v50+s14+$0x0] =	vst.idx.add.f32.msk $0xffff, v53  }
0x248: {  	[tilespmem:v17+s15+$0x0] =	vst.idx.add.f32.msk $0xffff, v15  }
0x249: {  	[tilespmem:v25+s15+$0x0] =	vst.idx.add.f32.msk $0xffff, v21  }
0x24a: {  	_ =	swait.ge [sflag:s16], $0x3800;
	s0 =	sadd.s32 $0x2, s28  }
0x24b: {  	[sflag:s16] =	ssyncset.done $0x0;
	p0 =	sge.s32 s0, s22  }
0x24c: {  	[sflag:s16] =	ssyncadd.s32 $0xFFFFC800;
	s0 =	smul.u32 @!p0 $0x70, s0  }
0x24d: {  	_ =	swait.ge [sflag:s16], $0x70  }
0x24e: {  	[sflag:s16] =	ssyncset.done $0x0;
	p1 =	slt.s32 @!p0 s0, $0x18630  }
0x24f: {  	[sflag:s16] =	ssyncadd.s32 $0xFFFFFF90;
	p1 =	por !p1, p0  }
0x250: {  	s28 =	simm.s32 $0x7180;
	_ =	swait.ge [sflag:s16], $0x70;
	s0 =	simm.s32 @p1 $0x18630  }
0x251: {  	s4 =	simm.s32 @!p0 $0x0;
	[sflag:s16] =	ssyncset.done $0x0;
	s3 =	sshll.u32 @!p0 s0, $0x4  }
0x252: {  	s0 =	sshrl.u32 @!p0 s0, $0x3;
	[sflag:s16] =	ssyncadd.s32 $0xFFFFFF90;
	s3 =	sadd.s32 @!p0 s1, s3  }
0x253: {  	[tilespmem:s4], [sflag:$0x1] =	stream.linear.gather @!p0 [hbm4b:s3+s4], $0x3800, $0x38;
	[tilespmem:$0x8480] =	vst v63  }
0x254: {  	s30 =	simm.s32 $0x7080;
	s6 =	simm.s32 @!p0 $0x7000;
	s3 =	sadd.s32 @!p0 s5, s0  }
0x255: {  	[tilespmem:s6], [sflag:$0x1] =	stream.linear.gather @!p0 [hbm4b:s3+s4], $0x70, $0x38;
	[tilespmem:$0x8480] =	vst v63  }
0x256: {  	s0 =	sadd.s32 @!p0 s2, s0;
	s3 =	smul.u32 $0x70, s26;
	s6 =	simm.s32 @!p0 $0x7100  }
0x257: {  	[tilespmem:s6], [sflag:$0x1] =	stream.linear.gather @!p0 [hbm4b:s0+s4], $0x70, $0x38;
	[tilespmem:$0x8480] =	vst v63  }
0x258: {  	p0 =	slt.s32 s3, $0x18630;
	s0 =	smov.u32 s3;
	s4 =	sadd.s32 $0x70, s3;
	v17 =	vld [tilespmem:s28+$0x0]  }
0x259: {  	s0 =	simm.s32 @!p0 $0x18630;
	p0 =	sgt.s32 s20, s3;
	p1 =	slt.s32 s24, s4  }
0x25a: {  	s31 =	simm.s32 $0x0;
	v18 =	vld [tilespmem:s30+$0x0];
	s3 =	smov.u32 @p0 s20;
	s4 =	smov.u32 @p1 s24;
	v14 =	vor.u32 s0, v4  }
0x25b: {  	v15 =	vmov s3;
	v16 =	vmov s4;
	v19 =	vadd.s32 s31, v14  }
0x25c: {  	vm0 =	vge.s32 v19, v15;
	vm1 =	vlt.s32 v19, v16  }
0x25d: {  	vm0 =	vmand vm0, vm1;
	v17 =	vsub.s32 v17, v2  }
0x25e: {  	s3 =	simm.s32 $0x10;
	s4 =	simm.s32 $0x7190;
	v19 =	vsel vm0, $0x3F800000, v5;
	vm0 =	vgt.s32 v17, $0x0  }
0x25f: {  	v20 =	vadd.s32 s3, v14;
	v21 =	vmul.f32 v19, v18;
	v18 =	vld [tilespmem:s4+$0x0];
	v17 =	vnsel vm0, $0x0, v17  }
0x260: {  	s6 =	simm.s32 $0x7090;
	vm1 =	vlt.s32 v20, v16;
	vm0 =	vge.s32 v20, v15;
	v19 =	vmin.u32 v17, $0x1F  }
0x261: {  	s29 =	simm.s32 $0x7190;
	s0 =	simm.s32 $0x7090;
	vm0 =	vmand vm0, vm1;
	v17 =	vld [tilespmem:s6+$0x0];
	[tilespmem:s30+$0x0] =	vst v21;
	v19 =	vshll.u32 v19, $0x7  }
.LBB2_13:
0x262: {  	s3 =	sadd.s32 $0x10, s3  }
0x263: {  	[tilespmem:s28+$0x0] =	vst v19;
	s26 =	simm.s32 $0x3A00;
	p0 =	slt.u32 s3, $0x60  }
.Ltmp8:
0x264: {  	v20 =	vsel vm0, $0x3F800000, v5;
	s4 =	sadd.s32 $0x10, s4;
	v19 =	vadd.s32 s3, v14;
	v21 =	vsub.s32 v18, v2;
	(pc) =	sbr.rel @p0 .LBB2_13-.Ltmp8, $4  }
0x265: {  	s28 =	smov.u32 s29;
	s29 =	smov.u32 s4;
	vm0 =	vge.s32 v19, v15;
	vm1 =	vlt.s32 v19, v16;
	v18 =	vld [tilespmem:s4+$0x0];
	vm2 =	vgt.s32 v21, $0x0  }
0x266: {  	s6 =	sadd.s32 $0x10, s6;
	vm0 =	vmand vm0, vm1;
	v19 =	vnsel vm2, $0x0, v21;
	v20 =	vmul.f32 v20, v17  }
0x267: {  	v17 =	vld [tilespmem:s6+$0x0];
	v19 =	vmin.u32 v19, $0x1F  }
0x268: {  	v19 =	vshll.u32 v19, $0x7;
	[tilespmem:s0+$0x0] =	vst v20;
	s0 =	smov.u32 s6  }
0x269: {  	_ = 	snop  }
0x26a: {  	v14 =	vsub.s32 v18, v2  }
0x26b: {  	s3 =	simm.s32 $0x0;
	v15 =	vsel vm0, $0x3F800000, v5;
	vm1 =	vgt.s32 v14, $0x0  }
0x26c: {  	s4 =	simm.s32 $0x7;
	v16 =	vmov s3;
	v14 =	vnsel vm1, $0x0, v14;
	v15 =	vmul.f32 v15, v17  }
0x26d: {  	s6 =	simm.s32 $0x1;
	[tilespmem:s28+$0x0] =	vst v19;
	v16 =	vand.u32 $0xFFFFFFF8, v16;
	v17 =	vmov s4;
	v14 =	vmin.u32 v14, $0x1F  }
0x26e: {  	s30 =	simm.s32 $0x2;
	v18 =	vbroadcast v16, $0x0;
	v16 =	vmov s6;
	v14 =	vshll.u32 v14, $0x7;
	[tilespmem:s0+$0x0] =	vst v15  }
0x26f: {  	s31 =	simm.s32 $0x3;
	v19 =	vmov s30;
	v16 =	vand.u32 $0xFFFFFFF9, v16;
	[tilespmem:s29+$0x0] =	vst v14  }
0x270: {  	v22 =	vbroadcast v16, $0x0;
	v15 =	vand.u32 $0xFFFFFFFA, v19;
	v16 =	vmov s31;
	v32 =	vld [tilespmem:s26+$0xFFFFFE80]  }
0x271: {  	s3 =	simm.s32 $0x4;
	s4 =	simm.s32 $0x5;
	v24 =	vbroadcast v15, $0x0;
	v14 =	vand.u32 $0xFFFFFFFB, v16;
	v34 =	vld [tilespmem:s26+$0xFFFFFF00]  }
0x272: {  	v15 =	vmov s3;
	v16 =	vmov s4;
	v25 =	vbroadcast v14, $0x0;
	v14 =	vld.idx.msk [tilespmem:v17+s18+$0x0], $0xffff  }
0x273: {  	v15 =	vand.u32 $0xFFFFFFFC, v15;
	v19 =	vand.u32 $0xFFFFFFFD, v16;
	v16 =	vld.idx.msk [tilespmem:v17+s17+$0x0], $0xffff  }
0x274: {  	v28 =	vbroadcast v15, $0x0;
	v15 =	vld.idx.msk [tilespmem:v18+s18+$0x0], $0xffff  }
0x275: {  	s6 =	simm.s32 $0x6;
	v17 =	vld.idx.msk [tilespmem:v18+s17+$0x0], $0xffff  }
0x276: {  	v29 =	vbroadcast v19, $0x0;
	v18 =	vmov s6;
	v23 =	vld.idx.msk [tilespmem:v22+s18+$0x0], $0xffff  }
0x277: {  	v18 =	vand.u32 $0xFFFFFFFE, v18;
	v27 =	vld.idx.msk [tilespmem:v22+s17+$0x0], $0xffff  }
0x278: {  	v30 =	vbroadcast v18, $0x0;
	v21 =	vld.idx.msk [tilespmem:v24+s18+$0x0], $0xffff  }
0x279: {  	v26 =	vld.idx.msk [tilespmem:v24+s17+$0x0], $0xffff  }
0x27a: {  	v20 =	vld.idx.msk [tilespmem:v25+s18+$0x0], $0xffff  }
0x27b: {  	v19 =	vld.idx.msk [tilespmem:v28+s18+$0x0], $0xffff  }
0x27c: {  	v18 =	vld.idx.msk [tilespmem:v29+s18+$0x0], $0xffff  }
0x27d: {  	v24 =	vld.idx.msk [tilespmem:v28+s17+$0x0], $0xffff  }
0x27e: {  	v31 =	vld.idx.msk [tilespmem:v30+s17+$0x0], $0xffff  }
0x27f: {  	v22 =	vld.idx.msk [tilespmem:v29+s17+$0x0], $0xffff  }
0x280: {  	v29 =	vld [tilespmem:s26+$0x100]  }
0x281: {  	v28 =	vld.idx.msk [tilespmem:v30+s18+$0x0], $0xffff  }
0x282: {  	v25 =	vld.idx.msk [tilespmem:v25+s17+$0x0], $0xffff  }
0x283: {  	v35 =	vld [tilespmem:s26+$0xFFFFFF80];
	v33 =	vadd.s32 v4, v31  }
0x284: {  	v37 =	vld [tilespmem:s26+$0x0]  }
0x285: {  	v39 =	vld [tilespmem:s26+$0x80];
	v38 =	vadd.s32 v4, v26  }
0x286: {  	v42 =	vld [tilespmem:s26+$0x180];
	v36 =	vadd.s32 v4, v27;
	v29 =	vmul.f32 v29, v28  }
0x287: {  	v30 =	vld [tilespmem:s26+$0xFFFFFE00];
	v40 =	vadd.s32 v4, v25  }
0x288: {  	v34 =	vmul.f32 v34, v21;
	[tilespmem:v33+s14+$0x0] =	vst.idx.add.f32.msk $0xffff, v29  }
0x289: {  	v62 =	vadd.s32 v4, v24;
	v29 =	vmul.f32 v32, v23;
	v33 =	vld [tilespmem:s26+$0x110]  }
0x28a: {  	v35 =	vmul.f32 v35, v20;
	v41 =	vadd.s32 v4, v22;
	[tilespmem:v38+s14+$0x0] =	vst.idx.add.f32.msk $0xffff, v34  }
0x28b: {  	[tilespmem:v36+s14+$0x0] =	vst.idx.add.f32.msk $0xffff, v29;
	v29 =	vadd.s32 v6, v31  }
0x28c: {  	v63 =	vmul.f32 v37, v19;
	[tilespmem:v40+s14+$0x0] =	vst.idx.add.f32.msk $0xffff, v35  }
0x28d: {  	v44 =	vadd.s32 v4, v17;
	v43 =	vmul.f32 v39, v18;
	v47 =	vld [tilespmem:s26+$0xFFFFFF10]  }
0x28e: {  	[tilespmem:v62+s14+$0x0] =	vst.idx.add.f32.msk $0xffff, v63;
	v45 =	vmul.f32 v33, v28  }
0x28f: {  	[tilespmem:v41+s14+$0x0] =	vst.idx.add.f32.msk $0xffff, v43  }
0x290: {  	v30 =	vmul.f32 v30, v15;
	[tilespmem:v29+s14+$0x0] =	vst.idx.add.f32.msk $0xffff, v45  }
0x291: {  	v46 =	vadd.s32 v4, v16;
	v32 =	vld [tilespmem:s26+$0x120]  }
0x292: {  	[tilespmem:v44+s14+$0x0] =	vst.idx.add.f32.msk $0xffff, v30  }
0x293: {  	v30 =	vadd.s32 v7, v31;
	v48 =	vld [tilespmem:s26+$0xFFFFFF90]  }
0x294: {  	v49 =	vld [tilespmem:s26+$0x10];
	v29 =	vmul.f32 v42, v14  }
0x295: {  	v53 =	vld [tilespmem:s26+$0xFFFFFE10]  }
0x296: {  	v51 =	vadd.s32 v6, v25;
	[tilespmem:v46+s14+$0x0] =	vst.idx.add.f32.msk $0xffff, v29;
	v32 =	vmul.f32 v32, v28  }
0x297: {  	v56 =	vadd.s32 v6, v17;
	v29 =	vld [tilespmem:s26+$0xFFFFFE90]  }
0x298: {  	[tilespmem:v30+s14+$0x0] =	vst.idx.add.f32.msk $0xffff, v32  }
0x299: {  	v34 =	vmul.f32 v48, v20;
	v30 =	vadd.s32 v6, v26;
	v32 =	vld [tilespmem:s26+$0x130]  }
0x29a: {  	v50 =	vadd.s32 v6, v27;
	v52 =	vld [tilespmem:s26+$0x90];
	v61 =	vmul.f32 v53, v15  }
0x29b: {  	v54 =	vadd.s32 v8, v31;
	[tilespmem:v51+s14+$0x0] =	vst.idx.add.f32.msk $0xffff, v34  }
0x29c: {  	[tilespmem:v56+s14+$0x0] =	vst.idx.add.f32.msk $0xffff, v61;
	v33 =	vmul.f32 v47, v21  }
0x29d: {  	v55 =	vld [tilespmem:s26+$0x190];
	v29 =	vmul.f32 v29, v23  }
0x29e: {  	[tilespmem:v30+s14+$0x0] =	vst.idx.add.f32.msk $0xffff, v33;
	v30 =	vadd.s32 v6, v22;
	v32 =	vmul.f32 v32, v28  }
0x29f: {  	[tilespmem:v50+s14+$0x0] =	vst.idx.add.f32.msk $0xffff, v29;
	v29 =	vadd.s32 v6, v24  }
0x2a0: {  	[tilespmem:v54+s14+$0x0] =	vst.idx.add.f32.msk $0xffff, v32  }
0x2a1: {  	v58 =	vadd.s32 v6, v16;
	v59 =	vmul.f32 v52, v18;
	v60 =	vld [tilespmem:s26+$0x140]  }
0x2a2: {  	v57 =	vmul.f32 v49, v19;
	v49 =	vld [tilespmem:s26+$0xFFFFFE20]  }
0x2a3: {  	[tilespmem:v30+s14+$0x0] =	vst.idx.add.f32.msk $0xffff, v59;
	v30 =	vadd.s32 v9, v31  }
0x2a4: {  	[tilespmem:v29+s14+$0x0] =	vst.idx.add.f32.msk $0xffff, v57;
	v29 =	vmul.f32 v55, v14  }
0x2a5: {  	v45 =	vld [tilespmem:s26+$0xFFFFFFA0]  }
0x2a6: {  	[tilespmem:v58+s14+$0x0] =	vst.idx.add.f32.msk $0xffff, v29;
	v62 =	vmul.f32 v60, v28  }
0x2a7: {  	v29 =	vld [tilespmem:s26+$0xFFFFFEA0]  }
0x2a8: {  	[tilespmem:v30+s14+$0x0] =	vst.idx.add.f32.msk $0xffff, v62  }
0x2a9: {  	v55 =	vadd.s32 v7, v17;
	v30 =	vld [tilespmem:s26+$0x150]  }
0x2aa: {  	v44 =	vadd.s32 v7, v27;
	v63 =	vld [tilespmem:s26+$0xFFFFFF20]  }
0x2ab: {  	v47 =	vadd.s32 v10, v31;
	v46 =	vld [tilespmem:s26+$0x20]  }
0x2ac: {  	v38 =	vmul.f32 v49, v15;
	v52 =	vld [tilespmem:s26+$0x1A0]  }
0x2ad: {  	v48 =	vld [tilespmem:s26+$0xA0];
	v29 =	vmul.f32 v29, v23  }
0x2ae: {  	v51 =	vadd.s32 v7, v25;
	[tilespmem:v55+s14+$0x0] =	vst.idx.add.f32.msk $0xffff, v38;
	v30 =	vmul.f32 v30, v28  }
0x2af: {  	v50 =	vadd.s32 v7, v26;
	[tilespmem:v44+s14+$0x0] =	vst.idx.add.f32.msk $0xffff, v29  }
0x2b0: {  	v29 =	vadd.s32 v7, v24;
	[tilespmem:v47+s14+$0x0] =	vst.idx.add.f32.msk $0xffff, v30  }
0x2b1: {  	v30 =	vmul.f32 v45, v20;
	v36 =	vld [tilespmem:s26+$0x160]  }
0x2b2: {  	v56 =	vadd.s32 v7, v16;
	v53 =	vmul.f32 v63, v21;
	v38 =	vld [tilespmem:s26+$0xFFFFFE30]  }
0x2b3: {  	v35 =	vmul.f32 v46, v19;
	[tilespmem:v51+s14+$0x0] =	vst.idx.add.f32.msk $0xffff, v30;
	v30 =	vadd.s32 v11, v31  }
0x2b4: {  	[tilespmem:v50+s14+$0x0] =	vst.idx.add.f32.msk $0xffff, v53  }
0x2b5: {  	v54 =	vadd.s32 v7, v22;
	[tilespmem:v29+s14+$0x0] =	vst.idx.add.f32.msk $0xffff, v35;
	v29 =	vmul.f32 v52, v14  }
0x2b6: {  	v58 =	vld [tilespmem:s26+$0xFFFFFF30];
	v57 =	vmul.f32 v36, v28  }
0x2b7: {  	[tilespmem:v56+s14+$0x0] =	vst.idx.add.f32.msk $0xffff, v29  }
0x2b8: {  	v37 =	vmul.f32 v48, v18;
	[tilespmem:v30+s14+$0x0] =	vst.idx.add.f32.msk $0xffff, v57  }
0x2b9: {  	v29 =	vld [tilespmem:s26+$0x170]  }
0x2ba: {  	[tilespmem:v54+s14+$0x0] =	vst.idx.add.f32.msk $0xffff, v37  }
0x2bb: {  	v59 =	vadd.s32 v12, v31;
	v31 =	vshra.s32 v31, $0x3;
	v30 =	vld [tilespmem:s26+$0xFFFFFEB0]  }
0x2bc: {  	v37 =	vld [tilespmem:s26+$0xB0];
	v31 =	vadd.s32 v4, v31  }
0x2bd: {  	v44 =	vadd.s32 v8, v17;
	v35 =	vld [tilespmem:s26+$0x30]  }
0x2be: {  	v62 =	vadd.s32 v8, v26;
	v60 =	vld [tilespmem:s26+$0xFFFFFFB0];
	v29 =	vmul.f32 v29, v28  }
0x2bf: {  	v61 =	vadd.s32 v8, v27;
	v63 =	vadd.s32 v8, v25;
	v42 =	vld [tilespmem:s26+$0x1B0];
	v28 =	vmul.f32 v13, v28  }
0x2c0: {  	v46 =	vmul.f32 v38, v15;
	[tilespmem:v59+s14+$0x0] =	vst.idx.add.f32.msk $0xffff, v29;
	v29 =	vmul.f32 v30, v23  }
0x2c1: {  	v30 =	vadd.s32 v8, v24;
	[tilespmem:v31+s15+$0x0] =	vst.idx.add.f32.msk $0xffff, v28;
	v28 =	vmul.f32 v58, v21  }
0x2c2: {  	[tilespmem:v44+s14+$0x0] =	vst.idx.add.f32.msk $0xffff, v46;
	v31 =	vadd.s32 v8, v22  }
0x2c3: {  	v43 =	vmul.f32 v60, v20;
	[tilespmem:v62+s14+$0x0] =	vst.idx.add.f32.msk $0xffff, v28;
	v28 =	vadd.s32 v8, v16  }
0x2c4: {  	[tilespmem:v61+s14+$0x0] =	vst.idx.add.f32.msk $0xffff, v29;
	v29 =	vmul.f32 v35, v19  }
0x2c5: {  	v45 =	vmul.f32 v37, v18;
	[tilespmem:v63+s14+$0x0] =	vst.idx.add.f32.msk $0xffff, v43  }
0x2c6: {  	[tilespmem:v30+s14+$0x0] =	vst.idx.add.f32.msk $0xffff, v29;
	v29 =	vmul.f32 v42, v14  }
0x2c7: {  	[tilespmem:v31+s14+$0x0] =	vst.idx.add.f32.msk $0xffff, v45  }
0x2c8: {  	[tilespmem:v28+s14+$0x0] =	vst.idx.add.f32.msk $0xffff, v29  }
0x2c9: {  	v28 =	vld [tilespmem:s26+$0xFFFFFEC0]  }
0x2ca: {  	v29 =	vld [tilespmem:s26+$0xFFFFFF40]  }
0x2cb: {  	v30 =	vadd.s32 v9, v27;
	v31 =	vld [tilespmem:s26+$0xFFFFFFC0]  }
0x2cc: {  	v47 =	vadd.s32 v9, v26;
	v48 =	vld [tilespmem:s26+$0x40]  }
0x2cd: {  	v49 =	vadd.s32 v9, v25;
	v50 =	vld [tilespmem:s26+$0xFFFFFE40]  }
0x2ce: {  	v51 =	vadd.s32 v9, v24;
	v35 =	vld [tilespmem:s26+$0xC0];
	v28 =	vmul.f32 v28, v23  }
0x2cf: {  	v54 =	vadd.s32 v9, v17;
	v53 =	vld [tilespmem:s26+$0x1C0];
	v29 =	vmul.f32 v29, v21  }
0x2d0: {  	[tilespmem:v30+s14+$0x0] =	vst.idx.add.f32.msk $0xffff, v28;
	v28 =	vmul.f32 v31, v20  }
0x2d1: {  	v52 =	vadd.s32 v9, v22;
	[tilespmem:v47+s14+$0x0] =	vst.idx.add.f32.msk $0xffff, v29;
	v29 =	vmul.f32 v48, v19  }
0x2d2: {  	v31 =	vmul.f32 v50, v15;
	[tilespmem:v49+s14+$0x0] =	vst.idx.add.f32.msk $0xffff, v28  }
0x2d3: {  	v30 =	vadd.s32 v9, v16;
	[tilespmem:v51+s14+$0x0] =	vst.idx.add.f32.msk $0xffff, v29  }
0x2d4: {  	v28 =	vmul.f32 v35, v18;
	[tilespmem:v54+s14+$0x0] =	vst.idx.add.f32.msk $0xffff, v31  }
0x2d5: {  	v29 =	vld [tilespmem:s26+$0xFFFFFF50]  }
0x2d6: {  	[tilespmem:v52+s14+$0x0] =	vst.idx.add.f32.msk $0xffff, v28;
	v28 =	vmul.f32 v53, v14  }
0x2d7: {  	v56 =	vld [tilespmem:s26+$0x50]  }
0x2d8: {  	v55 =	vadd.s32 v10, v26;
	[tilespmem:v30+s14+$0x0] =	vst.idx.add.f32.msk $0xffff, v28  }
0x2d9: {  	v28 =	vld [tilespmem:s26+$0xFFFFFED0]  }
0x2da: {  	v60 =	vadd.s32 v10, v24;
	v31 =	vld [tilespmem:s26+$0xFFFFFFD0]  }
0x2db: {  	v59 =	vld [tilespmem:s26+$0xFFFFFE50];
	v30 =	vadd.s32 v10, v27;
	v29 =	vmul.f32 v29, v21  }
0x2dc: {  	v58 =	vld [tilespmem:s26+$0xD0]  }
0x2dd: {  	v57 =	vadd.s32 v10, v25;
	[tilespmem:v55+s14+$0x0] =	vst.idx.add.f32.msk $0xffff, v29;
	v29 =	vmul.f32 v56, v19  }
0x2de: {  	v62 =	vld [tilespmem:s26+$0x1D0];
	v28 =	vmul.f32 v28, v23  }
0x2df: {  	v61 =	vadd.s32 v10, v22;
	[tilespmem:v60+s14+$0x0] =	vst.idx.add.f32.msk $0xffff, v29  }
0x2e0: {  	v63 =	vadd.s32 v10, v17;
	[tilespmem:v30+s14+$0x0] =	vst.idx.add.f32.msk $0xffff, v28;
	v28 =	vmul.f32 v31, v20  }
0x2e1: {  	v29 =	vld [tilespmem:s26+$0xFFFFFF60];
	v30 =	vadd.s32 v10, v16  }
0x2e2: {  	[tilespmem:v57+s14+$0x0] =	vst.idx.add.f32.msk $0xffff, v28;
	v28 =	vmul.f32 v58, v18  }
0x2e3: {  	v45 =	vld [tilespmem:s26+$0x60];
	v31 =	vmul.f32 v59, v15  }
0x2e4: {  	v44 =	vadd.s32 v11, v26;
	[tilespmem:v61+s14+$0x0] =	vst.idx.add.f32.msk $0xffff, v28;
	v28 =	vmul.f32 v62, v14  }
0x2e5: {  	[tilespmem:v63+s14+$0x0] =	vst.idx.add.f32.msk $0xffff, v31  }
0x2e6: {  	v49 =	vadd.s32 v11, v24;
	[tilespmem:v30+s14+$0x0] =	vst.idx.add.f32.msk $0xffff, v28  }
0x2e7: {  	v29 =	vmul.f32 v29, v21;
	v28 =	vld [tilespmem:s26+$0xFFFFFEE0]  }
0x2e8: {  	v31 =	vld [tilespmem:s26+$0xFFFFFFE0]  }
0x2e9: {  	[tilespmem:v44+s14+$0x0] =	vst.idx.add.f32.msk $0xffff, v29;
	v29 =	vmul.f32 v45, v19;
	v30 =	vadd.s32 v11, v27  }
0x2ea: {  	v47 =	vld [tilespmem:s26+$0xE0]  }
0x2eb: {  	v46 =	vadd.s32 v11, v25;
	[tilespmem:v49+s14+$0x0] =	vst.idx.add.f32.msk $0xffff, v29  }
0x2ec: {  	v29 =	vld [tilespmem:s26+$0xFFFFFF70];
	v28 =	vmul.f32 v28, v23  }
0x2ed: {  	v50 =	vadd.s32 v11, v22;
	v51 =	vld [tilespmem:s26+$0x1E0]  }
0x2ee: {  	v54 =	vadd.s32 v12, v26;
	[tilespmem:v30+s14+$0x0] =	vst.idx.add.f32.msk $0xffff, v28;
	v28 =	vmul.f32 v31, v20  }
0x2ef: {  	v48 =	vld [tilespmem:s26+$0xFFFFFE60];
	v30 =	vadd.s32 v11, v16  }
0x2f0: {  	[tilespmem:v46+s14+$0x0] =	vst.idx.add.f32.msk $0xffff, v28;
	v28 =	vmul.f32 v47, v18  }
0x2f1: {  	v26 =	vshra.s32 v26, $0x3;
	v52 =	vadd.s32 v11, v17;
	v53 =	vld [tilespmem:s26+$0x70];
	v29 =	vmul.f32 v29, v21  }
0x2f2: {  	v26 =	vadd.s32 v4, v26;
	[tilespmem:v50+s14+$0x0] =	vst.idx.add.f32.msk $0xffff, v28;
	v28 =	vmul.f32 v51, v14  }
0x2f3: {  	[tilespmem:v54+s14+$0x0] =	vst.idx.add.f32.msk $0xffff, v29  }
0x2f4: {  	v31 =	vmul.f32 v48, v15;
	[tilespmem:v30+s14+$0x0] =	vst.idx.add.f32.msk $0xffff, v28  }
0x2f5: {  	v59 =	vadd.s32 v12, v24;
	v21 =	vmul.f32 v13, v21;
	v28 =	vld [tilespmem:s26+$0xFFFFFEF0]  }
0x2f6: {  	[tilespmem:v52+s14+$0x0] =	vst.idx.add.f32.msk $0xffff, v31  }
0x2f7: {  	[tilespmem:v26+s15+$0x0] =	vst.idx.add.f32.msk $0xffff, v21;
	v30 =	vadd.s32 v12, v27;
	v27 =	vshra.s32 v27, $0x3  }
0x2f8: {  	v26 =	vmul.f32 v53, v19;
	v31 =	vld [tilespmem:s26+$0xFFFFFFF0];
	v27 =	vadd.s32 v4, v27  }
0x2f9: {  	v56 =	vld [tilespmem:s26+$0xFFFFFE70]  }
0x2fa: {  	v57 =	vadd.s32 v12, v25;
	v25 =	vshra.s32 v25, $0x3;
	[tilespmem:v59+s14+$0x0] =	vst.idx.add.f32.msk $0xffff, v26;
	v28 =	vmul.f32 v28, v23  }
0x2fb: {  	v24 =	vshra.s32 v24, $0x3;
	v25 =	vadd.s32 v4, v25;
	v55 =	vld [tilespmem:s26+$0xF0];
	v23 =	vmul.f32 v13, v23  }
0x2fc: {  	v24 =	vadd.s32 v4, v24;
	[tilespmem:v30+s14+$0x0] =	vst.idx.add.f32.msk $0xffff, v28  }
0x2fd: {  	v60 =	vadd.s32 v12, v22;
	v22 =	vshra.s32 v22, $0x3;
	[tilespmem:v27+s15+$0x0] =	vst.idx.add.f32.msk $0xffff, v23;
	v27 =	vmul.f32 v31, v20  }
0x2fe: {  	v22 =	vadd.s32 v4, v22;
	v58 =	vld [tilespmem:s26+$0x1F0];
	v20 =	vmul.f32 v13, v20  }
0x2ff: {  	v19 =	vmul.f32 v13, v19;
	[tilespmem:v57+s14+$0x0] =	vst.idx.add.f32.msk $0xffff, v27;
	v27 =	vadd.s32 v12, v17;
	v17 =	vshra.s32 v17, $0x3  }
0x300: {  	[tilespmem:v25+s15+$0x0] =	vst.idx.add.f32.msk $0xffff, v20;
	v20 =	vmul.f32 v55, v18;
	v17 =	vadd.s32 v4, v17  }
0x301: {  	s29 =	simm.s32 $0x8;
	[tilespmem:v24+s15+$0x0] =	vst.idx.add.f32.msk $0xffff, v19;
	v19 =	vadd.s32 v12, v16;
	v16 =	vshra.s32 v16, $0x3;
	v18 =	vmul.f32 v13, v18  }
0x302: {  	s30 =	simm.s32 $0xF;
	v24 =	vmov s29;
	v16 =	vadd.s32 v4, v16;
	v61 =	vmul.f32 v56, v15;
	[tilespmem:v60+s14+$0x0] =	vst.idx.add.f32.msk $0xffff, v20  }
0x303: {  	s31 =	simm.s32 $0x9;
	v62 =	vmov s30;
	v15 =	vmul.f32 v13, v15;
	v20 =	vand.u32 $0xFFFFFFF8, v24;
	[tilespmem:v22+s15+$0x0] =	vst.idx.add.f32.msk $0xffff, v18  }
0x304: {  	s4 =	simm.s32 $0xA;
	v63 =	vmov s31;
	v18 =	vmul.f32 v58, v14;
	v20 =	vbroadcast v20, $0x0;
	[tilespmem:v27+s14+$0x0] =	vst.idx.add.f32.msk $0xffff, v61  }
0x305: {  	s6 =	simm.s32 $0xB;
	v22 =	vand.u32 $0xFFFFFFF9, v63;
	v14 =	vmul.f32 v13, v14;
	[tilespmem:v17+s15+$0x0] =	vst.idx.add.f32.msk $0xffff, v15;
	v15 =	vmov s4  }
0x306: {  	s29 =	simm.s32 $0xC;
	v24 =	vbroadcast v22, $0x0;
	[tilespmem:v19+s14+$0x0] =	vst.idx.add.f32.msk $0xffff, v18;
	v17 =	vmov s6;
	v15 =	vand.u32 $0xFFFFFFFA, v15  }
0x307: {  	s30 =	simm.s32 $0xD;
	v18 =	vmov s29;
	[tilespmem:v16+s15+$0x0] =	vst.idx.add.f32.msk $0xffff, v14;
	v17 =	vand.u32 $0xFFFFFFFB, v17;
	v25 =	vbroadcast v15, $0x0  }
0x308: {  	v19 =	vmov s30;
	v14 =	vld.idx.msk [tilespmem:v62+s18+$0x0], $0xffff;
	v18 =	vand.u32 $0xFFFFFFFC, v18;
	v28 =	vbroadcast v17, $0x0  }
0x309: {  	v16 =	vld.idx.msk [tilespmem:v62+s17+$0x0], $0xffff;
	v19 =	vand.u32 $0xFFFFFFFD, v19;
	v30 =	vbroadcast v18, $0x0  }
0x30a: {  	v31 =	vbroadcast v19, $0x0;
	v15 =	vld.idx.msk [tilespmem:v20+s18+$0x0], $0xffff  }
0x30b: {  	s31 =	simm.s32 $0xE;
	v17 =	vld.idx.msk [tilespmem:v20+s17+$0x0], $0xffff  }
0x30c: {  	s28 =	simm.s32 $0x10;
	v19 =	vmov s31;
	v18 =	vld.idx.msk [tilespmem:v24+s18+$0x0], $0xffff  }
.LBB2_15:
0x30d: {  	p0 =	slt.u32 s28, $0x68;
	v23 =	vld.idx.msk [tilespmem:v25+s18+$0x0], $0xffff;
	v19 =	vand.u32 $0xFFFFFFFE, v19  }
0x30e: {  	v21 =	vld.idx.msk [tilespmem:v28+s18+$0x0], $0xffff;
	v32 =	vbroadcast v19, $0x0  }
0x30f: {  	v20 =	vld.idx.msk [tilespmem:v30+s18+$0x0], $0xffff  }
0x310: {  	v19 =	vld.idx.msk [tilespmem:v31+s18+$0x0], $0xffff  }
0x311: {  	v27 =	vld.idx.msk [tilespmem:v24+s17+$0x0], $0xffff  }
0x312: {  	v26 =	vld.idx.msk [tilespmem:v25+s17+$0x0], $0xffff  }
0x313: {  	v25 =	vld.idx.msk [tilespmem:v28+s17+$0x0], $0xffff  }
0x314: {  	v29 =	vld.idx.msk [tilespmem:v32+s17+$0x0], $0xffff  }
0x315: {  	v24 =	vld.idx.msk [tilespmem:v30+s17+$0x0], $0xffff  }
0x316: {  	v22 =	vld.idx.msk [tilespmem:v31+s17+$0x0], $0xffff  }
0x317: {  	s26 =	sadd.s32 $0x400, s26;
	v28 =	vld.idx.msk [tilespmem:v32+s18+$0x0], $0xffff  }
0x318: {  	v30 =	vld [tilespmem:s26+$0x100]  }
0x319: {  	v31 =	vld [tilespmem:s26+$0xFFFFFE00]  }
0x31a: {  	v33 =	vadd.s32 v4, v29;
	v32 =	vld [tilespmem:s26+$0xFFFFFE80]  }
0x31b: {  	v34 =	vld [tilespmem:s26+$0xFFFFFF00]  }
0x31c: {  	v35 =	vld [tilespmem:s26+$0xFFFFFF80]  }
0x31d: {  	v36 =	vadd.s32 v4, v27;
	v37 =	vld [tilespmem:s26+$0x0];
	v30 =	vmul.f32 v30, v28  }
0x31e: {  	v38 =	vadd.s32 v4, v26;
	v31 =	vmul.f32 v31, v15;
	v39 =	vld [tilespmem:s26+$0x80]  }
0x31f: {  	v40 =	vadd.s32 v4, v25;
	v32 =	vmul.f32 v32, v18;
	[tilespmem:v33+s14+$0x0] =	vst.idx.add.f32.msk $0xffff, v30  }
0x320: {  	v33 =	vadd.s32 v4, v24;
	v30 =	vmul.f32 v34, v23;
	v34 =	vld [tilespmem:s26+$0x110]  }
0x321: {  	v41 =	vadd.s32 v4, v22;
	v35 =	vmul.f32 v35, v21;
	v42 =	vld [tilespmem:s26+$0x180]  }
0x322: {  	[tilespmem:v36+s14+$0x0] =	vst.idx.add.f32.msk $0xffff, v32;
	v32 =	vmul.f32 v37, v20;
	v36 =	vadd.s32 v6, v29  }
0x323: {  	[tilespmem:v38+s14+$0x0] =	vst.idx.add.f32.msk $0xffff, v30;
	v30 =	vmul.f32 v39, v19  }
0x324: {  	v37 =	vadd.s32 v4, v17;
	[tilespmem:v40+s14+$0x0] =	vst.idx.add.f32.msk $0xffff, v35  }
0x325: {  	[tilespmem:v33+s14+$0x0] =	vst.idx.add.f32.msk $0xffff, v32;
	v32 =	vmul.f32 v34, v28;
	v33 =	vadd.s32 v4, v16  }
0x326: {  	[tilespmem:v41+s14+$0x0] =	vst.idx.add.f32.msk $0xffff, v30;
	v30 =	vmul.f32 v42, v14  }
0x327: {  	[tilespmem:v36+s14+$0x0] =	vst.idx.add.f32.msk $0xffff, v32  }
0x328: {  	v32 =	vld [tilespmem:s26+$0x120]  }
0x329: {  	[tilespmem:v37+s14+$0x0] =	vst.idx.add.f32.msk $0xffff, v31  }
0x32a: {  	v31 =	vadd.s32 v7, v29;
	[tilespmem:v33+s14+$0x0] =	vst.idx.add.f32.msk $0xffff, v30  }
0x32b: {  	v30 =	vld [tilespmem:s26+$0xFFFFFE90]  }
0x32c: {  	v33 =	vld [tilespmem:s26+$0xFFFFFF10]  }
0x32d: {  	v34 =	vld [tilespmem:s26+$0xFFFFFF90];
	v32 =	vmul.f32 v32, v28  }
0x32e: {  	v35 =	vld [tilespmem:s26+$0x10]  }
0x32f: {  	v36 =	vadd.s32 v6, v27;
	[tilespmem:v31+s14+$0x0] =	vst.idx.add.f32.msk $0xffff, v32  }
0x330: {  	v31 =	vadd.s32 v6, v26;
	v30 =	vmul.f32 v30, v18;
	v32 =	vld [tilespmem:s26+$0x130]  }
0x331: {  	v37 =	vadd.s32 v6, v25;
	v33 =	vmul.f32 v33, v23;
	v38 =	vld [tilespmem:s26+$0x90]  }
0x332: {  	v40 =	vadd.s32 v8, v29;
	v39 =	vld [tilespmem:s26+$0xFFFFFE10];
	v34 =	vmul.f32 v34, v21  }
0x333: {  	v35 =	vmul.f32 v35, v20;
	v41 =	vld [tilespmem:s26+$0x190]  }
0x334: {  	[tilespmem:v36+s14+$0x0] =	vst.idx.add.f32.msk $0xffff, v30;
	v30 =	vadd.s32 v6, v24  }
0x335: {  	[tilespmem:v31+s14+$0x0] =	vst.idx.add.f32.msk $0xffff, v33;
	v31 =	vadd.s32 v6, v22;
	v32 =	vmul.f32 v32, v28  }
0x336: {  	v33 =	vadd.s32 v6, v17;
	[tilespmem:v37+s14+$0x0] =	vst.idx.add.f32.msk $0xffff, v34;
	v34 =	vmul.f32 v38, v19  }
0x337: {  	v36 =	vmul.f32 v39, v15;
	[tilespmem:v40+s14+$0x0] =	vst.idx.add.f32.msk $0xffff, v32;
	v32 =	vadd.s32 v6, v16  }
0x338: {  	v37 =	vld [tilespmem:s26+$0x140];
	v38 =	vmul.f32 v41, v14  }
0x339: {  	[tilespmem:v30+s14+$0x0] =	vst.idx.add.f32.msk $0xffff, v35  }
0x33a: {  	v30 =	vadd.s32 v9, v29;
	[tilespmem:v31+s14+$0x0] =	vst.idx.add.f32.msk $0xffff, v34  }
0x33b: {  	[tilespmem:v33+s14+$0x0] =	vst.idx.add.f32.msk $0xffff, v36  }
0x33c: {  	[tilespmem:v32+s14+$0x0] =	vst.idx.add.f32.msk $0xffff, v38  }
0x33d: {  	v31 =	vld [tilespmem:s26+$0xFFFFFEA0];
	v32 =	vmul.f32 v37, v28  }
0x33e: {  	v33 =	vld [tilespmem:s26+$0xFFFFFF20]  }
0x33f: {  	[tilespmem:v30+s14+$0x0] =	vst.idx.add.f32.msk $0xffff, v32  }
0x340: {  	v30 =	vld [tilespmem:s26+$0x150]  }
0x341: {  	v32 =	vadd.s32 v7, v27;
	v34 =	vld [tilespmem:s26+$0xFFFFFFA0]  }
0x342: {  	v36 =	vadd.s32 v10, v29;
	v31 =	vmul.f32 v31, v18;
	v35 =	vld [tilespmem:s26+$0x20]  }
0x343: {  	v33 =	vmul.f32 v33, v23;
	v37 =	vld [tilespmem:s26+$0xA0]  }
0x344: {  	v39 =	vadd.s32 v7, v26;
	v38 =	vld [tilespmem:s26+$0xFFFFFE20]  }
0x345: {  	v40 =	vadd.s32 v7, v25;
	v30 =	vmul.f32 v30, v28;
	v41 =	vld [tilespmem:s26+$0x1A0]  }
0x346: {  	[tilespmem:v32+s14+$0x0] =	vst.idx.add.f32.msk $0xffff, v31;
	v31 =	vmul.f32 v34, v21;
	v32 =	vadd.s32 v7, v24  }
0x347: {  	v34 =	vmul.f32 v35, v20;
	v35 =	vadd.s32 v7, v22;
	[tilespmem:v36+s14+$0x0] =	vst.idx.add.f32.msk $0xffff, v30  }
0x348: {  	v30 =	vadd.s32 v7, v17;
	v36 =	vmul.f32 v37, v19;
	v37 =	vld [tilespmem:s26+$0x160]  }
0x349: {  	v38 =	vmul.f32 v38, v15;
	[tilespmem:v39+s14+$0x0] =	vst.idx.add.f32.msk $0xffff, v33;
	v33 =	vadd.s32 v7, v16  }
0x34a: {  	[tilespmem:v40+s14+$0x0] =	vst.idx.add.f32.msk $0xffff, v31;
	v31 =	vadd.s32 v11, v29;
	v39 =	vmul.f32 v41, v14  }
0x34b: {  	[tilespmem:v32+s14+$0x0] =	vst.idx.add.f32.msk $0xffff, v34  }
0x34c: {  	[tilespmem:v35+s14+$0x0] =	vst.idx.add.f32.msk $0xffff, v36  }
0x34d: {  	[tilespmem:v30+s14+$0x0] =	vst.idx.add.f32.msk $0xffff, v38;
	v30 =	vmul.f32 v37, v28  }
0x34e: {  	[tilespmem:v33+s14+$0x0] =	vst.idx.add.f32.msk $0xffff, v39  }
0x34f: {  	[tilespmem:v31+s14+$0x0] =	vst.idx.add.f32.msk $0xffff, v30  }
0x350: {  	v30 =	vld [tilespmem:s26+$0x170]  }
0x351: {  	v31 =	vld [tilespmem:s26+$0xFFFFFEB0]  }
0x352: {  	v33 =	vadd.s32 v12, v29;
	v29 =	vshra.s32 v29, $0x3;
	v32 =	vld [tilespmem:s26+$0xFFFFFF30]  }
0x353: {  	v29 =	vadd.s32 v4, v29;
	v34 =	vld [tilespmem:s26+$0xFFFFFFB0]  }
0x354: {  	v35 =	vld [tilespmem:s26+$0x30]  }
0x355: {  	v36 =	vadd.s32 v8, v27;
	v37 =	vld [tilespmem:s26+$0xB0];
	v30 =	vmul.f32 v30, v28  }
0x356: {  	v39 =	vadd.s32 v8, v26;
	v28 =	vmul.f32 v13, v28;
	v38 =	vld [tilespmem:s26+$0xFFFFFE30];
	v31 =	vmul.f32 v31, v18  }
0x357: {  	v40 =	vadd.s32 v8, v25;
	v32 =	vmul.f32 v32, v23;
	[tilespmem:v33+s14+$0x0] =	vst.idx.add.f32.msk $0xffff, v30  }
0x358: {  	v33 =	vadd.s32 v8, v24;
	v30 =	vmul.f32 v34, v21;
	[tilespmem:v29+s15+$0x0] =	vst.idx.add.f32.msk $0xffff, v28  }
0x359: {  	v29 =	vadd.s32 v8, v22;
	v28 =	vmul.f32 v35, v20;
	v34 =	vld [tilespmem:s26+$0x1B0]  }
0x35a: {  	v35 =	vadd.s32 v8, v17;
	[tilespmem:v36+s14+$0x0] =	vst.idx.add.f32.msk $0xffff, v31;
	v31 =	vmul.f32 v37, v19  }
0x35b: {  	v36 =	vmul.f32 v38, v15;
	[tilespmem:v39+s14+$0x0] =	vst.idx.add.f32.msk $0xffff, v32;
	v32 =	vadd.s32 v8, v16  }
0x35c: {  	[tilespmem:v40+s14+$0x0] =	vst.idx.add.f32.msk $0xffff, v30  }
0x35d: {  	[tilespmem:v33+s14+$0x0] =	vst.idx.add.f32.msk $0xffff, v28  }
0x35e: {  	[tilespmem:v29+s14+$0x0] =	vst.idx.add.f32.msk $0xffff, v31;
	v28 =	vmul.f32 v34, v14  }
0x35f: {  	[tilespmem:v35+s14+$0x0] =	vst.idx.add.f32.msk $0xffff, v36  }
0x360: {  	[tilespmem:v32+s14+$0x0] =	vst.idx.add.f32.msk $0xffff, v28  }
0x361: {  	v28 =	vld [tilespmem:s26+$0xFFFFFEC0]  }
0x362: {  	v29 =	vld [tilespmem:s26+$0xFFFFFF40]  }
0x363: {  	v30 =	vadd.s32 v9, v27;
	v31 =	vld [tilespmem:s26+$0xFFFFFFC0]  }
0x364: {  	v32 =	vadd.s32 v9, v26;
	v33 =	vld [tilespmem:s26+$0x40]  }
0x365: {  	v34 =	vadd.s32 v9, v25;
	v35 =	vld [tilespmem:s26+$0xC0]  }
0x366: {  	v37 =	vadd.s32 v9, v24;
	v36 =	vld [tilespmem:s26+$0xFFFFFE40];
	v28 =	vmul.f32 v28, v18  }
0x367: {  	v38 =	vadd.s32 v9, v22;
	v29 =	vmul.f32 v29, v23;
	v39 =	vld [tilespmem:s26+$0x1C0]  }
0x368: {  	v40 =	vadd.s32 v9, v17;
	[tilespmem:v30+s14+$0x0] =	vst.idx.add.f32.msk $0xffff, v28;
	v28 =	vmul.f32 v31, v21  }
0x369: {  	v30 =	vadd.s32 v9, v16;
	[tilespmem:v32+s14+$0x0] =	vst.idx.add.f32.msk $0xffff, v29;
	v29 =	vmul.f32 v33, v20  }
0x36a: {  	[tilespmem:v34+s14+$0x0] =	vst.idx.add.f32.msk $0xffff, v28;
	v28 =	vmul.f32 v35, v19  }
0x36b: {  	v31 =	vmul.f32 v36, v15;
	[tilespmem:v37+s14+$0x0] =	vst.idx.add.f32.msk $0xffff, v29  }
0x36c: {  	[tilespmem:v38+s14+$0x0] =	vst.idx.add.f32.msk $0xffff, v28;
	v28 =	vmul.f32 v39, v14  }
0x36d: {  	[tilespmem:v40+s14+$0x0] =	vst.idx.add.f32.msk $0xffff, v31  }
0x36e: {  	[tilespmem:v30+s14+$0x0] =	vst.idx.add.f32.msk $0xffff, v28  }
0x36f: {  	v28 =	vld [tilespmem:s26+$0xFFFFFED0]  }
0x370: {  	v29 =	vld [tilespmem:s26+$0xFFFFFF50]  }
0x371: {  	v30 =	vadd.s32 v10, v27;
	v31 =	vld [tilespmem:s26+$0xFFFFFFD0]  }
0x372: {  	v32 =	vadd.s32 v10, v26;
	v33 =	vld [tilespmem:s26+$0x50]  }
0x373: {  	v34 =	vadd.s32 v10, v25;
	v35 =	vld [tilespmem:s26+$0xD0]  }
0x374: {  	v37 =	vadd.s32 v10, v24;
	v36 =	vld [tilespmem:s26+$0xFFFFFE50];
	v28 =	vmul.f32 v28, v18  }
0x375: {  	v38 =	vadd.s32 v10, v22;
	v29 =	vmul.f32 v29, v23;
	v39 =	vld [tilespmem:s26+$0x1D0]  }
0x376: {  	v40 =	vadd.s32 v10, v17;
	[tilespmem:v30+s14+$0x0] =	vst.idx.add.f32.msk $0xffff, v28;
	v28 =	vmul.f32 v31, v21  }
0x377: {  	v30 =	vadd.s32 v10, v16;
	[tilespmem:v32+s14+$0x0] =	vst.idx.add.f32.msk $0xffff, v29;
	v29 =	vmul.f32 v33, v20  }
0x378: {  	[tilespmem:v34+s14+$0x0] =	vst.idx.add.f32.msk $0xffff, v28;
	v28 =	vmul.f32 v35, v19  }
0x379: {  	v31 =	vmul.f32 v36, v15;
	[tilespmem:v37+s14+$0x0] =	vst.idx.add.f32.msk $0xffff, v29  }
0x37a: {  	[tilespmem:v38+s14+$0x0] =	vst.idx.add.f32.msk $0xffff, v28;
	v28 =	vmul.f32 v39, v14  }
0x37b: {  	[tilespmem:v40+s14+$0x0] =	vst.idx.add.f32.msk $0xffff, v31  }
0x37c: {  	[tilespmem:v30+s14+$0x0] =	vst.idx.add.f32.msk $0xffff, v28  }
0x37d: {  	v28 =	vld [tilespmem:s26+$0xFFFFFEE0]  }
0x37e: {  	v29 =	vld [tilespmem:s26+$0xFFFFFF60]  }
0x37f: {  	v30 =	vadd.s32 v11, v27;
	v31 =	vld [tilespmem:s26+$0xFFFFFFE0]  }
0x380: {  	v32 =	vadd.s32 v11, v26;
	v33 =	vld [tilespmem:s26+$0x60]  }
0x381: {  	v34 =	vadd.s32 v11, v25;
	v35 =	vld [tilespmem:s26+$0xE0]  }
0x382: {  	v37 =	vadd.s32 v11, v24;
	v36 =	vld [tilespmem:s26+$0xFFFFFE60];
	v28 =	vmul.f32 v28, v18  }
0x383: {  	v38 =	vadd.s32 v11, v22;
	v29 =	vmul.f32 v29, v23;
	v39 =	vld [tilespmem:s26+$0x1E0]  }
0x384: {  	v40 =	vadd.s32 v11, v17;
	[tilespmem:v30+s14+$0x0] =	vst.idx.add.f32.msk $0xffff, v28;
	v28 =	vmul.f32 v31, v21  }
0x385: {  	v30 =	vadd.s32 v11, v16;
	[tilespmem:v32+s14+$0x0] =	vst.idx.add.f32.msk $0xffff, v29;
	v29 =	vmul.f32 v33, v20  }
0x386: {  	[tilespmem:v34+s14+$0x0] =	vst.idx.add.f32.msk $0xffff, v28;
	v28 =	vmul.f32 v35, v19  }
0x387: {  	v31 =	vmul.f32 v36, v15;
	[tilespmem:v37+s14+$0x0] =	vst.idx.add.f32.msk $0xffff, v29  }
0x388: {  	[tilespmem:v38+s14+$0x0] =	vst.idx.add.f32.msk $0xffff, v28;
	v28 =	vmul.f32 v39, v14  }
0x389: {  	[tilespmem:v40+s14+$0x0] =	vst.idx.add.f32.msk $0xffff, v31  }
0x38a: {  	[tilespmem:v30+s14+$0x0] =	vst.idx.add.f32.msk $0xffff, v28  }
0x38b: {  	v28 =	vld [tilespmem:s26+$0xFFFFFEF0]  }
0x38c: {  	v29 =	vld [tilespmem:s26+$0xFFFFFF70]  }
0x38d: {  	v30 =	vadd.s32 v12, v27;
	v27 =	vshra.s32 v27, $0x3;
	v31 =	vld [tilespmem:s26+$0xFFFFFFF0]  }
0x38e: {  	v32 =	vmul.f32 v13, v18;
	v27 =	vadd.s32 v4, v27;
	v33 =	vld [tilespmem:s26+$0x70]  }
0x38f: {  	v34 =	vadd.s32 v12, v26;
	v26 =	vshra.s32 v26, $0x3;
	v35 =	vmul.f32 v13, v23;
	v36 =	vld [tilespmem:s26+$0xF0]  }
0x390: {  	v26 =	vadd.s32 v4, v26;
	v37 =	vld [tilespmem:s26+$0xFFFFFE70];
	v18 =	vmul.f32 v28, v18;
	v28 =	vmul.f32 v13, v21  }
0x391: {  	v23 =	vmul.f32 v29, v23;
	v29 =	vadd.s32 v12, v25;
	v25 =	vshra.s32 v25, $0x3;
	v38 =	vld [tilespmem:s26+$0x1F0]  }
0x392: {  	[tilespmem:v30+s14+$0x0] =	vst.idx.add.f32.msk $0xffff, v18;
	v18 =	vmul.f32 v31, v21;
	v21 =	vadd.s32 v4, v25  }
0x393: {  	v25 =	vadd.s32 v12, v24;
	v24 =	vshra.s32 v24, $0x3;
	[tilespmem:v27+s15+$0x0] =	vst.idx.add.f32.msk $0xffff, v32;
	v27 =	vmul.f32 v33, v20  }
0x394: {  	[tilespmem:v34+s14+$0x0] =	vst.idx.add.f32.msk $0xffff, v23;
	v23 =	vadd.s32 v4, v24;
	v24 =	vmul.f32 v36, v19  }
0x395: {  	v30 =	vmul.f32 v37, v15;
	[tilespmem:v26+s15+$0x0] =	vst.idx.add.f32.msk $0xffff, v35;
	v26 =	vadd.s32 v12, v22;
	v22 =	vshra.s32 v22, $0x3  }
0x396: {  	[tilespmem:v29+s14+$0x0] =	vst.idx.add.f32.msk $0xffff, v18;
	v18 =	vadd.s32 v4, v22;
	v22 =	vmul.f32 v38, v14  }
0x397: {  	v20 =	vmul.f32 v13, v20;
	v29 =	vadd.s32 v12, v17;
	v17 =	vshra.s32 v17, $0x3;
	[tilespmem:v21+s15+$0x0] =	vst.idx.add.f32.msk $0xffff, v28  }
0x398: {  	v17 =	vadd.s32 v4, v17;
	[tilespmem:v25+s14+$0x0] =	vst.idx.add.f32.msk $0xffff, v27  }
0x399: {  	v19 =	vmul.f32 v13, v19;
	[tilespmem:v23+s15+$0x0] =	vst.idx.add.f32.msk $0xffff, v20;
	v20 =	vadd.s32 v12, v16;
	v16 =	vshra.s32 v16, $0x3  }
0x39a: {  	s0 =	sadd.s32 $0x7, s28;
	v21 =	vmov s28;
	[tilespmem:v26+s14+$0x0] =	vst.idx.add.f32.msk $0xffff, v24;
	v16 =	vadd.s32 v4, v16  }
0x39b: {  	s3 =	sadd.s32 $0x1, s28;
	v15 =	vmul.f32 v13, v15;
	v21 =	vand.u32 $0xFFFFFFF8, v21;
	v23 =	vmov s0;
	[tilespmem:v18+s15+$0x0] =	vst.idx.add.f32.msk $0xffff, v19  }
0x39c: {  	s0 =	sadd.s32 $0x2, s28;
	v18 =	vbroadcast v21, $0x0;
	v19 =	vmov s3;
	[tilespmem:v29+s14+$0x0] =	vst.idx.add.f32.msk $0xffff, v30  }
0x39d: {  	v14 =	vmul.f32 v13, v14;
	v21 =	vmov s0;
	s0 =	sadd.s32 $0x3, s28;
	v19 =	vand.u32 $0xFFFFFFF9, v19;
	[tilespmem:v17+s15+$0x0] =	vst.idx.add.f32.msk $0xffff, v15  }
0x39e: {  	v24 =	vbroadcast v19, $0x0;
	v15 =	vand.u32 $0xFFFFFFFA, v21;
	v17 =	vmov s0;
	s0 =	sadd.s32 $0x4, s28;
	[tilespmem:v20+s14+$0x0] =	vst.idx.add.f32.msk $0xffff, v22  }
0x39f: {  	v25 =	vbroadcast v15, $0x0;
	v15 =	vand.u32 $0xFFFFFFFB, v17;
	v17 =	vmov s0;
	s0 =	sadd.s32 $0x5, s28;
	[tilespmem:v16+s15+$0x0] =	vst.idx.add.f32.msk $0xffff, v14  }
.Ltmp9:
0x3a0: {  	v28 =	vbroadcast v15, $0x0;
	v15 =	vand.u32 $0xFFFFFFFC, v17;
	v16 =	vmov s0;
	v14 =	vld.idx.msk [tilespmem:v23+s18+$0x0], $0xffff;
	(pc) =	sbr.rel @p0 .LBB2_15-.Ltmp9, $4  }
0x3a1: {  	v30 =	vbroadcast v15, $0x0;
	v17 =	vand.u32 $0xFFFFFFFD, v16;
	v16 =	vld.idx.msk [tilespmem:v23+s17+$0x0], $0xffff  }
0x3a2: {  	v31 =	vbroadcast v17, $0x0;
	v15 =	vld.idx.msk [tilespmem:v18+s18+$0x0], $0xffff  }
0x3a3: {  	s0 =	sadd.s32 $0x6, s28;
	v17 =	vld.idx.msk [tilespmem:v18+s17+$0x0], $0xffff  }
0x3a4: {  	s28 =	sadd.s32 $0x8, s28;
	v19 =	vmov s0;
	v18 =	vld.idx.msk [tilespmem:v24+s18+$0x0], $0xffff  }
0x3a5: {  	_ =	sdelay $0x3  }
0x3a6: {  	v22 =	vld.idx.msk [tilespmem:v25+s18+$0x0], $0xffff  }
0x3a7: {  	v21 =	vld.idx.msk [tilespmem:v28+s18+$0x0], $0xffff  }
0x3a8: {  	v20 =	vld.idx.msk [tilespmem:v30+s18+$0x0], $0xffff  }
0x3a9: {  	v27 =	vld.idx.msk [tilespmem:v24+s17+$0x0], $0xffff  }
0x3aa: {  	v26 =	vld.idx.msk [tilespmem:v25+s17+$0x0], $0xffff  }
0x3ab: {  	v25 =	vld.idx.msk [tilespmem:v28+s17+$0x0], $0xffff  }
0x3ac: {  	v24 =	vld.idx.msk [tilespmem:v30+s17+$0x0], $0xffff  }
0x3ad: {  	v19 =	vand.u32 $0xFFFFFFFE, v19;
	v23 =	vld.idx.msk [tilespmem:v31+s17+$0x0], $0xffff  }
0x3ae: {  	s26 =	sadd.s32 $0x400, s26;
	v29 =	vbroadcast v19, $0x0;
	v19 =	vld.idx.msk [tilespmem:v31+s18+$0x0], $0xffff  }
0x3af: {  	v61 =	vld [tilespmem:s26+$0x100]  }
0x3b0: {  	v62 =	vld [tilespmem:s26+$0xFFFFFE00]  }
0x3b1: {  	v32 =	vld [tilespmem:s26+$0xFFFFFE80]  }
0x3b2: {  	v34 =	vld [tilespmem:s26+$0xFFFFFF00]  }
0x3b3: {  	v42 =	vld [tilespmem:s26+$0x180]  }
0x3b4: {  	v35 =	vld [tilespmem:s26+$0xFFFFFF80];
	v49 =	vadd.s32 v4, v17  }
0x3b5: {  	v37 =	vld [tilespmem:s26+$0x0];
	v51 =	vadd.s32 v4, v16  }
0x3b6: {  	v39 =	vld [tilespmem:s26+$0x80]  }
0x3b7: {  	v31 =	vmul.f32 v62, v15;
	v28 =	vld.idx.msk [tilespmem:v29+s17+$0x0], $0xffff  }
0x3b8: {  	v36 =	vadd.s32 v4, v27;
	v52 =	vmul.f32 v42, v14;
	v29 =	vld.idx.msk [tilespmem:v29+s18+$0x0], $0xffff  }
0x3b9: {  	v38 =	vadd.s32 v4, v26;
	[tilespmem:v49+s14+$0x0] =	vst.idx.add.f32.msk $0xffff, v31  }
0x3ba: {  	v40 =	vadd.s32 v4, v25;
	[tilespmem:v51+s14+$0x0] =	vst.idx.add.f32.msk $0xffff, v52  }
0x3bb: {  	v45 =	vadd.s32 v4, v24;
	v63 =	vmul.f32 v32, v18;
	v62 =	vld [tilespmem:s26+$0xFFFFFE10]  }
0x3bc: {  	v41 =	vadd.s32 v4, v23;
	v34 =	vmul.f32 v34, v22;
	v44 =	vld [tilespmem:s26+$0x190]  }
0x3bd: {  	v35 =	vmul.f32 v35, v21;
	[tilespmem:v36+s14+$0x0] =	vst.idx.add.f32.msk $0xffff, v63  }
0x3be: {  	v47 =	vmul.f32 v37, v20;
	[tilespmem:v38+s14+$0x0] =	vst.idx.add.f32.msk $0xffff, v34  }
0x3bf: {  	v48 =	vmul.f32 v39, v19;
	[tilespmem:v40+s14+$0x0] =	vst.idx.add.f32.msk $0xffff, v35  }
0x3c0: {  	[tilespmem:v45+s14+$0x0] =	vst.idx.add.f32.msk $0xffff, v47  }
0x3c1: {  	[tilespmem:v41+s14+$0x0] =	vst.idx.add.f32.msk $0xffff, v48  }
0x3c2: {  	v54 =	vld [tilespmem:s26+$0xFFFFFE90];
	v33 =	vadd.s32 v4, v28  }
0x3c3: {  	v56 =	vld [tilespmem:s26+$0xFFFFFF90]  }
0x3c4: {  	v47 =	vadd.s32 v6, v17;
	v57 =	vld [tilespmem:s26+$0x10]  }
0x3c5: {  	v60 =	vadd.s32 v6, v25;
	v55 =	vld [tilespmem:s26+$0xFFFFFF10];
	v30 =	vmul.f32 v61, v29  }
0x3c6: {  	v45 =	vadd.s32 v6, v24;
	v61 =	vld [tilespmem:s26+$0x90]  }
0x3c7: {  	v58 =	vadd.s32 v6, v27;
	v52 =	vmul.f32 v62, v15;
	[tilespmem:v33+s14+$0x0] =	vst.idx.add.f32.msk $0xffff, v30  }
0x3c8: {  	v34 =	vmul.f32 v56, v21;
	v33 =	vld [tilespmem:s26+$0x110]  }
0x3c9: {  	v48 =	vmul.f32 v57, v20;
	[tilespmem:v47+s14+$0x0] =	vst.idx.add.f32.msk $0xffff, v52  }
0x3ca: {  	v46 =	vadd.s32 v6, v28;
	v30 =	vmul.f32 v54, v18;
	[tilespmem:v60+s14+$0x0] =	vst.idx.add.f32.msk $0xffff, v34  }
0x3cb: {  	v59 =	vadd.s32 v6, v26;
	[tilespmem:v45+s14+$0x0] =	vst.idx.add.f32.msk $0xffff, v48  }
0x3cc: {  	[tilespmem:v58+s14+$0x0] =	vst.idx.add.f32.msk $0xffff, v30  }
0x3cd: {  	v60 =	vld [tilespmem:s26+$0x20];
	v50 =	vmul.f32 v33, v29  }
0x3ce: {  	v33 =	vmul.f32 v55, v22;
	v55 =	vld [tilespmem:s26+$0xFFFFFEA0]  }
0x3cf: {  	v47 =	vadd.s32 v7, v24;
	[tilespmem:v46+s14+$0x0] =	vst.idx.add.f32.msk $0xffff, v50  }
0x3d0: {  	[tilespmem:v59+s14+$0x0] =	vst.idx.add.f32.msk $0xffff, v33  }
0x3d1: {  	v46 =	vadd.s32 v6, v23;
	v59 =	vld [tilespmem:s26+$0xFFFFFFA0]  }
0x3d2: {  	v58 =	vadd.s32 v7, v27;
	v35 =	vmul.f32 v60, v20;
	v32 =	vld [tilespmem:s26+$0x120]  }
0x3d3: {  	v57 =	vld [tilespmem:s26+$0xFFFFFF20]  }
0x3d4: {  	v50 =	vmul.f32 v61, v19;
	[tilespmem:v47+s14+$0x0] =	vst.idx.add.f32.msk $0xffff, v35  }
0x3d5: {  	v53 =	vadd.s32 v7, v28;
	v35 =	vld [tilespmem:s26+$0x30];
	v30 =	vmul.f32 v55, v18  }
0x3d6: {  	[tilespmem:v46+s14+$0x0] =	vst.idx.add.f32.msk $0xffff, v50  }
0x3d7: {  	v49 =	vadd.s32 v6, v16;
	[tilespmem:v58+s14+$0x0] =	vst.idx.add.f32.msk $0xffff, v30  }
0x3d8: {  	v45 =	vadd.s32 v7, v25;
	v32 =	vmul.f32 v32, v29;
	v62 =	vld [tilespmem:s26+$0xA0]  }
0x3d9: {  	v48 =	vmul.f32 v57, v22;
	v57 =	vld [tilespmem:s26+$0xFFFFFEB0]  }
0x3da: {  	[tilespmem:v53+s14+$0x0] =	vst.idx.add.f32.msk $0xffff, v32;
	v53 =	vmul.f32 v44, v14;
	v44 =	vadd.s32 v7, v26  }
0x3db: {  	v50 =	vmul.f32 v59, v21;
	v32 =	vld [tilespmem:s26+$0x130]  }
0x3dc: {  	[tilespmem:v49+s14+$0x0] =	vst.idx.add.f32.msk $0xffff, v53;
	v49 =	vadd.s32 v7, v23  }
0x3dd: {  	v63 =	vadd.s32 v8, v28;
	[tilespmem:v45+s14+$0x0] =	vst.idx.add.f32.msk $0xffff, v50  }
0x3de: {  	v60 =	vld [tilespmem:s26+$0xFFFFFFB0]  }
0x3df: {  	v37 =	vmul.f32 v62, v19;
	[tilespmem:v44+s14+$0x0] =	vst.idx.add.f32.msk $0xffff, v48  }
0x3e0: {  	v32 =	vmul.f32 v32, v29;
	v58 =	vld [tilespmem:s26+$0xFFFFFF30]  }
0x3e1: {  	v42 =	vadd.s32 v8, v24;
	[tilespmem:v49+s14+$0x0] =	vst.idx.add.f32.msk $0xffff, v37  }
0x3e2: {  	[tilespmem:v63+s14+$0x0] =	vst.idx.add.f32.msk $0xffff, v32  }
0x3e3: {  	v37 =	vld [tilespmem:s26+$0xB0]  }
0x3e4: {  	v62 =	vadd.s32 v8, v26;
	v48 =	vmul.f32 v35, v20;
	v51 =	vld [tilespmem:s26+$0x140]  }
0x3e5: {  	v46 =	vld [tilespmem:s26+$0x1A0];
	v44 =	vadd.s32 v8, v23  }
0x3e6: {  	v54 =	vadd.s32 v9, v28;
	[tilespmem:v42+s14+$0x0] =	vst.idx.add.f32.msk $0xffff, v48  }
0x3e7: {  	v63 =	vld [tilespmem:s26+$0xFFFFFE20];
	v43 =	vmul.f32 v58, v22  }
0x3e8: {  	v58 =	vld [tilespmem:s26+$0x40];
	v50 =	vmul.f32 v37, v19  }
0x3e9: {  	v52 =	vadd.s32 v7, v16;
	[tilespmem:v62+s14+$0x0] =	vst.idx.add.f32.msk $0xffff, v43;
	v56 =	vmul.f32 v51, v29  }
0x3ea: {  	v51 =	vadd.s32 v7, v17;
	[tilespmem:v44+s14+$0x0] =	vst.idx.add.f32.msk $0xffff, v50  }
0x3eb: {  	[tilespmem:v54+s14+$0x0] =	vst.idx.add.f32.msk $0xffff, v56  }
0x3ec: {  	v54 =	vmul.f32 v46, v14;
	v35 =	vld [tilespmem:s26+$0xC0]  }
0x3ed: {  	v38 =	vmul.f32 v63, v15;
	v63 =	vadd.s32 v8, v25;
	v31 =	vld [tilespmem:s26+$0x150]  }
0x3ee: {  	[tilespmem:v52+s14+$0x0] =	vst.idx.add.f32.msk $0xffff, v54  }
0x3ef: {  	v62 =	vadd.s32 v9, v23;
	[tilespmem:v51+s14+$0x0] =	vst.idx.add.f32.msk $0xffff, v38  }
0x3f0: {  	v61 =	vadd.s32 v10, v28;
	v46 =	vmul.f32 v60, v21;
	v45 =	vld [tilespmem:s26+$0x1B0]  }
0x3f1: {  	v38 =	vld [tilespmem:s26+$0xFFFFFE30]  }
0x3f2: {  	v49 =	vadd.s32 v8, v16;
	[tilespmem:v63+s14+$0x0] =	vst.idx.add.f32.msk $0xffff, v46;
	v48 =	vmul.f32 v35, v19  }
0x3f3: {  	v47 =	vadd.s32 v8, v17;
	v54 =	vld [tilespmem:s26+$0xFFFFFF40];
	v31 =	vmul.f32 v31, v29  }
0x3f4: {  	[tilespmem:v62+s14+$0x0] =	vst.idx.add.f32.msk $0xffff, v48  }
0x3f5: {  	[tilespmem:v61+s14+$0x0] =	vst.idx.add.f32.msk $0xffff, v31;
	v52 =	vmul.f32 v45, v14  }
0x3f6: {  	v61 =	vadd.s32 v8, v27;
	v36 =	vld [tilespmem:s26+$0x160];
	v51 =	vmul.f32 v38, v15  }
0x3f7: {  	[tilespmem:v49+s14+$0x0] =	vst.idx.add.f32.msk $0xffff, v52  }
0x3f8: {  	v53 =	vadd.s32 v11, v28;
	[tilespmem:v47+s14+$0x0] =	vst.idx.add.f32.msk $0xffff, v51  }
0x3f9: {  	v41 =	vmul.f32 v57, v18;
	v63 =	vld [tilespmem:s26+$0x1C0]  }
0x3fa: {  	v60 =	vld [tilespmem:s26+$0xFFFFFE40]  }
0x3fb: {  	[tilespmem:v61+s14+$0x0] =	vst.idx.add.f32.msk $0xffff, v41;
	v61 =	vadd.s32 v9, v24;
	v55 =	vmul.f32 v36, v29  }
0x3fc: {  	v46 =	vmul.f32 v58, v20;
	v58 =	vld [tilespmem:s26+$0xD0];
	v47 =	vadd.s32 v9, v16  }
0x3fd: {  	v44 =	vadd.s32 v9, v17;
	[tilespmem:v53+s14+$0x0] =	vst.idx.add.f32.msk $0xffff, v55  }
0x3fe: {  	v56 =	vld [tilespmem:s26+$0x170]  }
0x3ff: {  	v53 =	vld [tilespmem:s26+$0xFFFFFEC0];
	v50 =	vmul.f32 v63, v14  }
0x400: {  	v59 =	vadd.s32 v12, v28;
	v28 =	vshra.s32 v28, $0x3;
	v49 =	vmul.f32 v60, v15;
	[tilespmem:v61+s14+$0x0] =	vst.idx.add.f32.msk $0xffff, v46  }
0x401: {  	v28 =	vadd.s32 v4, v28;
	[tilespmem:v47+s14+$0x0] =	vst.idx.add.f32.msk $0xffff, v50  }
0x402: {  	v61 =	vadd.s32 v10, v23;
	[tilespmem:v44+s14+$0x0] =	vst.idx.add.f32.msk $0xffff, v49  }
0x403: {  	v55 =	vadd.s32 v9, v27;
	v62 =	vld [tilespmem:s26+$0x1D0];
	v30 =	vmul.f32 v56, v29  }
0x404: {  	v57 =	vadd.s32 v9, v26;
	v29 =	vmul.f32 v13, v29;
	v56 =	vld [tilespmem:s26+$0xFFFFFFC0]  }
0x405: {  	v46 =	vmul.f32 v58, v19;
	[tilespmem:v59+s14+$0x0] =	vst.idx.add.f32.msk $0xffff, v30  }
0x406: {  	[tilespmem:v28+s15+$0x0] =	vst.idx.add.f32.msk $0xffff, v29;
	v28 =	vmul.f32 v53, v18  }
0x407: {  	[tilespmem:v61+s14+$0x0] =	vst.idx.add.f32.msk $0xffff, v46;
	v29 =	vmul.f32 v54, v22  }
0x408: {  	v59 =	vadd.s32 v9, v25;
	[tilespmem:v55+s14+$0x0] =	vst.idx.add.f32.msk $0xffff, v28  }
0x409: {  	[tilespmem:v57+s14+$0x0] =	vst.idx.add.f32.msk $0xffff, v29  }
0x40a: {  	v45 =	vmul.f32 v56, v21;
	v56 =	vld [tilespmem:s26+$0x50]  }
0x40b: {  	v51 =	vld [tilespmem:s26+$0xFFFFFED0]  }
0x40c: {  	v60 =	vadd.s32 v10, v24;
	v52 =	vld [tilespmem:s26+$0xFFFFFF50]  }
0x40d: {  	[tilespmem:v59+s14+$0x0] =	vst.idx.add.f32.msk $0xffff, v45;
	v45 =	vadd.s32 v10, v16  }
0x40e: {  	v53 =	vadd.s32 v10, v27;
	v59 =	vld [tilespmem:s26+$0xFFFFFE50]  }
0x40f: {  	v55 =	vadd.s32 v10, v26;
	v54 =	vld [tilespmem:s26+$0xFFFFFFD0];
	v44 =	vmul.f32 v56, v20  }
0x410: {  	v48 =	vmul.f32 v62, v14;
	v56 =	vld [tilespmem:s26+$0xE0]  }
0x411: {  	v28 =	vmul.f32 v51, v18;
	[tilespmem:v60+s14+$0x0] =	vst.idx.add.f32.msk $0xffff, v44  }
0x412: {  	v63 =	vadd.s32 v10, v17;
	v29 =	vmul.f32 v52, v22;
	[tilespmem:v45+s14+$0x0] =	vst.idx.add.f32.msk $0xffff, v48  }
0x413: {  	[tilespmem:v53+s14+$0x0] =	vst.idx.add.f32.msk $0xffff, v28  }
0x414: {  	[tilespmem:v55+s14+$0x0] =	vst.idx.add.f32.msk $0xffff, v29  }
0x415: {  	v57 =	vadd.s32 v10, v25;
	v47 =	vmul.f32 v59, v15;
	v43 =	vmul.f32 v54, v21;
	v54 =	vld [tilespmem:s26+$0x60]  }
0x416: {  	v60 =	vld [tilespmem:s26+$0x1E0]  }
0x417: {  	[tilespmem:v63+s14+$0x0] =	vst.idx.add.f32.msk $0xffff, v47  }
0x418: {  	v59 =	vadd.s32 v11, v23;
	v49 =	vld [tilespmem:s26+$0xFFFFFEE0]  }
0x419: {  	v50 =	vld [tilespmem:s26+$0xFFFFFF60]  }
0x41a: {  	v58 =	vadd.s32 v11, v24;
	[tilespmem:v57+s14+$0x0] =	vst.idx.add.f32.msk $0xffff, v43  }
0x41b: {  	v33 =	vadd.s32 v11, v16;
	v57 =	vld [tilespmem:s26+$0xFFFFFE60];
	v35 =	vmul.f32 v56, v19  }
0x41c: {  	v51 =	vadd.s32 v11, v27;
	v52 =	vld [tilespmem:s26+$0xFFFFFFE0]  }
0x41d: {  	v53 =	vadd.s32 v11, v26;
	[tilespmem:v59+s14+$0x0] =	vst.idx.add.f32.msk $0xffff, v35;
	v63 =	vmul.f32 v54, v20  }
0x41e: {  	v39 =	vmul.f32 v60, v14;
	v47 =	vld [tilespmem:s26+$0xF0]  }
0x41f: {  	v28 =	vmul.f32 v49, v18;
	[tilespmem:v58+s14+$0x0] =	vst.idx.add.f32.msk $0xffff, v63  }
0x420: {  	v61 =	vadd.s32 v11, v17;
	v29 =	vmul.f32 v50, v22;
	[tilespmem:v33+s14+$0x0] =	vst.idx.add.f32.msk $0xffff, v39  }
0x421: {  	[tilespmem:v51+s14+$0x0] =	vst.idx.add.f32.msk $0xffff, v28  }
0x422: {  	[tilespmem:v53+s14+$0x0] =	vst.idx.add.f32.msk $0xffff, v29  }
0x423: {  	v55 =	vadd.s32 v11, v25;
	v36 =	vmul.f32 v57, v15;
	v45 =	vld [tilespmem:s26+$0x70]  }
0x424: {  	v51 =	vld [tilespmem:s26+$0x1F0]  }
0x425: {  	[tilespmem:v61+s14+$0x0] =	vst.idx.add.f32.msk $0xffff, v36  }
0x426: {  	v54 =	vadd.s32 v12, v23;
	v23 =	vshra.s32 v23, $0x3;
	v62 =	vmul.f32 v52, v21;
	v41 =	vld [tilespmem:s26+$0xFFFFFEF0]  }
0x427: {  	v23 =	vadd.s32 v4, v23;
	v42 =	vld [tilespmem:s26+$0xFFFFFF70]  }
0x428: {  	v52 =	vadd.s32 v12, v24;
	[tilespmem:v55+s14+$0x0] =	vst.idx.add.f32.msk $0xffff, v62  }
0x429: {  	v60 =	vadd.s32 v12, v16;
	v48 =	vld [tilespmem:s26+$0xFFFFFE70];
	v58 =	vmul.f32 v47, v19  }
0x42a: {  	v43 =	vadd.s32 v12, v27;
	v59 =	vmul.f32 v13, v19;
	v44 =	vld [tilespmem:s26+$0xFFFFFFF0]  }
0x42b: {  	v46 =	vadd.s32 v12, v26;
	v24 =	vshra.s32 v24, $0x3;
	[tilespmem:v54+s14+$0x0] =	vst.idx.add.f32.msk $0xffff, v58;
	v55 =	vmul.f32 v45, v20  }
0x42c: {  	v24 =	vadd.s32 v4, v24;
	v61 =	vshra.s32 v16, $0x3;
	[tilespmem:v23+s15+$0x0] =	vst.idx.add.f32.msk $0xffff, v59;
	v63 =	vmul.f32 v51, v14  }
0x42d: {  	v27 =	vshra.s32 v27, $0x3;
	v16 =	vadd.s32 v4, v61;
	v28 =	vmul.f32 v41, v18;
	[tilespmem:v52+s14+$0x0] =	vst.idx.add.f32.msk $0xffff, v55  }
0x42e: {  	v26 =	vshra.s32 v26, $0x3;
	v27 =	vadd.s32 v4, v27;
	v29 =	vmul.f32 v42, v22;
	[tilespmem:v60+s14+$0x0] =	vst.idx.add.f32.msk $0xffff, v63  }
0x42f: {  	v26 =	vadd.s32 v4, v26;
	v20 =	vmul.f32 v13, v20;
	[tilespmem:v43+s14+$0x0] =	vst.idx.add.f32.msk $0xffff, v28  }
0x430: {  	v56 =	vadd.s32 v12, v17;
	v14 =	vmul.f32 v13, v14;
	[tilespmem:v46+s14+$0x0] =	vst.idx.add.f32.msk $0xffff, v29  }
0x431: {  	v49 =	vmul.f32 v13, v18;
	v50 =	vadd.s32 v12, v25;
	v57 =	vshra.s32 v17, $0x3;
	[tilespmem:v24+s15+$0x0] =	vst.idx.add.f32.msk $0xffff, v20  }
0x432: {  	v25 =	vshra.s32 v25, $0x3;
	v17 =	vadd.s32 v4, v57;
	v22 =	vmul.f32 v13, v22;
	[tilespmem:v16+s15+$0x0] =	vst.idx.add.f32.msk $0xffff, v14  }
0x433: {  	v25 =	vadd.s32 v4, v25;
	v62 =	vmul.f32 v48, v15;
	[tilespmem:v27+s15+$0x0] =	vst.idx.add.f32.msk $0xffff, v49  }
.Ltmp10:
0x434: {  	v53 =	vmul.f32 v44, v21;
	[tilespmem:v26+s15+$0x0] =	vst.idx.add.f32.msk $0xffff, v22;
	(pc) =	sbr.rel .LBB2_17-.Ltmp10, $4  }
0x435: {  	v15 =	vmul.f32 v13, v15;
	[tilespmem:v56+s14+$0x0] =	vst.idx.add.f32.msk $0xffff, v62  }
0x436: {  	v21 =	vmul.f32 v13, v21;
	[tilespmem:v50+s14+$0x0] =	vst.idx.add.f32.msk $0xffff, v53  }
0x437: {  	[tilespmem:v17+s15+$0x0] =	vst.idx.add.f32.msk $0xffff, v15  }
0x438: {  	[tilespmem:v25+s15+$0x0] =	vst.idx.add.f32.msk $0xffff, v21  }
.LBB2_18:
0x439: {  	s0 =	simm.s32 $0x0  }
0x43a: {  	v14 =	vmov s0  }
0x43b: {  	v14 =	vand.u32 $0xFFFFFFF0, v14  }
0x43c: {  	v14 =	vbroadcast v14, $0x0;
	_ =	sdelay $0x5  }
0x43d: {  	v14 =	vld.idx.msk [tilespmem:v14+s15+$0x0], $0xffff;
	_ =	sdelay $0x4  }
0x43e: {  	vm0 =	vgt.f32 v14, $0.0e+00  }
0x43f: {  	v14 =	vnsel vm0, $0x3F800000, v14  }
0x440: {  	(erf) = vrcp.f32 v14;
	_ =	sdelay $0x2  }
0x441: {  	s20 =	simm.s32 $0x72C0  }
0x442: {  	v16 =	vld [tilespmem:s20+$0xFFFFFFF0]  }
0x443: {  	v14 =	vld [tilespmem:s20+$0xFFFFFFD0]  }
0x444: {  	v17 =	vld [tilespmem:s20+$0xFFFFFFC0]  }
0x445: {  	v20 =	vld [tilespmem:s20+$0x10]  }
0x446: {  	v18 =	vld [tilespmem:s20+$0xFFFFFFE0]  }
0x447: {  	v21 =	vld [tilespmem:s20+$0x0];
	v15 =	vpop (erf)  }
0x448: {  	v19 =	vmul.f32 v15, v14;
	v14 =	vld [tilespmem:s20+$0x30]  }
0x449: {  	v23 =	vmul.f32 v15, v17;
	v17 =	vmul.f32 v16, v15;
	v16 =	vld [tilespmem:s20+$0x20];
	_ =	sdelay $0x2  }
0x44a: {  	s31 =	simm.s32 $0x10;
	v18 =	vmul.f32 v18, v15  }
0x44b: {  	s21 =	simm.s32 $0x20;
	v22 =	vmov s31;
	v21 =	vmul.f32 v21, v15;
	v20 =	vmul.f32 v20, v15;
	[tilespmem:s20+$0xFFFFFFC0] =	vst v23  }
.LBB2_19:
0x44c: {  	p0 =	sne.s32 s21, $0x1F0;
	v22 =	vand.u32 $0xFFFFFFF0, v22;
	[tilespmem:s20+$0xFFFFFFD0] =	vst v19;
	v16 =	vmul.f32 v16, v15;
	v14 =	vmul.f32 v14, v15  }
0x44d: {  	v15 =	vbroadcast v22, $0x0;
	[tilespmem:s20+$0xFFFFFFE0] =	vst v18  }
0x44e: {  	[tilespmem:s20+$0xFFFFFFF0] =	vst v17  }
0x44f: {  	[tilespmem:s20+$0x0] =	vst v21  }
0x450: {  	[tilespmem:s20+$0x10] =	vst v20  }
0x451: {  	[tilespmem:s20+$0x20] =	vst v16  }
0x452: {  	[tilespmem:s20+$0x30] =	vst v14  }
0x453: {  	v14 =	vld.idx.msk [tilespmem:v15+s15+$0x0], $0xffff;
	_ =	sdelay $0x5  }
0x454: {  	vm0 =	vgt.f32 v14, $0.0e+00  }
0x455: {  	v14 =	vnsel vm0, $0x3F800000, v14  }
0x456: {  	s20 =	sadd.s32 $0x80, s20;
	(erf) = vrcp.f32 v14  }
0x457: {  	v17 =	vld [tilespmem:s20+$0xFFFFFFF0]  }
0x458: {  	v14 =	vld [tilespmem:s20+$0x30]  }
0x459: {  	v20 =	vld [tilespmem:s20+$0x10]  }
0x45a: {  	v18 =	vld [tilespmem:s20+$0xFFFFFFD0]  }
0x45b: {  	v19 =	vld [tilespmem:s20+$0xFFFFFFC0]  }
0x45c: {  	v21 =	vld [tilespmem:s20+$0xFFFFFFE0]  }
0x45d: {  	v23 =	vld [tilespmem:s20+$0x0]  }
.Ltmp11:
0x45e: {  	v16 =	vld [tilespmem:s20+$0x20];
	(pc) =	sbr.rel @p0 .LBB2_19-.Ltmp11, $4  }
0x45f: {  	v15 =	vpop (erf)  }
0x460: {  	v24 =	vmul.f32 v15, v19;
	v19 =	vmul.f32 v15, v18  }
0x461: {  	v17 =	vmul.f32 v17, v15;
	v18 =	vmul.f32 v21, v15  }
0x462: {  	v22 =	vmov s21;
	s21 =	sadd.s32 $0x10, s21;
	v20 =	vmul.f32 v20, v15;
	[tilespmem:s20+$0xFFFFFFC0] =	vst v24;
	v21 =	vmul.f32 v23, v15  }
0x463: {  	v22 =	vand.u32 $0xFFFFFFF0, v22;
	[tilespmem:s20+$0xFFFFFFD0] =	vst v19  }
0x464: {  	[tilespmem:s20+$0xFFFFFFE0] =	vst v18;
	v59 =	vbroadcast v22, $0x0  }
0x465: {  	[tilespmem:s20+$0xFFFFFFF0] =	vst v17  }
0x466: {  	v16 =	vmul.f32 v16, v15;
	[tilespmem:s20+$0x0] =	vst v21  }
0x467: {  	v14 =	vmul.f32 v14, v15;
	[tilespmem:s20+$0x10] =	vst v20  }
0x468: {  	[tilespmem:s20+$0x20] =	vst v16  }
0x469: {  	[tilespmem:s20+$0x30] =	vst v14  }
0x46a: {  	v14 =	vld.idx.msk [tilespmem:v59+s15+$0x0], $0xffff;
	_ =	sdelay $0x4  }
0x46b: {  	vm0 =	vgt.f32 v14, $0.0e+00  }
0x46c: {  	v14 =	vnsel vm0, $0x3F800000, v14  }
0x46d: {  	(erf) = vrcp.f32 v14;
	_ =	sdelay $0x3  }
0x46e: {  	s0 =	sadd.s32 $0x80, s20  }
0x46f: {  	v14 =	vld [tilespmem:s0+$0xFFFFFFC0]  }
0x470: {  	v15 =	vld [tilespmem:s0+$0xFFFFFFD0]  }
0x471: {  	v60 =	vld [tilespmem:s0+$0xFFFFFFE0]  }
0x472: {  	v20 =	vld [tilespmem:s0+$0x10]  }
0x473: {  	v17 =	vld [tilespmem:s0+$0xFFFFFFF0];
	v61 =	vpop (erf)  }
0x474: {  	v18 =	vld [tilespmem:s0+$0x0];
	v14 =	vmul.f32 v61, v14  }
0x475: {  	v21 =	vld [tilespmem:s0+$0x20];
	v15 =	vmul.f32 v61, v15  }
0x476: {  	v62 =	vld [tilespmem:s0+$0x30];
	v16 =	vmul.f32 v60, v61;
	[tilespmem:s0+$0xFFFFFFC0] =	vst v14  }
0x477: {  	v63 =	vmul.f32 v20, v61;
	[tilespmem:s0+$0xFFFFFFD0] =	vst v15  }
0x478: {  	v14 =	vmul.f32 v17, v61;
	[tilespmem:s0+$0xFFFFFFE0] =	vst v16  }
0x479: {  	v15 =	vmul.f32 v18, v61;
	[tilespmem:s0+$0x10] =	vst v63  }
0x47a: {  	[tilespmem:s0+$0xFFFFFFF0] =	vst v14;
	v14 =	vmul.f32 v21, v61  }
0x47b: {  	s19 =	sadd.s32 $0x1, s19;
	[tilespmem:s0+$0x0] =	vst v15;
	v15 =	vmul.f32 v62, v61  }
0x47c: {  	p0 =	sne.s32 s19, s8;
	[tilespmem:s0+$0x20] =	vst v14  }
.Ltmp12:
0x47d: {  	s20 =	simm.s32 $0x0;
	[tilespmem:s0+$0x30] =	vst v15;
	(pc) =	sbr.rel @p0 .LBB2_1-.Ltmp12, $4  }
0x47e: {  	[hbm4b:s7+s20] =	stream.linear.scatter [tilespmem:s14], [sflag:$0x3], $0x1000, $0x38;
	[tilespmem:$0x8480] =	vst v63  }
0x47f: {  	_ =	swait.ge [sflag:s10], $0x1000  }
0x480: {  	[sflag:s10] =	ssyncset.done $0x0  }
0x481: {  	[sflag:s10] =	ssyncadd.s32 $0xFFFFF000  }
0x482: {  	_ =	sfence.sel $0x180000  }
0x483: {  	[bflag:$0x0] =	sbarrier.arrive $0xFFFF  }
0x484: {  	_ =	strace $0x90000047  }
0x485: {  	s0 =	stileid.u32;
	[bflag:$0x2] =	sbarrier.arrive $0xFFFF  }
0x486: {  	p0 =	sne.s32 s0, $0x0;
	s0 =	rddreg [dreg:$0x4]  }
0x487: {  	s0 =	sadd.s32 @!p0 $0x100000, s0  }
0x488: {  	[sflag:s0] =	ssyncadd.tile.s32 @!p0 $0x1;
	_ =	shalt  }
.Lfunc_end2:
_tile_overlayer_lowered:
.L_overlay_start_2:
0x489: {  	(tag) =	ssettag $0x2  }
0x48a: {  	s0 =	rddreg [dreg:$0x0];
	s2 =	stileid.u32  }
0x48b: {  	s1 =	rddreg [dreg:$0x1];
	p0 =	sne.s32 s2, $0x0  }
0x48c: {  	s3 =	rddreg [dreg:$0x2];
	[bflag:$0x3] =	sbarrier.arrive $0xFFFF;
	s2 =	simm.s32 @!p0 $0x1C03  }
0x48d: {  	[timem:s3], [sflag:s2] =	dma.local @!p0 [hbm:s0], s1  }
0x48e: {  	s0 =	simm.s32 @!p0 $0x3  }
0x48f: {  	_ =	swait.ge @!p0 [sflag:s0], s1  }
0x490: {  	s1 =	ssub.s32 @!p0 $0x0, s1;
	[sflag:s0] =	ssyncset.done @!p0 $0x0  }
0x491: {  	[sflag:s0] =	ssyncadd.s32 @!p0 s1  }
0x492: {  	[bflag:$0x3] =	sbarrier.arrive $0xFFFF  }
0x493: {  	_ =	shalt  }

</sc_bundles>
